<compile_context>
chip_gen: v7x
topology: tpu7x:2x2x1
jax: 0.10.2.dev20260603
libtpu: 0.0.44.dev20260713+nightly
codegen_flags: <defaults>
</compile_context>

<pallas_src>
import functools

import jax
import jax.numpy as jnp
from jax import lax
from jax.experimental import pallas as pl
from jax.experimental.pallas import tpu as pltpu
from jax.experimental.pallas import tpu_sc as plsc

B = 16384
D = 16
L = 16
NC = 2
NS = 16
NW = NC * NS
BPW = B // NW
TL = 128
G = 8
RING = G * TL


def _mf_body(ui_hbm, ii_hbm, ue_hbm, ie_hbm, out_hbm,
             uidx_v, iidx_v, ua, ub, ia, ib, prod_v, out_v,
             uasem, ubsem, iasem, ibsem):
    wid = lax.axis_index("s") * NC + lax.axis_index("c")
    base = wid * BPW

    pltpu.sync_copy(ui_hbm.at[pl.ds(base, BPW)], uidx_v)
    pltpu.sync_copy(ii_hbm.at[pl.ds(base, BPW)], iidx_v)

    lane = lax.iota(jnp.int32, L)
    lane16 = lane * D

    def issue_half(uvec, ivec, lo, uring, iring, us, isem_):
        for j in range(G):
            uc = pl.multiple_of((uvec[lo + j] // TL) * TL, TL)
            ic = pl.multiple_of((ivec[lo + j] // TL) * TL, TL)
            pltpu.async_copy(ue_hbm.at[:, pl.ds(uc, TL)],
                             uring.at[:, pl.ds(j * TL, TL)], us)
            pltpu.async_copy(ie_hbm.at[:, pl.ds(ic, TL)],
                             iring.at[:, pl.ds(j * TL, TL)], isem_)

    def drain_half(uring, iring, us, isem_):
        pltpu.make_async_copy(ue_hbm.at[:, pl.ds(0, RING)], uring, us).wait()
        pltpu.make_async_copy(ie_hbm.at[:, pl.ds(0, RING)], iring, isem_).wait()

    def process_half(uvec, ivec, lo, uring, iring, pbase):
        for j in range(G):
            ucc = jnp.full((L,), j * TL, jnp.int32) + uvec[lo + j] % TL
            icc = jnp.full((L,), j * TL, jnp.int32) + ivec[lo + j] % TL
            ucol = plsc.load_gather(uring, [lane, ucc])
            icol = plsc.load_gather(iring, [lane, icc])
            prod_v[pl.ds(pbase + j * D, D)] = ucol * icol

    def block(p, _):
        s = p * L
        uvec = uidx_v[pl.ds(s, L)]
        ivec = iidx_v[pl.ds(s, L)]
        issue_half(uvec, ivec, 0, ua, ia, uasem, iasem)
        issue_half(uvec, ivec, G, ub, ib, ubsem, ibsem)
        drain_half(ua, ia, uasem, iasem)
        process_half(uvec, ivec, 0, ua, ia, 0)
        drain_half(ub, ib, ubsem, ibsem)
        process_half(uvec, ivec, G, ub, ib, G * D)
        acc = plsc.load_gather(prod_v, [lane16])
        for d in range(1, D):
            acc = acc + plsc.load_gather(prod_v, [lane16 + d])
        out_v[pl.ds(s, L)] = acc
        return 0

    lax.fori_loop(0, BPW // L, block, 0)

    pltpu.sync_copy(out_v, out_hbm.at[pl.ds(base, BPW)])


@functools.partial(
    pl.kernel,
    out_type=jax.ShapeDtypeStruct((B,), jnp.float32),
    mesh=plsc.VectorSubcoreMesh(core_axis_name="c", subcore_axis_name="s"),
    compiler_params=pltpu.CompilerParams(
        needs_layout_passes=False, use_tc_tiling_on_sc=True
    ),
    scratch_types=[
        pltpu.VMEM((BPW,), jnp.int32),
        pltpu.VMEM((BPW,), jnp.int32),
        pltpu.VMEM((D, RING), jnp.float32),
        pltpu.VMEM((D, RING), jnp.float32),
        pltpu.VMEM((D, RING), jnp.float32),
        pltpu.VMEM((D, RING), jnp.float32),
        pltpu.VMEM((L * D,), jnp.float32),
        pltpu.VMEM((BPW,), jnp.float32),
        pltpu.SemaphoreType.DMA,
        pltpu.SemaphoreType.DMA,
        pltpu.SemaphoreType.DMA,
        pltpu.SemaphoreType.DMA,
    ],
)
def _mf_kernel(*refs):
    _mf_body(*refs)


def kernel(user_indices, item_indices, user_embedding, item_embedding):
    return _mf_kernel(user_indices, item_indices,
                      user_embedding.T, item_embedding.T)

# --- scband reference (transcript-rebuilt; emitter-appended) ---
"""Pipeline reference for scband-mf-49581102465709 (READ-ONLY COPY).

The authoritative reference and input builder live on the scoring server;
editing this copy changes nothing except your own understanding.
"""

import jax, jax.numpy as jnp
import numpy as np

NUM_USERS = 1000000
NUM_ITEMS = 1000000
LATENT_DIM = 16
BATCH = 16384

def setup_inputs(seed: int = 0) -> dict:
    key = jax.random.key(seed)
    k1, k2, k3, k4 = jax.random.split(key, 4)
    user_indices = jax.random.randint(k1, (BATCH,), 0, NUM_USERS, dtype=jnp.int64 if jax.config.jax_enable_x64 else jnp.int32).astype(jnp.int32)
    item_indices = jax.random.randint(k2, (BATCH,), 0, NUM_ITEMS, dtype=jnp.int64 if jax.config.jax_enable_x64 else jnp.int32).astype(jnp.int32)
    user_embedding = jax.random.normal(k3, (NUM_USERS, LATENT_DIM), dtype=jnp.float32)
    item_embedding = jax.random.normal(k4, (NUM_ITEMS, LATENT_DIM), dtype=jnp.float32)
    return {
        "user_indices": user_indices,
        "item_indices": item_indices,
        "user_embedding": user_embedding,
        "item_embedding": item_embedding,
    }

def reference(user_indices, item_indices, user_embedding, item_embedding):
    # Faithful translation of MF.forward: embedding lookups + elementwise mul + sum over latent dim.
    user_vec = jnp.take(user_embedding, user_indices, axis=0)
    item_vec = jnp.take(item_embedding, item_indices, axis=0)
    dot = jnp.sum(user_vec * item_vec, axis=1)
    return dot

if __name__ == "__main__":
    import jax
    _d = setup_inputs()
    print(jax.jit(kernel)(*tuple(_d.values())))

</pallas_src>

<mosaic_0001>
#map = affine_map<(d0, d1) -> (0)>
#map1 = affine_map<(d0, d1) -> (0, 0)>
module attributes {stable_mosaic.version = 14 : i64} {
  func.func @_mf_kernel(%arg0: i32, %arg1: i32, %arg2: memref<16384xi32, #tpu.memory_space<hbm>>, %arg3: memref<16384xi32, #tpu.memory_space<hbm>>, %arg4: memref<16x1000000xf32, #tpu.memory_space<hbm>>, %arg5: memref<16x1000000xf32, #tpu.memory_space<hbm>>, %arg6: memref<16384xf32, #tpu.memory_space<hbm>>, %arg7: memref<512xi32, #tpu.memory_space<vmem>>, %arg8: memref<512xi32, #tpu.memory_space<vmem>>, %arg9: memref<16x1024xf32, #tpu.memory_space<vmem>>, %arg10: memref<16x1024xf32, #tpu.memory_space<vmem>>, %arg11: memref<16x1024xf32, #tpu.memory_space<vmem>>, %arg12: memref<16x1024xf32, #tpu.memory_space<vmem>>, %arg13: memref<256xf32, #tpu.memory_space<vmem>>, %arg14: memref<512xf32, #tpu.memory_space<vmem>>, %arg15: memref<!tpu.dma_semaphore, #tpu.memory_space<semaphore_mem>>, %arg16: memref<!tpu.dma_semaphore, #tpu.memory_space<semaphore_mem>>, %arg17: memref<!tpu.dma_semaphore, #tpu.memory_space<semaphore_mem>>, %arg18: memref<!tpu.dma_semaphore, #tpu.memory_space<semaphore_mem>>) attributes {dimension_semantics = [#tpu.dimension_semantics<core_parallel>, #tpu.dimension_semantics<subcore_parallel>], iteration_bounds = array<i64: 2, 16>, scalar_prefetch = 0 : i64, scratch_operands = 12 : i64, tpu.core_type = #tpu.core_type<sc_vector_subcore>, window_params = [{transform_indices = #map}, {transform_indices = #map}, {transform_indices = #map1}, {transform_indices = #map1}, {transform_indices = #map}]} {
    %mul3A = arith.constant 2 : i32
    %mul3A_0 = arith.muli %arg1, %mul3A : i32
    %add3A = arith.addi %mul3A_0, %arg0 : i32
    %mul3A_1 = arith.constant 512 : i32
    %mul3A_2 = arith.muli %add3A, %mul3A_1 : i32
    "tpu.region"() ({
      %run_scoped3A = tpu.sem_alloc : memref<!tpu.dma_semaphore, #tpu.memory_space<semaphore_mem>>
      %dma_start3A = tpu.memref_slice %arg2[%mul3A_2] : memref<16384xi32, #tpu.memory_space<hbm>> -> memref<512xi32, #tpu.memory_space<hbm>>
      %dma_start3A_12 = tpu.memref_slice %arg2[%mul3A_2] : memref<16384xi32, #tpu.memory_space<hbm>> -> memref<512xi32, #tpu.memory_space<hbm>>
      tpu.enqueue_dma source(%dma_start3A_12 : memref<512xi32, #tpu.memory_space<hbm>>) target(%arg7 : memref<512xi32, #tpu.memory_space<vmem>>) target_semaphore(%run_scoped3A : memref<!tpu.dma_semaphore, #tpu.memory_space<semaphore_mem>>)
      %dma_wait3A = tpu.memref_slice %arg2[%mul3A_2] : memref<16384xi32, #tpu.memory_space<hbm>> -> memref<512xi32, #tpu.memory_space<hbm>>
      %dma_wait3A_13 = tpu.memref_slice %arg2[%mul3A_2] : memref<16384xi32, #tpu.memory_space<hbm>> -> memref<512xi32, #tpu.memory_space<hbm>>
      tpu.wait_dma2 semaphore(%run_scoped3A : memref<!tpu.dma_semaphore, #tpu.memory_space<semaphore_mem>>) src(%dma_wait3A_13 : memref<512xi32, #tpu.memory_space<hbm>>) dst(%arg7 : memref<512xi32, #tpu.memory_space<vmem>>)
      tpu.yield
    }) : () -> ()
    "tpu.region"() ({
      %run_scoped3A = tpu.sem_alloc : memref<!tpu.dma_semaphore, #tpu.memory_space<semaphore_mem>>
      %dma_start3A = tpu.memref_slice %arg3[%mul3A_2] : memref<16384xi32, #tpu.memory_space<hbm>> -> memref<512xi32, #tpu.memory_space<hbm>>
      %dma_start3A_12 = tpu.memref_slice %arg3[%mul3A_2] : memref<16384xi32, #tpu.memory_space<hbm>> -> memref<512xi32, #tpu.memory_space<hbm>>
      tpu.enqueue_dma source(%dma_start3A_12 : memref<512xi32, #tpu.memory_space<hbm>>) target(%arg8 : memref<512xi32, #tpu.memory_space<vmem>>) target_semaphore(%run_scoped3A : memref<!tpu.dma_semaphore, #tpu.memory_space<semaphore_mem>>)
      %dma_wait3A = tpu.memref_slice %arg3[%mul3A_2] : memref<16384xi32, #tpu.memory_space<hbm>> -> memref<512xi32, #tpu.memory_space<hbm>>
      %dma_wait3A_13 = tpu.memref_slice %arg3[%mul3A_2] : memref<16384xi32, #tpu.memory_space<hbm>> -> memref<512xi32, #tpu.memory_space<hbm>>
      tpu.wait_dma2 semaphore(%run_scoped3A : memref<!tpu.dma_semaphore, #tpu.memory_space<semaphore_mem>>) src(%dma_wait3A_13 : memref<512xi32, #tpu.memory_space<hbm>>) dst(%arg8 : memref<512xi32, #tpu.memory_space<vmem>>)
      tpu.yield
    }) : () -> ()
    %iota3A = tpu.iota {dimensions = array<i32: 0>} : vector<16xi32>
    %mul3A_3 = arith.constant 16 : i32
    %mul3A_4 = vector.broadcast %mul3A_3 : i32 to vector<16xi32>
    %mul3A_5 = arith.muli %iota3A, %mul3A_4 : vector<16xi32>
    %scan3A = arith.constant 0 : i32
    %scan3A_6 = arith.constant 0 : i32
    %scan3A_7 = arith.constant 32 : i32
    %scan3A_8 = arith.addi %scan3A_6, %scan3A_7 : i32
    %scan3A_9 = arith.constant 1 : i32
    %scan3A_10 = scf.for %scan3A_12 = %scan3A_6 to %scan3A_8 step %scan3A_9 iter_args(%scan3A_13 = %scan3A) -> (i32)  : i32 {
      %mul3A_14 = arith.constant 16 : i32
      %mul3A_15 = arith.muli %scan3A_12, %mul3A_14 : i32
      %get3A = arith.index_cast %mul3A_15 : i32 to index
      %get3A_16 = tpu.vector_load %arg7[%get3A] {strides = array<i32>} : memref<512xi32, #tpu.memory_space<vmem>>, vector<16xi32>,
      %get3A_17 = arith.index_cast %mul3A_15 : i32 to index
      %get3A_18 = tpu.vector_load %arg8[%get3A_17] {strides = array<i32>} : memref<512xi32, #tpu.memory_space<vmem>>, vector<16xi32>,
      %slice3A = vector.extract_strided_slice %get3A_16 {offsets = [0], sizes = [1], strides = [1]} : vector<16xi32> to vector<1xi32>
      %squeeze3A = vector.extract %slice3A[0] : i32 from vector<1xi32>
      %jit3A = arith.constant 128 : i32
      %div3A = arith.divsi %squeeze3A, %jit3A : i32
      %sign3A = arith.constant 0 : i32
      %sign3A_19 = arith.cmpi sgt, %squeeze3A, %sign3A : i32
      %sign3A_20 = arith.extui %sign3A_19 : i1 to i32
      %sign3A_21 = arith.constant 0 : i32
      %sign3A_22 = arith.cmpi slt, %squeeze3A, %sign3A_21 : i32
      %sign3A_23 = arith.extui %sign3A_22 : i1 to i32
      %sign3A_24 = arith.subi %sign3A_20, %sign3A_23 : i32
      %sign3A_25 = arith.constant 0 : i32
      %sign3A_26 = arith.cmpi sgt, %jit3A, %sign3A_25 : i32
      %sign3A_27 = arith.extui %sign3A_26 : i1 to i32
      %sign3A_28 = arith.constant 0 : i32
      %sign3A_29 = arith.cmpi slt, %jit3A, %sign3A_28 : i32
      %sign3A_30 = arith.extui %sign3A_29 : i1 to i32
      %sign3A_31 = arith.subi %sign3A_27, %sign3A_30 : i32
      %ne3A = arith.cmpi ne, %sign3A_24, %sign3A_31 : i32
      %rem3A = arith.remsi %squeeze3A, %jit3A : i32
      %ne3A_32 = arith.constant 0 : i32
      %ne3A_33 = arith.cmpi ne, %rem3A, %ne3A_32 : i32
      %and3A = arith.andi %ne3A, %ne3A_33 : i1
      %sub3A = arith.constant 1 : i32
      %sub3A_34 = arith.subi %div3A, %sub3A : i32
      %select_n3A = arith.select %and3A, %sub3A_34, %div3A : i32
      %mul3A_35 = arith.constant 128 : i32
      %mul3A_36 = arith.muli %select_n3A, %mul3A_35 : i32
      %multiple_of3A = tpu.assume_multiple %mul3A_36, 128 : i32
      %slice3A_37 = vector.extract_strided_slice %get3A_18 {offsets = [0], sizes = [1], strides = [1]} : vector<16xi32> to vector<1xi32>
      %squeeze3A_38 = vector.extract %slice3A_37[0] : i32 from vector<1xi32>
      %jit3A_39 = arith.constant 128 : i32
      %div3A_40 = arith.divsi %squeeze3A_38, %jit3A_39 : i32
      %sign3A_41 = arith.constant 0 : i32
      %sign3A_42 = arith.cmpi sgt, %squeeze3A_38, %sign3A_41 : i32
      %sign3A_43 = arith.extui %sign3A_42 : i1 to i32
      %sign3A_44 = arith.constant 0 : i32
      %sign3A_45 = arith.cmpi slt, %squeeze3A_38, %sign3A_44 : i32
      %sign3A_46 = arith.extui %sign3A_45 : i1 to i32
      %sign3A_47 = arith.subi %sign3A_43, %sign3A_46 : i32
      %sign3A_48 = arith.constant 0 : i32
      %sign3A_49 = arith.cmpi sgt, %jit3A_39, %sign3A_48 : i32
      %sign3A_50 = arith.extui %sign3A_49 : i1 to i32
      %sign3A_51 = arith.constant 0 : i32
      %sign3A_52 = arith.cmpi slt, %jit3A_39, %sign3A_51 : i32
      %sign3A_53 = arith.extui %sign3A_52 : i1 to i32
      %sign3A_54 = arith.subi %sign3A_50, %sign3A_53 : i32
      %ne3A_55 = arith.cmpi ne, %sign3A_47, %sign3A_54 : i32
      %rem3A_56 = arith.remsi %squeeze3A_38, %jit3A_39 : i32
      %ne3A_57 = arith.constant 0 : i32
      %ne3A_58 = arith.cmpi ne, %rem3A_56, %ne3A_57 : i32
      %and3A_59 = arith.andi %ne3A_55, %ne3A_58 : i1
      %sub3A_60 = arith.constant 1 : i32
      %sub3A_61 = arith.subi %div3A_40, %sub3A_60 : i32
      %select_n3A_62 = arith.select %and3A_59, %sub3A_61, %div3A_40 : i32
      %mul3A_63 = arith.constant 128 : i32
      %mul3A_64 = arith.muli %select_n3A_62, %mul3A_63 : i32
      %multiple_of3A_65 = tpu.assume_multiple %mul3A_64, 128 : i32
      %dma_start3A = arith.constant 0 : i32
      %dma_start3A_66 = arith.constant 0 : i32
      %dma_start3A_67 = tpu.memref_slice %arg9[%dma_start3A, %dma_start3A_66] : memref<16x1024xf32, #tpu.memory_space<vmem>> -> memref<16x128xf32, #tpu.memory_space<vmem>>
      %dma_start3A_68 = arith.constant 0 : i32
      %dma_start3A_69 = tpu.memref_slice %arg4[%dma_start3A_68, %multiple_of3A] : memref<16x1000000xf32, #tpu.memory_space<hbm>> -> memref<16x128xf32, #tpu.memory_space<hbm>>
      %dma_start3A_70 = arith.constant 0 : i32
      %dma_start3A_71 = arith.constant 0 : i32
      %dma_start3A_72 = tpu.memref_slice %arg9[%dma_start3A_70, %dma_start3A_71] : memref<16x1024xf32, #tpu.memory_space<vmem>> -> memref<16x128xf32, #tpu.memory_space<vmem>>
      %dma_start3A_73 = arith.constant 0 : i32
      %dma_start3A_74 = tpu.memref_slice %arg4[%dma_start3A_73, %multiple_of3A] : memref<16x1000000xf32, #tpu.memory_space<hbm>> -> memref<16x128xf32, #tpu.memory_space<hbm>>
      tpu.enqueue_dma source(%dma_start3A_74 : memref<16x128xf32, #tpu.memory_space<hbm>>) target(%dma_start3A_72 : memref<16x128xf32, #tpu.memory_space<vmem>>) target_semaphore(%arg15 : memref<!tpu.dma_semaphore, #tpu.memory_space<semaphore_mem>>)
      %dma_start3A_75 = arith.constant 0 : i32
      %dma_start3A_76 = arith.constant 0 : i32
      %dma_start3A_77 = tpu.memref_slice %arg11[%dma_start3A_75, %dma_start3A_76] : memref<16x1024xf32, #tpu.memory_space<vmem>> -> memref<16x128xf32, #tpu.memory_space<vmem>>
      %dma_start3A_78 = arith.constant 0 : i32
      %dma_start3A_79 = tpu.memref_slice %arg5[%dma_start3A_78, %multiple_of3A_65] : memref<16x1000000xf32, #tpu.memory_space<hbm>> -> memref<16x128xf32, #tpu.memory_space<hbm>>
      %dma_start3A_80 = arith.constant 0 : i32
      %dma_start3A_81 = arith.constant 0 : i32
      %dma_start3A_82 = tpu.memref_slice %arg11[%dma_start3A_80, %dma_start3A_81] : memref<16x1024xf32, #tpu.memory_space<vmem>> -> memref<16x128xf32, #tpu.memory_space<vmem>>
      %dma_start3A_83 = arith.constant 0 : i32
      %dma_start3A_84 = tpu.memref_slice %arg5[%dma_start3A_83, %multiple_of3A_65] : memref<16x1000000xf32, #tpu.memory_space<hbm>> -> memref<16x128xf32, #tpu.memory_space<hbm>>
      tpu.enqueue_dma source(%dma_start3A_84 : memref<16x128xf32, #tpu.memory_space<hbm>>) target(%dma_start3A_82 : memref<16x128xf32, #tpu.memory_space<vmem>>) target_semaphore(%arg17 : memref<!tpu.dma_semaphore, #tpu.memory_space<semaphore_mem>>)
      %slice3A_85 = vector.extract_strided_slice %get3A_16 {offsets = [1], sizes = [1], strides = [1]} : vector<16xi32> to vector<1xi32>
      %squeeze3A_86 = vector.extract %slice3A_85[0] : i32 from vector<1xi32>
      %jit3A_87 = arith.constant 128 : i32
      %div3A_88 = arith.divsi %squeeze3A_86, %jit3A_87 : i32
      %sign3A_89 = arith.constant 0 : i32
      %sign3A_90 = arith.cmpi sgt, %squeeze3A_86, %sign3A_89 : i32
      %sign3A_91 = arith.extui %sign3A_90 : i1 to i32
      %sign3A_92 = arith.constant 0 : i32
      %sign3A_93 = arith.cmpi slt, %squeeze3A_86, %sign3A_92 : i32
      %sign3A_94 = arith.extui %sign3A_93 : i1 to i32
      %sign3A_95 = arith.subi %sign3A_91, %sign3A_94 : i32
      %sign3A_96 = arith.constant 0 : i32
      %sign3A_97 = arith.cmpi sgt, %jit3A_87, %sign3A_96 : i32
      %sign3A_98 = arith.extui %sign3A_97 : i1 to i32
      %sign3A_99 = arith.constant 0 : i32
      %sign3A_100 = arith.cmpi slt, %jit3A_87, %sign3A_99 : i32
      %sign3A_101 = arith.extui %sign3A_100 : i1 to i32
      %sign3A_102 = arith.subi %sign3A_98, %sign3A_101 : i32
      %ne3A_103 = arith.cmpi ne, %sign3A_95, %sign3A_102 : i32
      %rem3A_104 = arith.remsi %squeeze3A_86, %jit3A_87 : i32
      %ne3A_105 = arith.constant 0 : i32
      %ne3A_106 = arith.cmpi ne, %rem3A_104, %ne3A_105 : i32
      %and3A_107 = arith.andi %ne3A_103, %ne3A_106 : i1
      %sub3A_108 = arith.constant 1 : i32
      %sub3A_109 = arith.subi %div3A_88, %sub3A_108 : i32
      %select_n3A_110 = arith.select %and3A_107, %sub3A_109, %div3A_88 : i32
      %mul3A_111 = arith.constant 128 : i32
      %mul3A_112 = arith.muli %select_n3A_110, %mul3A_111 : i32
      %multiple_of3A_113 = tpu.assume_multiple %mul3A_112, 128 : i32
      %slice3A_114 = vector.extract_strided_slice %get3A_18 {offsets = [1], sizes = [1], strides = [1]} : vector<16xi32> to vector<1xi32>
      %squeeze3A_115 = vector.extract %slice3A_114[0] : i32 from vector<1xi32>
      %jit3A_116 = arith.constant 128 : i32
      %div3A_117 = arith.divsi %squeeze3A_115, %jit3A_116 : i32
      %sign3A_118 = arith.constant 0 : i32
      %sign3A_119 = arith.cmpi sgt, %squeeze3A_115, %sign3A_118 : i32
      %sign3A_120 = arith.extui %sign3A_119 : i1 to i32
      %sign3A_121 = arith.constant 0 : i32
      %sign3A_122 = arith.cmpi slt, %squeeze3A_115, %sign3A_121 : i32
      %sign3A_123 = arith.extui %sign3A_122 : i1 to i32
      %sign3A_124 = arith.subi %sign3A_120, %sign3A_123 : i32
      %sign3A_125 = arith.constant 0 : i32
      %sign3A_126 = arith.cmpi sgt, %jit3A_116, %sign3A_125 : i32
      %sign3A_127 = arith.extui %sign3A_126 : i1 to i32
      %sign3A_128 = arith.constant 0 : i32
      %sign3A_129 = arith.cmpi slt, %jit3A_116, %sign3A_128 : i32
      %sign3A_130 = arith.extui %sign3A_129 : i1 to i32
      %sign3A_131 = arith.subi %sign3A_127, %sign3A_130 : i32
      %ne3A_132 = arith.cmpi ne, %sign3A_124, %sign3A_131 : i32
      %rem3A_133 = arith.remsi %squeeze3A_115, %jit3A_116 : i32
      %ne3A_134 = arith.constant 0 : i32
      %ne3A_135 = arith.cmpi ne, %rem3A_133, %ne3A_134 : i32
      %and3A_136 = arith.andi %ne3A_132, %ne3A_135 : i1
      %sub3A_137 = arith.constant 1 : i32
      %sub3A_138 = arith.subi %div3A_117, %sub3A_137 : i32
      %select_n3A_139 = arith.select %and3A_136, %sub3A_138, %div3A_117 : i32
      %mul3A_140 = arith.constant 128 : i32
      %mul3A_141 = arith.muli %select_n3A_139, %mul3A_140 : i32
      %multiple_of3A_142 = tpu.assume_multiple %mul3A_141, 128 : i32
      %dma_start3A_143 = arith.constant 0 : i32
      %dma_start3A_144 = arith.constant 128 : i32
      %dma_start3A_145 = tpu.memref_slice %arg9[%dma_start3A_143, %dma_start3A_144] : memref<16x1024xf32, #tpu.memory_space<vmem>> -> memref<16x128xf32, #tpu.memory_space<vmem>>
      %dma_start3A_146 = arith.constant 0 : i32
      %dma_start3A_147 = tpu.memref_slice %arg4[%dma_start3A_146, %multiple_of3A_113] : memref<16x1000000xf32, #tpu.memory_space<hbm>> -> memref<16x128xf32, #tpu.memory_space<hbm>>
      %dma_start3A_148 = arith.constant 0 : i32
      %dma_start3A_149 = arith.constant 128 : i32
      %dma_start3A_150 = tpu.memref_slice %arg9[%dma_start3A_148, %dma_start3A_149] : memref<16x1024xf32, #tpu.memory_space<vmem>> -> memref<16x128xf32, #tpu.memory_space<vmem>>
      %dma_start3A_151 = arith.constant 0 : i32
      %dma_start3A_152 = tpu.memref_slice %arg4[%dma_start3A_151, %multiple_of3A_113] : memref<16x1000000xf32, #tpu.memory_space<hbm>> -> memref<16x128xf32, #tpu.memory_space<hbm>>
      tpu.enqueue_dma source(%dma_start3A_152 : memref<16x128xf32, #tpu.memory_space<hbm>>) target(%dma_start3A_150 : memref<16x128xf32, #tpu.memory_space<vmem>>) target_semaphore(%arg15 : memref<!tpu.dma_semaphore, #tpu.memory_space<semaphore_mem>>)
      %dma_start3A_153 = arith.constant 0 : i32
      %dma_start3A_154 = arith.constant 128 : i32
      %dma_start3A_155 = tpu.memref_slice %arg11[%dma_start3A_153, %dma_start3A_154] : memref<16x1024xf32, #tpu.memory_space<vmem>> -> memref<16x128xf32, #tpu.memory_space<vmem>>
      %dma_start3A_156 = arith.constant 0 : i32
      %dma_start3A_157 = tpu.memref_slice %arg5[%dma_start3A_156, %multiple_of3A_142] : memref<16x1000000xf32, #tpu.memory_space<hbm>> -> memref<16x128xf32, #tpu.memory_space<hbm>>
      %dma_start3A_158 = arith.constant 0 : i32
      %dma_start3A_159 = arith.constant 128 : i32
      %dma_start3A_160 = tpu.memref_slice %arg11[%dma_start3A_158, %dma_start3A_159] : memref<16x1024xf32, #tpu.memory_space<vmem>> -> memref<16x128xf32, #tpu.memory_space<vmem>>
      %dma_start3A_161 = arith.constant 0 : i32
      %dma_start3A_162 = tpu.memref_slice %arg5[%dma_start3A_161, %multiple_of3A_142] : memref<16x1000000xf32, #tpu.memory_space<hbm>> -> memref<16x128xf32, #tpu.memory_space<hbm>>
      tpu.enqueue_dma source(%dma_start3A_162 : memref<16x128xf32, #tpu.memory_space<hbm>>) target(%dma_start3A_160 : memref<16x128xf32, #tpu.memory_space<vmem>>) target_semaphore(%arg17 : memref<!tpu.dma_semaphore, #tpu.memory_space<semaphore_mem>>)
      %slice3A_163 = vector.extract_strided_slice %get3A_16 {offsets = [2], sizes = [1], strides = [1]} : vector<16xi32> to vector<1xi32>
      %squeeze3A_164 = vector.extract %slice3A_163[0] : i32 from vector<1xi32>
      %jit3A_165 = arith.constant 128 : i32
      %div3A_166 = arith.divsi %squeeze3A_164, %jit3A_165 : i32
      %sign3A_167 = arith.constant 0 : i32
      %sign3A_168 = arith.cmpi sgt, %squeeze3A_164, %sign3A_167 : i32
      %sign3A_169 = arith.extui %sign3A_168 : i1 to i32
      %sign3A_170 = arith.constant 0 : i32
      %sign3A_171 = arith.cmpi slt, %squeeze3A_164, %sign3A_170 : i32
      %sign3A_172 = arith.extui %sign3A_171 : i1 to i32
      %sign3A_173 = arith.subi %sign3A_169, %sign3A_172 : i32
      %sign3A_174 = arith.constant 0 : i32
      %sign3A_175 = arith.cmpi sgt, %jit3A_165, %sign3A_174 : i32
      %sign3A_176 = arith.extui %sign3A_175 : i1 to i32
      %sign3A_177 = arith.constant 0 : i32
      %sign3A_178 = arith.cmpi slt, %jit3A_165, %sign3A_177 : i32
      %sign3A_179 = arith.extui %sign3A_178 : i1 to i32
      %sign3A_180 = arith.subi %sign3A_176, %sign3A_179 : i32
      %ne3A_181 = arith.cmpi ne, %sign3A_173, %sign3A_180 : i32
      %rem3A_182 = arith.remsi %squeeze3A_164, %jit3A_165 : i32
      %ne3A_183 = arith.constant 0 : i32
      %ne3A_184 = arith.cmpi ne, %rem3A_182, %ne3A_183 : i32
      %and3A_185 = arith.andi %ne3A_181, %ne3A_184 : i1
      %sub3A_186 = arith.constant 1 : i32
      %sub3A_187 = arith.subi %div3A_166, %sub3A_186 : i32
      %select_n3A_188 = arith.select %and3A_185, %sub3A_187, %div3A_166 : i32
      %mul3A_189 = arith.constant 128 : i32
      %mul3A_190 = arith.muli %select_n3A_188, %mul3A_189 : i32
      %multiple_of3A_191 = tpu.assume_multiple %mul3A_190, 128 : i32
      %slice3A_192 = vector.extract_strided_slice %get3A_18 {offsets = [2], sizes = [1], strides = [1]} : vector<16xi32> to vector<1xi32>
      %squeeze3A_193 = vector.extract %slice3A_192[0] : i32 from vector<1xi32>
      %jit3A_194 = arith.constant 128 : i32
      %div3A_195 = arith.divsi %squeeze3A_193, %jit3A_194 : i32
      %sign3A_196 = arith.constant 0 : i32
      %sign3A_197 = arith.cmpi sgt, %squeeze3A_193, %sign3A_196 : i32
      %sign3A_198 = arith.extui %sign3A_197 : i1 to i32
      %sign3A_199 = arith.constant 0 : i32
      %sign3A_200 = arith.cmpi slt, %squeeze3A_193, %sign3A_199 : i32
      %sign3A_201 = arith.extui %sign3A_200 : i1 to i32
      %sign3A_202 = arith.subi %sign3A_198, %sign3A_201 : i32
      %sign3A_203 = arith.constant 0 : i32
      %sign3A_204 = arith.cmpi sgt, %jit3A_194, %sign3A_203 : i32
      %sign3A_205 = arith.extui %sign3A_204 : i1 to i32
      %sign3A_206 = arith.constant 0 : i32
      %sign3A_207 = arith.cmpi slt, %jit3A_194, %sign3A_206 : i32
      %sign3A_208 = arith.extui %sign3A_207 : i1 to i32
      %sign3A_209 = arith.subi %sign3A_205, %sign3A_208 : i32
      %ne3A_210 = arith.cmpi ne, %sign3A_202, %sign3A_209 : i32
      %rem3A_211 = arith.remsi %squeeze3A_193, %jit3A_194 : i32
      %ne3A_212 = arith.constant 0 : i32
      %ne3A_213 = arith.cmpi ne, %rem3A_211, %ne3A_212 : i32
      %and3A_214 = arith.andi %ne3A_210, %ne3A_213 : i1
      %sub3A_215 = arith.constant 1 : i32
      %sub3A_216 = arith.subi %div3A_195, %sub3A_215 : i32
      %select_n3A_217 = arith.select %and3A_214, %sub3A_216, %div3A_195 : i32
      %mul3A_218 = arith.constant 128 : i32
      %mul3A_219 = arith.muli %select_n3A_217, %mul3A_218 : i32
      %multiple_of3A_220 = tpu.assume_multiple %mul3A_219, 128 : i32
      %dma_start3A_221 = arith.constant 0 : i32
      %dma_start3A_222 = arith.constant 256 : i32
      %dma_start3A_223 = tpu.memref_slice %arg9[%dma_start3A_221, %dma_start3A_222] : memref<16x1024xf32, #tpu.memory_space<vmem>> -> memref<16x128xf32, #tpu.memory_space<vmem>>
      %dma_start3A_224 = arith.constant 0 : i32
      %dma_start3A_225 = tpu.memref_slice %arg4[%dma_start3A_224, %multiple_of3A_191] : memref<16x1000000xf32, #tpu.memory_space<hbm>> -> memref<16x128xf32, #tpu.memory_space<hbm>>
      %dma_start3A_226 = arith.constant 0 : i32
      %dma_start3A_227 = arith.constant 256 : i32
      %dma_start3A_228 = tpu.memref_slice %arg9[%dma_start3A_226, %dma_start3A_227] : memref<16x1024xf32, #tpu.memory_space<vmem>> -> memref<16x128xf32, #tpu.memory_space<vmem>>
      %dma_start3A_229 = arith.constant 0 : i32
      %dma_start3A_230 = tpu.memref_slice %arg4[%dma_start3A_229, %multiple_of3A_191] : memref<16x1000000xf32, #tpu.memory_space<hbm>> -> memref<16x128xf32, #tpu.memory_space<hbm>>
      tpu.enqueue_dma source(%dma_start3A_230 : memref<16x128xf32, #tpu.memory_space<hbm>>) target(%dma_start3A_228 : memref<16x128xf32, #tpu.memory_space<vmem>>) target_semaphore(%arg15 : memref<!tpu.dma_semaphore, #tpu.memory_space<semaphore_mem>>)
      %dma_start3A_231 = arith.constant 0 : i32
      %dma_start3A_232 = arith.constant 256 : i32
      %dma_start3A_233 = tpu.memref_slice %arg11[%dma_start3A_231, %dma_start3A_232] : memref<16x1024xf32, #tpu.memory_space<vmem>> -> memref<16x128xf32, #tpu.memory_space<vmem>>
      %dma_start3A_234 = arith.constant 0 : i32
      %dma_start3A_235 = tpu.memref_slice %arg5[%dma_start3A_234, %multiple_of3A_220] : memref<16x1000000xf32, #tpu.memory_space<hbm>> -> memref<16x128xf32, #tpu.memory_space<hbm>>
      %dma_start3A_236 = arith.constant 0 : i32
      %dma_start3A_237 = arith.constant 256 : i32
      %dma_start3A_238 = tpu.memref_slice %arg11[%dma_start3A_236, %dma_start3A_237] : memref<16x1024xf32, #tpu.memory_space<vmem>> -> memref<16x128xf32, #tpu.memory_space<vmem>>
      %dma_start3A_239 = arith.constant 0 : i32
      %dma_start3A_240 = tpu.memref_slice %arg5[%dma_start3A_239, %multiple_of3A_220] : memref<16x1000000xf32, #tpu.memory_space<hbm>> -> memref<16x128xf32, #tpu.memory_space<hbm>>
      tpu.enqueue_dma source(%dma_start3A_240 : memref<16x128xf32, #tpu.memory_space<hbm>>) target(%dma_start3A_238 : memref<16x128xf32, #tpu.memory_space<vmem>>) target_semaphore(%arg17 : memref<!tpu.dma_semaphore, #tpu.memory_space<semaphore_mem>>)
      %slice3A_241 = vector.extract_strided_slice %get3A_16 {offsets = [3], sizes = [1], strides = [1]} : vector<16xi32> to vector<1xi32>
      %squeeze3A_242 = vector.extract %slice3A_241[0] : i32 from vector<1xi32>
      %jit3A_243 = arith.constant 128 : i32
      %div3A_244 = arith.divsi %squeeze3A_242, %jit3A_243 : i32
      %sign3A_245 = arith.constant 0 : i32
      %sign3A_246 = arith.cmpi sgt, %squeeze3A_242, %sign3A_245 : i32
      %sign3A_247 = arith.extui %sign3A_246 : i1 to i32
      %sign3A_248 = arith.constant 0 : i32
      %sign3A_249 = arith.cmpi slt, %squeeze3A_242, %sign3A_248 : i32
      %sign3A_250 = arith.extui %sign3A_249 : i1 to i32
      %sign3A_251 = arith.subi %sign3A_247, %sign3A_250 : i32
      %sign3A_252 = arith.constant 0 : i32
      %sign3A_253 = arith.cmpi sgt, %jit3A_243, %sign3A_252 : i32
      %sign3A_254 = arith.extui %sign3A_253 : i1 to i32
      %sign3A_255 = arith.constant 0 : i32
      %sign3A_256 = arith.cmpi slt, %jit3A_243, %sign3A_255 : i32
      %sign3A_257 = arith.extui %sign3A_256 : i1 to i32
      %sign3A_258 = arith.subi %sign3A_254, %sign3A_257 : i32
      %ne3A_259 = arith.cmpi ne, %sign3A_251, %sign3A_258 : i32
      %rem3A_260 = arith.remsi %squeeze3A_242, %jit3A_243 : i32
      %ne3A_261 = arith.constant 0 : i32
      %ne3A_262 = arith.cmpi ne, %rem3A_260, %ne3A_261 : i32
      %and3A_263 = arith.andi %ne3A_259, %ne3A_262 : i1
      %sub3A_264 = arith.constant 1 : i32
      %sub3A_265 = arith.subi %div3A_244, %sub3A_264 : i32
      %select_n3A_266 = arith.select %and3A_263, %sub3A_265, %div3A_244 : i32
      %mul3A_267 = arith.constant 128 : i32
      %mul3A_268 = arith.muli %select_n3A_266, %mul3A_267 : i32
      %multiple_of3A_269 = tpu.assume_multiple %mul3A_268, 128 : i32
      %slice3A_270 = vector.extract_strided_slice %get3A_18 {offsets = [3], sizes = [1], strides = [1]} : vector<16xi32> to vector<1xi32>
      %squeeze3A_271 = vector.extract %slice3A_270[0] : i32 from vector<1xi32>
      %jit3A_272 = arith.constant 128 : i32
      %div3A_273 = arith.divsi %squeeze3A_271, %jit3A_272 : i32
      %sign3A_274 = arith.constant 0 : i32
      %sign3A_275 = arith.cmpi sgt, %squeeze3A_271, %sign3A_274 : i32
      %sign3A_276 = arith.extui %sign3A_275 : i1 to i32
      %sign3A_277 = arith.constant 0 : i32
      %sign3A_278 = arith.cmpi slt, %squeeze3A_271, %sign3A_277 : i32
      %sign3A_279 = arith.extui %sign3A_278 : i1 to i32
      %sign3A_280 = arith.subi %sign3A_276, %sign3A_279 : i32
      %sign3A_281 = arith.constant 0 : i32
      %sign3A_282 = arith.cmpi sgt, %jit3A_272, %sign3A_281 : i32
      %sign3A_283 = arith.extui %sign3A_282 : i1 to i32
      %sign3A_284 = arith.constant 0 : i32
      %sign3A_285 = arith.cmpi slt, %jit3A_272, %sign3A_284 : i32
      %sign3A_286 = arith.extui %sign3A_285 : i1 to i32
      %sign3A_287 = arith.subi %sign3A_283, %sign3A_286 : i32
      %ne3A_288 = arith.cmpi ne, %sign3A_280, %sign3A_287 : i32
      %rem3A_289 = arith.remsi %squeeze3A_271, %jit3A_272 : i32
      %ne3A_290 = arith.constant 0 : i32
      %ne3A_291 = arith.cmpi ne, %rem3A_289, %ne3A_290 : i32
      %and3A_292 = arith.andi %ne3A_288, %ne3A_291 : i1
      %sub3A_293 = arith.constant 1 : i32
      %sub3A_294 = arith.subi %div3A_273, %sub3A_293 : i32
      %select_n3A_295 = arith.select %and3A_292, %sub3A_294, %div3A_273 : i32
      %mul3A_296 = arith.constant 128 : i32
      %mul3A_297 = arith.muli %select_n3A_295, %mul3A_296 : i32
      %multiple_of3A_298 = tpu.assume_multiple %mul3A_297, 128 : i32
      %dma_start3A_299 = arith.constant 0 : i32
      %dma_start3A_300 = arith.constant 384 : i32
      %dma_start3A_301 = tpu.memref_slice %arg9[%dma_start3A_299, %dma_start3A_300] : memref<16x1024xf32, #tpu.memory_space<vmem>> -> memref<16x128xf32, #tpu.memory_space<vmem>>
      %dma_start3A_302 = arith.constant 0 : i32
      %dma_start3A_303 = tpu.memref_slice %arg4[%dma_start3A_302, %multiple_of3A_269] : memref<16x1000000xf32, #tpu.memory_space<hbm>> -> memref<16x128xf32, #tpu.memory_space<hbm>>
      %dma_start3A_304 = arith.constant 0 : i32
      %dma_start3A_305 = arith.constant 384 : i32
      %dma_start3A_306 = tpu.memref_slice %arg9[%dma_start3A_304, %dma_start3A_305] : memref<16x1024xf32, #tpu.memory_space<vmem>> -> memref<16x128xf32, #tpu.memory_space<vmem>>
      %dma_start3A_307 = arith.constant 0 : i32
      %dma_start3A_308 = tpu.memref_slice %arg4[%dma_start3A_307, %multiple_of3A_269] : memref<16x1000000xf32, #tpu.memory_space<hbm>> -> memref<16x128xf32, #tpu.memory_space<hbm>>
      tpu.enqueue_dma source(%dma_start3A_308 : memref<16x128xf32, #tpu.memory_space<hbm>>) target(%dma_start3A_306 : memref<16x128xf32, #tpu.memory_space<vmem>>) target_semaphore(%arg15 : memref<!tpu.dma_semaphore, #tpu.memory_space<semaphore_mem>>)
      %dma_start3A_309 = arith.constant 0 : i32
      %dma_start3A_310 = arith.constant 384 : i32
      %dma_start3A_311 = tpu.memref_slice %arg11[%dma_start3A_309, %dma_start3A_310] : memref<16x1024xf32, #tpu.memory_space<vmem>> -> memref<16x128xf32, #tpu.memory_space<vmem>>
      %dma_start3A_312 = arith.constant 0 : i32
      %dma_start3A_313 = tpu.memref_slice %arg5[%dma_start3A_312, %multiple_of3A_298] : memref<16x1000000xf32, #tpu.memory_space<hbm>> -> memref<16x128xf32, #tpu.memory_space<hbm>>
      %dma_start3A_314 = arith.constant 0 : i32
      %dma_start3A_315 = arith.constant 384 : i32
      %dma_start3A_316 = tpu.memref_slice %arg11[%dma_start3A_314, %dma_start3A_315] : memref<16x1024xf32, #tpu.memory_space<vmem>> -> memref<16x128xf32, #tpu.memory_space<vmem>>
      %dma_start3A_317 = arith.constant 0 : i32
      %dma_start3A_318 = tpu.memref_slice %arg5[%dma_start3A_317, %multiple_of3A_298] : memref<16x1000000xf32, #tpu.memory_space<hbm>> -> memref<16x128xf32, #tpu.memory_space<hbm>>
      tpu.enqueue_dma source(%dma_start3A_318 : memref<16x128xf32, #tpu.memory_space<hbm>>) target(%dma_start3A_316 : memref<16x128xf32, #tpu.memory_space<vmem>>) target_semaphore(%arg17 : memref<!tpu.dma_semaphore, #tpu.memory_space<semaphore_mem>>)
      %slice3A_319 = vector.extract_strided_slice %get3A_16 {offsets = [4], sizes = [1], strides = [1]} : vector<16xi32> to vector<1xi32>
      %squeeze3A_320 = vector.extract %slice3A_319[0] : i32 from vector<1xi32>
      %jit3A_321 = arith.constant 128 : i32
      %div3A_322 = arith.divsi %squeeze3A_320, %jit3A_321 : i32
      %sign3A_323 = arith.constant 0 : i32
      %sign3A_324 = arith.cmpi sgt, %squeeze3A_320, %sign3A_323 : i32
      %sign3A_325 = arith.extui %sign3A_324 : i1 to i32
      %sign3A_326 = arith.constant 0 : i32
      %sign3A_327 = arith.cmpi slt, %squeeze3A_320, %sign3A_326 : i32
      %sign3A_328 = arith.extui %sign3A_327 : i1 to i32
      %sign3A_329 = arith.subi %sign3A_325, %sign3A_328 : i32
      %sign3A_330 = arith.constant 0 : i32
      %sign3A_331 = arith.cmpi sgt, %jit3A_321, %sign3A_330 : i32
      %sign3A_332 = arith.extui %sign3A_331 : i1 to i32
      %sign3A_333 = arith.constant 0 : i32
      %sign3A_334 = arith.cmpi slt, %jit3A_321, %sign3A_333 : i32
      %sign3A_335 = arith.extui %sign3A_334 : i1 to i32
      %sign3A_336 = arith.subi %sign3A_332, %sign3A_335 : i32
      %ne3A_337 = arith.cmpi ne, %sign3A_329, %sign3A_336 : i32
      %rem3A_338 = arith.remsi %squeeze3A_320, %jit3A_321 : i32
      %ne3A_339 = arith.constant 0 : i32
      %ne3A_340 = arith.cmpi ne, %rem3A_338, %ne3A_339 : i32
      %and3A_341 = arith.andi %ne3A_337, %ne3A_340 : i1
      %sub3A_342 = arith.constant 1 : i32
      %sub3A_343 = arith.subi %div3A_322, %sub3A_342 : i32
      %select_n3A_344 = arith.select %and3A_341, %sub3A_343, %div3A_322 : i32
      %mul3A_345 = arith.constant 128 : i32
      %mul3A_346 = arith.muli %select_n3A_344, %mul3A_345 : i32
      %multiple_of3A_347 = tpu.assume_multiple %mul3A_346, 128 : i32
      %slice3A_348 = vector.extract_strided_slice %get3A_18 {offsets = [4], sizes = [1], strides = [1]} : vector<16xi32> to vector<1xi32>
      %squeeze3A_349 = vector.extract %slice3A_348[0] : i32 from vector<1xi32>
      %jit3A_350 = arith.constant 128 : i32
      %div3A_351 = arith.divsi %squeeze3A_349, %jit3A_350 : i32
      %sign3A_352 = arith.constant 0 : i32
      %sign3A_353 = arith.cmpi sgt, %squeeze3A_349, %sign3A_352 : i32
      %sign3A_354 = arith.extui %sign3A_353 : i1 to i32
      %sign3A_355 = arith.constant 0 : i32
      %sign3A_356 = arith.cmpi slt, %squeeze3A_349, %sign3A_355 : i32
      %sign3A_357 = arith.extui %sign3A_356 : i1 to i32
      %sign3A_358 = arith.subi %sign3A_354, %sign3A_357 : i32
      %sign3A_359 = arith.constant 0 : i32
      %sign3A_360 = arith.cmpi sgt, %jit3A_350, %sign3A_359 : i32
      %sign3A_361 = arith.extui %sign3A_360 : i1 to i32
      %sign3A_362 = arith.constant 0 : i32
      %sign3A_363 = arith.cmpi slt, %jit3A_350, %sign3A_362 : i32
      %sign3A_364 = arith.extui %sign3A_363 : i1 to i32
      %sign3A_365 = arith.subi %sign3A_361, %sign3A_364 : i32
      %ne3A_366 = arith.cmpi ne, %sign3A_358, %sign3A_365 : i32
      %rem3A_367 = arith.remsi %squeeze3A_349, %jit3A_350 : i32
      %ne3A_368 = arith.constant 0 : i32
      %ne3A_369 = arith.cmpi ne, %rem3A_367, %ne3A_368 : i32
      %and3A_370 = arith.andi %ne3A_366, %ne3A_369 : i1
      %sub3A_371 = arith.constant 1 : i32
      %sub3A_372 = arith.subi %div3A_351, %sub3A_371 : i32
      %select_n3A_373 = arith.select %and3A_370, %sub3A_372, %div3A_351 : i32
      %mul3A_374 = arith.constant 128 : i32
      %mul3A_375 = arith.muli %select_n3A_373, %mul3A_374 : i32
      %multiple_of3A_376 = tpu.assume_multiple %mul3A_375, 128 : i32
      %dma_start3A_377 = arith.constant 0 : i32
      %dma_start3A_378 = arith.constant 512 : i32
      %dma_start3A_379 = tpu.memref_slice %arg9[%dma_start3A_377, %dma_start3A_378] : memref<16x1024xf32, #tpu.memory_space<vmem>> -> memref<16x128xf32, #tpu.memory_space<vmem>>
      %dma_start3A_380 = arith.constant 0 : i32
      %dma_start3A_381 = tpu.memref_slice %arg4[%dma_start3A_380, %multiple_of3A_347] : memref<16x1000000xf32, #tpu.memory_space<hbm>> -> memref<16x128xf32, #tpu.memory_space<hbm>>
      %dma_start3A_382 = arith.constant 0 : i32
      %dma_start3A_383 = arith.constant 512 : i32
      %dma_start3A_384 = tpu.memref_slice %arg9[%dma_start3A_382, %dma_start3A_383] : memref<16x1024xf32, #tpu.memory_space<vmem>> -> memref<16x128xf32, #tpu.memory_space<vmem>>
      %dma_start3A_385 = arith.constant 0 : i32
      %dma_start3A_386 = tpu.memref_slice %arg4[%dma_start3A_385, %multiple_of3A_347] : memref<16x1000000xf32, #tpu.memory_space<hbm>> -> memref<16x128xf32, #tpu.memory_space<hbm>>
      tpu.enqueue_dma source(%dma_start3A_386 : memref<16x128xf32, #tpu.memory_space<hbm>>) target(%dma_start3A_384 : memref<16x128xf32, #tpu.memory_space<vmem>>) target_semaphore(%arg15 : memref<!tpu.dma_semaphore, #tpu.memory_space<semaphore_mem>>)
      %dma_start3A_387 = arith.constant 0 : i32
      %dma_start3A_388 = arith.constant 512 : i32
      %dma_start3A_389 = tpu.memref_slice %arg11[%dma_start3A_387, %dma_start3A_388] : memref<16x1024xf32, #tpu.memory_space<vmem>> -> memref<16x128xf32, #tpu.memory_space<vmem>>
      %dma_start3A_390 = arith.constant 0 : i32
      %dma_start3A_391 = tpu.memref_slice %arg5[%dma_start3A_390, %multiple_of3A_376] : memref<16x1000000xf32, #tpu.memory_space<hbm>> -> memref<16x128xf32, #tpu.memory_space<hbm>>
      %dma_start3A_392 = arith.constant 0 : i32
      %dma_start3A_393 = arith.constant 512 : i32
      %dma_start3A_394 = tpu.memref_slice %arg11[%dma_start3A_392, %dma_start3A_393] : memref<16x1024xf32, #tpu.memory_space<vmem>> -> memref<16x128xf32, #tpu.memory_space<vmem>>
      %dma_start3A_395 = arith.constant 0 : i32
      %dma_start3A_396 = tpu.memref_slice %arg5[%dma_start3A_395, %multiple_of3A_376] : memref<16x1000000xf32, #tpu.memory_space<hbm>> -> memref<16x128xf32, #tpu.memory_space<hbm>>
      tpu.enqueue_dma source(%dma_start3A_396 : memref<16x128xf32, #tpu.memory_space<hbm>>) target(%dma_start3A_394 : memref<16x128xf32, #tpu.memory_space<vmem>>) target_semaphore(%arg17 : memref<!tpu.dma_semaphore, #tpu.memory_space<semaphore_mem>>)
      %slice3A_397 = vector.extract_strided_slice %get3A_16 {offsets = [5], sizes = [1], strides = [1]} : vector<16xi32> to vector<1xi32>
      %squeeze3A_398 = vector.extract %slice3A_397[0] : i32 from vector<1xi32>
      %jit3A_399 = arith.constant 128 : i32
      %div3A_400 = arith.divsi %squeeze3A_398, %jit3A_399 : i32
      %sign3A_401 = arith.constant 0 : i32
      %sign3A_402 = arith.cmpi sgt, %squeeze3A_398, %sign3A_401 : i32
      %sign3A_403 = arith.extui %sign3A_402 : i1 to i32
      %sign3A_404 = arith.constant 0 : i32
      %sign3A_405 = arith.cmpi slt, %squeeze3A_398, %sign3A_404 : i32
      %sign3A_406 = arith.extui %sign3A_405 : i1 to i32
      %sign3A_407 = arith.subi %sign3A_403, %sign3A_406 : i32
      %sign3A_408 = arith.constant 0 : i32
      %sign3A_409 = arith.cmpi sgt, %jit3A_399, %sign3A_408 : i32
      %sign3A_410 = arith.extui %sign3A_409 : i1 to i32
      %sign3A_411 = arith.constant 0 : i32
      %sign3A_412 = arith.cmpi slt, %jit3A_399, %sign3A_411 : i32
      %sign3A_413 = arith.extui %sign3A_412 : i1 to i32
      %sign3A_414 = arith.subi %sign3A_410, %sign3A_413 : i32
      %ne3A_415 = arith.cmpi ne, %sign3A_407, %sign3A_414 : i32
      %rem3A_416 = arith.remsi %squeeze3A_398, %jit3A_399 : i32
      %ne3A_417 = arith.constant 0 : i32
      %ne3A_418 = arith.cmpi ne, %rem3A_416, %ne3A_417 : i32
      %and3A_419 = arith.andi %ne3A_415, %ne3A_418 : i1
      %sub3A_420 = arith.constant 1 : i32
      %sub3A_421 = arith.subi %div3A_400, %sub3A_420 : i32
      %select_n3A_422 = arith.select %and3A_419, %sub3A_421, %div3A_400 : i32
      %mul3A_423 = arith.constant 128 : i32
      %mul3A_424 = arith.muli %select_n3A_422, %mul3A_423 : i32
      %multiple_of3A_425 = tpu.assume_multiple %mul3A_424, 128 : i32
      %slice3A_426 = vector.extract_strided_slice %get3A_18 {offsets = [5], sizes = [1], strides = [1]} : vector<16xi32> to vector<1xi32>
      %squeeze3A_427 = vector.extract %slice3A_426[0] : i32 from vector<1xi32>
      %jit3A_428 = arith.constant 128 : i32
      %div3A_429 = arith.divsi %squeeze3A_427, %jit3A_428 : i32
      %sign3A_430 = arith.constant 0 : i32
      %sign3A_431 = arith.cmpi sgt, %squeeze3A_427, %sign3A_430 : i32
      %sign3A_432 = arith.extui %sign3A_431 : i1 to i32
      %sign3A_433 = arith.constant 0 : i32
      %sign3A_434 = arith.cmpi slt, %squeeze3A_427, %sign3A_433 : i32
      %sign3A_435 = arith.extui %sign3A_434 : i1 to i32
      %sign3A_436 = arith.subi %sign3A_432, %sign3A_435 : i32
      %sign3A_437 = arith.constant 0 : i32
      %sign3A_438 = arith.cmpi sgt, %jit3A_428, %sign3A_437 : i32
      %sign3A_439 = arith.extui %sign3A_438 : i1 to i32
      %sign3A_440 = arith.constant 0 : i32
      %sign3A_441 = arith.cmpi slt, %jit3A_428, %sign3A_440 : i32
      %sign3A_442 = arith.extui %sign3A_441 : i1 to i32
      %sign3A_443 = arith.subi %sign3A_439, %sign3A_442 : i32
      %ne3A_444 = arith.cmpi ne, %sign3A_436, %sign3A_443 : i32
      %rem3A_445 = arith.remsi %squeeze3A_427, %jit3A_428 : i32
      %ne3A_446 = arith.constant 0 : i32
      %ne3A_447 = arith.cmpi ne, %rem3A_445, %ne3A_446 : i32
      %and3A_448 = arith.andi %ne3A_444, %ne3A_447 : i1
      %sub3A_449 = arith.constant 1 : i32
      %sub3A_450 = arith.subi %div3A_429, %sub3A_449 : i32
      %select_n3A_451 = arith.select %and3A_448, %sub3A_450, %div3A_429 : i32
      %mul3A_452 = arith.constant 128 : i32
      %mul3A_453 = arith.muli %select_n3A_451, %mul3A_452 : i32
      %multiple_of3A_454 = tpu.assume_multiple %mul3A_453, 128 : i32
      %dma_start3A_455 = arith.constant 0 : i32
      %dma_start3A_456 = arith.constant 640 : i32
      %dma_start3A_457 = tpu.memref_slice %arg9[%dma_start3A_455, %dma_start3A_456] : memref<16x1024xf32, #tpu.memory_space<vmem>> -> memref<16x128xf32, #tpu.memory_space<vmem>>
      %dma_start3A_458 = arith.constant 0 : i32
      %dma_start3A_459 = tpu.memref_slice %arg4[%dma_start3A_458, %multiple_of3A_425] : memref<16x1000000xf32, #tpu.memory_space<hbm>> -> memref<16x128xf32, #tpu.memory_space<hbm>>
      %dma_start3A_460 = arith.constant 0 : i32
      %dma_start3A_461 = arith.constant 640 : i32
      %dma_start3A_462 = tpu.memref_slice %arg9[%dma_start3A_460, %dma_start3A_461] : memref<16x1024xf32, #tpu.memory_space<vmem>> -> memref<16x128xf32, #tpu.memory_space<vmem>>
      %dma_start3A_463 = arith.constant 0 : i32
      %dma_start3A_464 = tpu.memref_slice %arg4[%dma_start3A_463, %multiple_of3A_425] : memref<16x1000000xf32, #tpu.memory_space<hbm>> -> memref<16x128xf32, #tpu.memory_space<hbm>>
      tpu.enqueue_dma source(%dma_start3A_464 : memref<16x128xf32, #tpu.memory_space<hbm>>) target(%dma_start3A_462 : memref<16x128xf32, #tpu.memory_space<vmem>>) target_semaphore(%arg15 : memref<!tpu.dma_semaphore, #tpu.memory_space<semaphore_mem>>)
      %dma_start3A_465 = arith.constant 0 : i32
      %dma_start3A_466 = arith.constant 640 : i32
      %dma_start3A_467 = tpu.memref_slice %arg11[%dma_start3A_465, %dma_start3A_466] : memref<16x1024xf32, #tpu.memory_space<vmem>> -> memref<16x128xf32, #tpu.memory_space<vmem>>
      %dma_start3A_468 = arith.constant 0 : i32
      %dma_start3A_469 = tpu.memref_slice %arg5[%dma_start3A_468, %multiple_of3A_454] : memref<16x1000000xf32, #tpu.memory_space<hbm>> -> memref<16x128xf32, #tpu.memory_space<hbm>>
      %dma_start3A_470 = arith.constant 0 : i32
      %dma_start3A_471 = arith.constant 640 : i32
      %dma_start3A_472 = tpu.memref_slice %arg11[%dma_start3A_470, %dma_start3A_471] : memref<16x1024xf32, #tpu.memory_space<vmem>> -> memref<16x128xf32, #tpu.memory_space<vmem>>
      %dma_start3A_473 = arith.constant 0 : i32
      %dma_start3A_474 = tpu.memref_slice %arg5[%dma_start3A_473, %multiple_of3A_454] : memref<16x1000000xf32, #tpu.memory_space<hbm>> -> memref<16x128xf32, #tpu.memory_space<hbm>>
      tpu.enqueue_dma source(%dma_start3A_474 : memref<16x128xf32, #tpu.memory_space<hbm>>) target(%dma_start3A_472 : memref<16x128xf32, #tpu.memory_space<vmem>>) target_semaphore(%arg17 : memref<!tpu.dma_semaphore, #tpu.memory_space<semaphore_mem>>)
      %slice3A_475 = vector.extract_strided_slice %get3A_16 {offsets = [6], sizes = [1], strides = [1]} : vector<16xi32> to vector<1xi32>
      %squeeze3A_476 = vector.extract %slice3A_475[0] : i32 from vector<1xi32>
      %jit3A_477 = arith.constant 128 : i32
      %div3A_478 = arith.divsi %squeeze3A_476, %jit3A_477 : i32
      %sign3A_479 = arith.constant 0 : i32
      %sign3A_480 = arith.cmpi sgt, %squeeze3A_476, %sign3A_479 : i32
      %sign3A_481 = arith.extui %sign3A_480 : i1 to i32
      %sign3A_482 = arith.constant 0 : i32
      %sign3A_483 = arith.cmpi slt, %squeeze3A_476, %sign3A_482 : i32
      %sign3A_484 = arith.extui %sign3A_483 : i1 to i32
      %sign3A_485 = arith.subi %sign3A_481, %sign3A_484 : i32
      %sign3A_486 = arith.constant 0 : i32
      %sign3A_487 = arith.cmpi sgt, %jit3A_477, %sign3A_486 : i32
      %sign3A_488 = arith.extui %sign3A_487 : i1 to i32
      %sign3A_489 = arith.constant 0 : i32
      %sign3A_490 = arith.cmpi slt, %jit3A_477, %sign3A_489 : i32
      %sign3A_491 = arith.extui %sign3A_490 : i1 to i32
      %sign3A_492 = arith.subi %sign3A_488, %sign3A_491 : i32
      %ne3A_493 = arith.cmpi ne, %sign3A_485, %sign3A_492 : i32
      %rem3A_494 = arith.remsi %squeeze3A_476, %jit3A_477 : i32
      %ne3A_495 = arith.constant 0 : i32
      %ne3A_496 = arith.cmpi ne, %rem3A_494, %ne3A_495 : i32
      %and3A_497 = arith.andi %ne3A_493, %ne3A_496 : i1
      %sub3A_498 = arith.constant 1 : i32
      %sub3A_499 = arith.subi %div3A_478, %sub3A_498 : i32
      %select_n3A_500 = arith.select %and3A_497, %sub3A_499, %div3A_478 : i32
      %mul3A_501 = arith.constant 128 : i32
      %mul3A_502 = arith.muli %select_n3A_500, %mul3A_501 : i32
      %multiple_of3A_503 = tpu.assume_multiple %mul3A_502, 128 : i32
      %slice3A_504 = vector.extract_strided_slice %get3A_18 {offsets = [6], sizes = [1], strides = [1]} : vector<16xi32> to vector<1xi32>
      %squeeze3A_505 = vector.extract %slice3A_504[0] : i32 from vector<1xi32>
      %jit3A_506 = arith.constant 128 : i32
      %div3A_507 = arith.divsi %squeeze3A_505, %jit3A_506 : i32
      %sign3A_508 = arith.constant 0 : i32
      %sign3A_509 = arith.cmpi sgt, %squeeze3A_505, %sign3A_508 : i32
      %sign3A_510 = arith.extui %sign3A_509 : i1 to i32
      %sign3A_511 = arith.constant 0 : i32
      %sign3A_512 = arith.cmpi slt, %squeeze3A_505, %sign3A_511 : i32
      %sign3A_513 = arith.extui %sign3A_512 : i1 to i32
      %sign3A_514 = arith.subi %sign3A_510, %sign3A_513 : i32
      %sign3A_515 = arith.constant 0 : i32
      %sign3A_516 = arith.cmpi sgt, %jit3A_506, %sign3A_515 : i32
      %sign3A_517 = arith.extui %sign3A_516 : i1 to i32
      %sign3A_518 = arith.constant 0 : i32
      %sign3A_519 = arith.cmpi slt, %jit3A_506, %sign3A_518 : i32
      %sign3A_520 = arith.extui %sign3A_519 : i1 to i32
      %sign3A_521 = arith.subi %sign3A_517, %sign3A_520 : i32
      %ne3A_522 = arith.cmpi ne, %sign3A_514, %sign3A_521 : i32
      %rem3A_523 = arith.remsi %squeeze3A_505, %jit3A_506 : i32
      %ne3A_524 = arith.constant 0 : i32
      %ne3A_525 = arith.cmpi ne, %rem3A_523, %ne3A_524 : i32
      %and3A_526 = arith.andi %ne3A_522, %ne3A_525 : i1
      %sub3A_527 = arith.constant 1 : i32
      %sub3A_528 = arith.subi %div3A_507, %sub3A_527 : i32
      %select_n3A_529 = arith.select %and3A_526, %sub3A_528, %div3A_507 : i32
      %mul3A_530 = arith.constant 128 : i32
      %mul3A_531 = arith.muli %select_n3A_529, %mul3A_530 : i32
      %multiple_of3A_532 = tpu.assume_multiple %mul3A_531, 128 : i32
      %dma_start3A_533 = arith.constant 0 : i32
      %dma_start3A_534 = arith.constant 768 : i32
      %dma_start3A_535 = tpu.memref_slice %arg9[%dma_start3A_533, %dma_start3A_534] : memref<16x1024xf32, #tpu.memory_space<vmem>> -> memref<16x128xf32, #tpu.memory_space<vmem>>
      %dma_start3A_536 = arith.constant 0 : i32
      %dma_start3A_537 = tpu.memref_slice %arg4[%dma_start3A_536, %multiple_of3A_503] : memref<16x1000000xf32, #tpu.memory_space<hbm>> -> memref<16x128xf32, #tpu.memory_space<hbm>>
      %dma_start3A_538 = arith.constant 0 : i32
      %dma_start3A_539 = arith.constant 768 : i32
      %dma_start3A_540 = tpu.memref_slice %arg9[%dma_start3A_538, %dma_start3A_539] : memref<16x1024xf32, #tpu.memory_space<vmem>> -> memref<16x128xf32, #tpu.memory_space<vmem>>
      %dma_start3A_541 = arith.constant 0 : i32
      %dma_start3A_542 = tpu.memref_slice %arg4[%dma_start3A_541, %multiple_of3A_503] : memref<16x1000000xf32, #tpu.memory_space<hbm>> -> memref<16x128xf32, #tpu.memory_space<hbm>>
      tpu.enqueue_dma source(%dma_start3A_542 : memref<16x128xf32, #tpu.memory_space<hbm>>) target(%dma_start3A_540 : memref<16x128xf32, #tpu.memory_space<vmem>>) target_semaphore(%arg15 : memref<!tpu.dma_semaphore, #tpu.memory_space<semaphore_mem>>)
      %dma_start3A_543 = arith.constant 0 : i32
      %dma_start3A_544 = arith.constant 768 : i32
      %dma_start3A_545 = tpu.memref_slice %arg11[%dma_start3A_543, %dma_start3A_544] : memref<16x1024xf32, #tpu.memory_space<vmem>> -> memref<16x128xf32, #tpu.memory_space<vmem>>
      %dma_start3A_546 = arith.constant 0 : i32
      %dma_start3A_547 = tpu.memref_slice %arg5[%dma_start3A_546, %multiple_of3A_532] : memref<16x1000000xf32, #tpu.memory_space<hbm>> -> memref<16x128xf32, #tpu.memory_space<hbm>>
      %dma_start3A_548 = arith.constant 0 : i32
      %dma_start3A_549 = arith.constant 768 : i32
      %dma_start3A_550 = tpu.memref_slice %arg11[%dma_start3A_548, %dma_start3A_549] : memref<16x1024xf32, #tpu.memory_space<vmem>> -> memref<16x128xf32, #tpu.memory_space<vmem>>
      %dma_start3A_551 = arith.constant 0 : i32
      %dma_start3A_552 = tpu.memref_slice %arg5[%dma_start3A_551, %multiple_of3A_532] : memref<16x1000000xf32, #tpu.memory_space<hbm>> -> memref<16x128xf32, #tpu.memory_space<hbm>>
      tpu.enqueue_dma source(%dma_start3A_552 : memref<16x128xf32, #tpu.memory_space<hbm>>) target(%dma_start3A_550 : memref<16x128xf32, #tpu.memory_space<vmem>>) target_semaphore(%arg17 : memref<!tpu.dma_semaphore, #tpu.memory_space<semaphore_mem>>)
      %slice3A_553 = vector.extract_strided_slice %get3A_16 {offsets = [7], sizes = [1], strides = [1]} : vector<16xi32> to vector<1xi32>
      %squeeze3A_554 = vector.extract %slice3A_553[0] : i32 from vector<1xi32>
      %jit3A_555 = arith.constant 128 : i32
      %div3A_556 = arith.divsi %squeeze3A_554, %jit3A_555 : i32
      %sign3A_557 = arith.constant 0 : i32
      %sign3A_558 = arith.cmpi sgt, %squeeze3A_554, %sign3A_557 : i32
      %sign3A_559 = arith.extui %sign3A_558 : i1 to i32
      %sign3A_560 = arith.constant 0 : i32
      %sign3A_561 = arith.cmpi slt, %squeeze3A_554, %sign3A_560 : i32
      %sign3A_562 = arith.extui %sign3A_561 : i1 to i32
      %sign3A_563 = arith.subi %sign3A_559, %sign3A_562 : i32
      %sign3A_564 = arith.constant 0 : i32
      %sign3A_565 = arith.cmpi sgt, %jit3A_555, %sign3A_564 : i32
      %sign3A_566 = arith.extui %sign3A_565 : i1 to i32
      %sign3A_567 = arith.constant 0 : i32
      %sign3A_568 = arith.cmpi slt, %jit3A_555, %sign3A_567 : i32
      %sign3A_569 = arith.extui %sign3A_568 : i1 to i32
      %sign3A_570 = arith.subi %sign3A_566, %sign3A_569 : i32
      %ne3A_571 = arith.cmpi ne, %sign3A_563, %sign3A_570 : i32
      %rem3A_572 = arith.remsi %squeeze3A_554, %jit3A_555 : i32
      %ne3A_573 = arith.constant 0 : i32
      %ne3A_574 = arith.cmpi ne, %rem3A_572, %ne3A_573 : i32
      %and3A_575 = arith.andi %ne3A_571, %ne3A_574 : i1
      %sub3A_576 = arith.constant 1 : i32
      %sub3A_577 = arith.subi %div3A_556, %sub3A_576 : i32
      %select_n3A_578 = arith.select %and3A_575, %sub3A_577, %div3A_556 : i32
      %mul3A_579 = arith.constant 128 : i32
      %mul3A_580 = arith.muli %select_n3A_578, %mul3A_579 : i32
      %multiple_of3A_581 = tpu.assume_multiple %mul3A_580, 128 : i32
      %slice3A_582 = vector.extract_strided_slice %get3A_18 {offsets = [7], sizes = [1], strides = [1]} : vector<16xi32> to vector<1xi32>
      %squeeze3A_583 = vector.extract %slice3A_582[0] : i32 from vector<1xi32>
      %jit3A_584 = arith.constant 128 : i32
      %div3A_585 = arith.divsi %squeeze3A_583, %jit3A_584 : i32
      %sign3A_586 = arith.constant 0 : i32
      %sign3A_587 = arith.cmpi sgt, %squeeze3A_583, %sign3A_586 : i32
      %sign3A_588 = arith.extui %sign3A_587 : i1 to i32
      %sign3A_589 = arith.constant 0 : i32
      %sign3A_590 = arith.cmpi slt, %squeeze3A_583, %sign3A_589 : i32
      %sign3A_591 = arith.extui %sign3A_590 : i1 to i32
      %sign3A_592 = arith.subi %sign3A_588, %sign3A_591 : i32
      %sign3A_593 = arith.constant 0 : i32
      %sign3A_594 = arith.cmpi sgt, %jit3A_584, %sign3A_593 : i32
      %sign3A_595 = arith.extui %sign3A_594 : i1 to i32
      %sign3A_596 = arith.constant 0 : i32
      %sign3A_597 = arith.cmpi slt, %jit3A_584, %sign3A_596 : i32
      %sign3A_598 = arith.extui %sign3A_597 : i1 to i32
      %sign3A_599 = arith.subi %sign3A_595, %sign3A_598 : i32
      %ne3A_600 = arith.cmpi ne, %sign3A_592, %sign3A_599 : i32
      %rem3A_601 = arith.remsi %squeeze3A_583, %jit3A_584 : i32
      %ne3A_602 = arith.constant 0 : i32
      %ne3A_603 = arith.cmpi ne, %rem3A_601, %ne3A_602 : i32
      %and3A_604 = arith.andi %ne3A_600, %ne3A_603 : i1
      %sub3A_605 = arith.constant 1 : i32
      %sub3A_606 = arith.subi %div3A_585, %sub3A_605 : i32
      %select_n3A_607 = arith.select %and3A_604, %sub3A_606, %div3A_585 : i32
      %mul3A_608 = arith.constant 128 : i32
      %mul3A_609 = arith.muli %select_n3A_607, %mul3A_608 : i32
      %multiple_of3A_610 = tpu.assume_multiple %mul3A_609, 128 : i32
      %dma_start3A_611 = arith.constant 0 : i32
      %dma_start3A_612 = arith.constant 896 : i32
      %dma_start3A_613 = tpu.memref_slice %arg9[%dma_start3A_611, %dma_start3A_612] : memref<16x1024xf32, #tpu.memory_space<vmem>> -> memref<16x128xf32, #tpu.memory_space<vmem>>
      %dma_start3A_614 = arith.constant 0 : i32
      %dma_start3A_615 = tpu.memref_slice %arg4[%dma_start3A_614, %multiple_of3A_581] : memref<16x1000000xf32, #tpu.memory_space<hbm>> -> memref<16x128xf32, #tpu.memory_space<hbm>>
      %dma_start3A_616 = arith.constant 0 : i32
      %dma_start3A_617 = arith.constant 896 : i32
      %dma_start3A_618 = tpu.memref_slice %arg9[%dma_start3A_616, %dma_start3A_617] : memref<16x1024xf32, #tpu.memory_space<vmem>> -> memref<16x128xf32, #tpu.memory_space<vmem>>
      %dma_start3A_619 = arith.constant 0 : i32
      %dma_start3A_620 = tpu.memref_slice %arg4[%dma_start3A_619, %multiple_of3A_581] : memref<16x1000000xf32, #tpu.memory_space<hbm>> -> memref<16x128xf32, #tpu.memory_space<hbm>>
      tpu.enqueue_dma source(%dma_start3A_620 : memref<16x128xf32, #tpu.memory_space<hbm>>) target(%dma_start3A_618 : memref<16x128xf32, #tpu.memory_space<vmem>>) target_semaphore(%arg15 : memref<!tpu.dma_semaphore, #tpu.memory_space<semaphore_mem>>)
      %dma_start3A_621 = arith.constant 0 : i32
      %dma_start3A_622 = arith.constant 896 : i32
      %dma_start3A_623 = tpu.memref_slice %arg11[%dma_start3A_621, %dma_start3A_622] : memref<16x1024xf32, #tpu.memory_space<vmem>> -> memref<16x128xf32, #tpu.memory_space<vmem>>
      %dma_start3A_624 = arith.constant 0 : i32
      %dma_start3A_625 = tpu.memref_slice %arg5[%dma_start3A_624, %multiple_of3A_610] : memref<16x1000000xf32, #tpu.memory_space<hbm>> -> memref<16x128xf32, #tpu.memory_space<hbm>>
      %dma_start3A_626 = arith.constant 0 : i32
      %dma_start3A_627 = arith.constant 896 : i32
      %dma_start3A_628 = tpu.memref_slice %arg11[%dma_start3A_626, %dma_start3A_627] : memref<16x1024xf32, #tpu.memory_space<vmem>> -> memref<16x128xf32, #tpu.memory_space<vmem>>
      %dma_start3A_629 = arith.constant 0 : i32
      %dma_start3A_630 = tpu.memref_slice %arg5[%dma_start3A_629, %multiple_of3A_610] : memref<16x1000000xf32, #tpu.memory_space<hbm>> -> memref<16x128xf32, #tpu.memory_space<hbm>>
      tpu.enqueue_dma source(%dma_start3A_630 : memref<16x128xf32, #tpu.memory_space<hbm>>) target(%dma_start3A_628 : memref<16x128xf32, #tpu.memory_space<vmem>>) target_semaphore(%arg17 : memref<!tpu.dma_semaphore, #tpu.memory_space<semaphore_mem>>)
      %slice3A_631 = vector.extract_strided_slice %get3A_16 {offsets = [8], sizes = [1], strides = [1]} : vector<16xi32> to vector<1xi32>
      %squeeze3A_632 = vector.extract %slice3A_631[0] : i32 from vector<1xi32>
      %jit3A_633 = arith.constant 128 : i32
      %div3A_634 = arith.divsi %squeeze3A_632, %jit3A_633 : i32
      %sign3A_635 = arith.constant 0 : i32
      %sign3A_636 = arith.cmpi sgt, %squeeze3A_632, %sign3A_635 : i32
      %sign3A_637 = arith.extui %sign3A_636 : i1 to i32
      %sign3A_638 = arith.constant 0 : i32
      %sign3A_639 = arith.cmpi slt, %squeeze3A_632, %sign3A_638 : i32
      %sign3A_640 = arith.extui %sign3A_639 : i1 to i32
      %sign3A_641 = arith.subi %sign3A_637, %sign3A_640 : i32
      %sign3A_642 = arith.constant 0 : i32
      %sign3A_643 = arith.cmpi sgt, %jit3A_633, %sign3A_642 : i32
      %sign3A_644 = arith.extui %sign3A_643 : i1 to i32
      %sign3A_645 = arith.constant 0 : i32
      %sign3A_646 = arith.cmpi slt, %jit3A_633, %sign3A_645 : i32
      %sign3A_647 = arith.extui %sign3A_646 : i1 to i32
      %sign3A_648 = arith.subi %sign3A_644, %sign3A_647 : i32
      %ne3A_649 = arith.cmpi ne, %sign3A_641, %sign3A_648 : i32
      %rem3A_650 = arith.remsi %squeeze3A_632, %jit3A_633 : i32
      %ne3A_651 = arith.constant 0 : i32
      %ne3A_652 = arith.cmpi ne, %rem3A_650, %ne3A_651 : i32
      %and3A_653 = arith.andi %ne3A_649, %ne3A_652 : i1
      %sub3A_654 = arith.constant 1 : i32
      %sub3A_655 = arith.subi %div3A_634, %sub3A_654 : i32
      %select_n3A_656 = arith.select %and3A_653, %sub3A_655, %div3A_634 : i32
      %mul3A_657 = arith.constant 128 : i32
      %mul3A_658 = arith.muli %select_n3A_656, %mul3A_657 : i32
      %multiple_of3A_659 = tpu.assume_multiple %mul3A_658, 128 : i32
      %slice3A_660 = vector.extract_strided_slice %get3A_18 {offsets = [8], sizes = [1], strides = [1]} : vector<16xi32> to vector<1xi32>
      %squeeze3A_661 = vector.extract %slice3A_660[0] : i32 from vector<1xi32>
      %jit3A_662 = arith.constant 128 : i32
      %div3A_663 = arith.divsi %squeeze3A_661, %jit3A_662 : i32
      %sign3A_664 = arith.constant 0 : i32
      %sign3A_665 = arith.cmpi sgt, %squeeze3A_661, %sign3A_664 : i32
      %sign3A_666 = arith.extui %sign3A_665 : i1 to i32
      %sign3A_667 = arith.constant 0 : i32
      %sign3A_668 = arith.cmpi slt, %squeeze3A_661, %sign3A_667 : i32
      %sign3A_669 = arith.extui %sign3A_668 : i1 to i32
      %sign3A_670 = arith.subi %sign3A_666, %sign3A_669 : i32
      %sign3A_671 = arith.constant 0 : i32
      %sign3A_672 = arith.cmpi sgt, %jit3A_662, %sign3A_671 : i32
      %sign3A_673 = arith.extui %sign3A_672 : i1 to i32
      %sign3A_674 = arith.constant 0 : i32
      %sign3A_675 = arith.cmpi slt, %jit3A_662, %sign3A_674 : i32
      %sign3A_676 = arith.extui %sign3A_675 : i1 to i32
      %sign3A_677 = arith.subi %sign3A_673, %sign3A_676 : i32
      %ne3A_678 = arith.cmpi ne, %sign3A_670, %sign3A_677 : i32
      %rem3A_679 = arith.remsi %squeeze3A_661, %jit3A_662 : i32
      %ne3A_680 = arith.constant 0 : i32
      %ne3A_681 = arith.cmpi ne, %rem3A_679, %ne3A_680 : i32
      %and3A_682 = arith.andi %ne3A_678, %ne3A_681 : i1
      %sub3A_683 = arith.constant 1 : i32
      %sub3A_684 = arith.subi %div3A_663, %sub3A_683 : i32
      %select_n3A_685 = arith.select %and3A_682, %sub3A_684, %div3A_663 : i32
      %mul3A_686 = arith.constant 128 : i32
      %mul3A_687 = arith.muli %select_n3A_685, %mul3A_686 : i32
      %multiple_of3A_688 = tpu.assume_multiple %mul3A_687, 128 : i32
      %dma_start3A_689 = arith.constant 0 : i32
      %dma_start3A_690 = arith.constant 0 : i32
      %dma_start3A_691 = tpu.memref_slice %arg10[%dma_start3A_689, %dma_start3A_690] : memref<16x1024xf32, #tpu.memory_space<vmem>> -> memref<16x128xf32, #tpu.memory_space<vmem>>
      %dma_start3A_692 = arith.constant 0 : i32
      %dma_start3A_693 = tpu.memref_slice %arg4[%dma_start3A_692, %multiple_of3A_659] : memref<16x1000000xf32, #tpu.memory_space<hbm>> -> memref<16x128xf32, #tpu.memory_space<hbm>>
      %dma_start3A_694 = arith.constant 0 : i32
      %dma_start3A_695 = arith.constant 0 : i32
      %dma_start3A_696 = tpu.memref_slice %arg10[%dma_start3A_694, %dma_start3A_695] : memref<16x1024xf32, #tpu.memory_space<vmem>> -> memref<16x128xf32, #tpu.memory_space<vmem>>
      %dma_start3A_697 = arith.constant 0 : i32
      %dma_start3A_698 = tpu.memref_slice %arg4[%dma_start3A_697, %multiple_of3A_659] : memref<16x1000000xf32, #tpu.memory_space<hbm>> -> memref<16x128xf32, #tpu.memory_space<hbm>>
      tpu.enqueue_dma source(%dma_start3A_698 : memref<16x128xf32, #tpu.memory_space<hbm>>) target(%dma_start3A_696 : memref<16x128xf32, #tpu.memory_space<vmem>>) target_semaphore(%arg16 : memref<!tpu.dma_semaphore, #tpu.memory_space<semaphore_mem>>)
      %dma_start3A_699 = arith.constant 0 : i32
      %dma_start3A_700 = arith.constant 0 : i32
      %dma_start3A_701 = tpu.memref_slice %arg12[%dma_start3A_699, %dma_start3A_700] : memref<16x1024xf32, #tpu.memory_space<vmem>> -> memref<16x128xf32, #tpu.memory_space<vmem>>
      %dma_start3A_702 = arith.constant 0 : i32
      %dma_start3A_703 = tpu.memref_slice %arg5[%dma_start3A_702, %multiple_of3A_688] : memref<16x1000000xf32, #tpu.memory_space<hbm>> -> memref<16x128xf32, #tpu.memory_space<hbm>>
      %dma_start3A_704 = arith.constant 0 : i32
      %dma_start3A_705 = arith.constant 0 : i32
      %dma_start3A_706 = tpu.memref_slice %arg12[%dma_start3A_704, %dma_start3A_705] : memref<16x1024xf32, #tpu.memory_space<vmem>> -> memref<16x128xf32, #tpu.memory_space<vmem>>
      %dma_start3A_707 = arith.constant 0 : i32
      %dma_start3A_708 = tpu.memref_slice %arg5[%dma_start3A_707, %multiple_of3A_688] : memref<16x1000000xf32, #tpu.memory_space<hbm>> -> memref<16x128xf32, #tpu.memory_space<hbm>>
      tpu.enqueue_dma source(%dma_start3A_708 : memref<16x128xf32, #tpu.memory_space<hbm>>) target(%dma_start3A_706 : memref<16x128xf32, #tpu.memory_space<vmem>>) target_semaphore(%arg18 : memref<!tpu.dma_semaphore, #tpu.memory_space<semaphore_mem>>)
      %slice3A_709 = vector.extract_strided_slice %get3A_16 {offsets = [9], sizes = [1], strides = [1]} : vector<16xi32> to vector<1xi32>
      %squeeze3A_710 = vector.extract %slice3A_709[0] : i32 from vector<1xi32>
      %jit3A_711 = arith.constant 128 : i32
      %div3A_712 = arith.divsi %squeeze3A_710, %jit3A_711 : i32
      %sign3A_713 = arith.constant 0 : i32
      %sign3A_714 = arith.cmpi sgt, %squeeze3A_710, %sign3A_713 : i32
      %sign3A_715 = arith.extui %sign3A_714 : i1 to i32
      %sign3A_716 = arith.constant 0 : i32
      %sign3A_717 = arith.cmpi slt, %squeeze3A_710, %sign3A_716 : i32
      %sign3A_718 = arith.extui %sign3A_717 : i1 to i32
      %sign3A_719 = arith.subi %sign3A_715, %sign3A_718 : i32
      %sign3A_720 = arith.constant 0 : i32
      %sign3A_721 = arith.cmpi sgt, %jit3A_711, %sign3A_720 : i32
      %sign3A_722 = arith.extui %sign3A_721 : i1 to i32
      %sign3A_723 = arith.constant 0 : i32
      %sign3A_724 = arith.cmpi slt, %jit3A_711, %sign3A_723 : i32
      %sign3A_725 = arith.extui %sign3A_724 : i1 to i32
      %sign3A_726 = arith.subi %sign3A_722, %sign3A_725 : i32
      %ne3A_727 = arith.cmpi ne, %sign3A_719, %sign3A_726 : i32
      %rem3A_728 = arith.remsi %squeeze3A_710, %jit3A_711 : i32
      %ne3A_729 = arith.constant 0 : i32
      %ne3A_730 = arith.cmpi ne, %rem3A_728, %ne3A_729 : i32
      %and3A_731 = arith.andi %ne3A_727, %ne3A_730 : i1
      %sub3A_732 = arith.constant 1 : i32
      %sub3A_733 = arith.subi %div3A_712, %sub3A_732 : i32
      %select_n3A_734 = arith.select %and3A_731, %sub3A_733, %div3A_712 : i32
      %mul3A_735 = arith.constant 128 : i32
      %mul3A_736 = arith.muli %select_n3A_734, %mul3A_735 : i32
      %multiple_of3A_737 = tpu.assume_multiple %mul3A_736, 128 : i32
      %slice3A_738 = vector.extract_strided_slice %get3A_18 {offsets = [9], sizes = [1], strides = [1]} : vector<16xi32> to vector<1xi32>
      %squeeze3A_739 = vector.extract %slice3A_738[0] : i32 from vector<1xi32>
      %jit3A_740 = arith.constant 128 : i32
      %div3A_741 = arith.divsi %squeeze3A_739, %jit3A_740 : i32
      %sign3A_742 = arith.constant 0 : i32
      %sign3A_743 = arith.cmpi sgt, %squeeze3A_739, %sign3A_742 : i32
      %sign3A_744 = arith.extui %sign3A_743 : i1 to i32
      %sign3A_745 = arith.constant 0 : i32
      %sign3A_746 = arith.cmpi slt, %squeeze3A_739, %sign3A_745 : i32
      %sign3A_747 = arith.extui %sign3A_746 : i1 to i32
      %sign3A_748 = arith.subi %sign3A_744, %sign3A_747 : i32
      %sign3A_749 = arith.constant 0 : i32
      %sign3A_750 = arith.cmpi sgt, %jit3A_740, %sign3A_749 : i32
      %sign3A_751 = arith.extui %sign3A_750 : i1 to i32
      %sign3A_752 = arith.constant 0 : i32
      %sign3A_753 = arith.cmpi slt, %jit3A_740, %sign3A_752 : i32
      %sign3A_754 = arith.extui %sign3A_753 : i1 to i32
      %sign3A_755 = arith.subi %sign3A_751, %sign3A_754 : i32
      %ne3A_756 = arith.cmpi ne, %sign3A_748, %sign3A_755 : i32
      %rem3A_757 = arith.remsi %squeeze3A_739, %jit3A_740 : i32
      %ne3A_758 = arith.constant 0 : i32
      %ne3A_759 = arith.cmpi ne, %rem3A_757, %ne3A_758 : i32
      %and3A_760 = arith.andi %ne3A_756, %ne3A_759 : i1
      %sub3A_761 = arith.constant 1 : i32
      %sub3A_762 = arith.subi %div3A_741, %sub3A_761 : i32
      %select_n3A_763 = arith.select %and3A_760, %sub3A_762, %div3A_741 : i32
      %mul3A_764 = arith.constant 128 : i32
      %mul3A_765 = arith.muli %select_n3A_763, %mul3A_764 : i32
      %multiple_of3A_766 = tpu.assume_multiple %mul3A_765, 128 : i32
      %dma_start3A_767 = arith.constant 0 : i32
      %dma_start3A_768 = arith.constant 128 : i32
      %dma_start3A_769 = tpu.memref_slice %arg10[%dma_start3A_767, %dma_start3A_768] : memref<16x1024xf32, #tpu.memory_space<vmem>> -> memref<16x128xf32, #tpu.memory_space<vmem>>
      %dma_start3A_770 = arith.constant 0 : i32
      %dma_start3A_771 = tpu.memref_slice %arg4[%dma_start3A_770, %multiple_of3A_737] : memref<16x1000000xf32, #tpu.memory_space<hbm>> -> memref<16x128xf32, #tpu.memory_space<hbm>>
      %dma_start3A_772 = arith.constant 0 : i32
      %dma_start3A_773 = arith.constant 128 : i32
      %dma_start3A_774 = tpu.memref_slice %arg10[%dma_start3A_772, %dma_start3A_773] : memref<16x1024xf32, #tpu.memory_space<vmem>> -> memref<16x128xf32, #tpu.memory_space<vmem>>
      %dma_start3A_775 = arith.constant 0 : i32
      %dma_start3A_776 = tpu.memref_slice %arg4[%dma_start3A_775, %multiple_of3A_737] : memref<16x1000000xf32, #tpu.memory_space<hbm>> -> memref<16x128xf32, #tpu.memory_space<hbm>>
      tpu.enqueue_dma source(%dma_start3A_776 : memref<16x128xf32, #tpu.memory_space<hbm>>) target(%dma_start3A_774 : memref<16x128xf32, #tpu.memory_space<vmem>>) target_semaphore(%arg16 : memref<!tpu.dma_semaphore, #tpu.memory_space<semaphore_mem>>)
      %dma_start3A_777 = arith.constant 0 : i32
      %dma_start3A_778 = arith.constant 128 : i32
      %dma_start3A_779 = tpu.memref_slice %arg12[%dma_start3A_777, %dma_start3A_778] : memref<16x1024xf32, #tpu.memory_space<vmem>> -> memref<16x128xf32, #tpu.memory_space<vmem>>
      %dma_start3A_780 = arith.constant 0 : i32
      %dma_start3A_781 = tpu.memref_slice %arg5[%dma_start3A_780, %multiple_of3A_766] : memref<16x1000000xf32, #tpu.memory_space<hbm>> -> memref<16x128xf32, #tpu.memory_space<hbm>>
      %dma_start3A_782 = arith.constant 0 : i32
      %dma_start3A_783 = arith.constant 128 : i32
      %dma_start3A_784 = tpu.memref_slice %arg12[%dma_start3A_782, %dma_start3A_783] : memref<16x1024xf32, #tpu.memory_space<vmem>> -> memref<16x128xf32, #tpu.memory_space<vmem>>
      %dma_start3A_785 = arith.constant 0 : i32
      %dma_start3A_786 = tpu.memref_slice %arg5[%dma_start3A_785, %multiple_of3A_766] : memref<16x1000000xf32, #tpu.memory_space<hbm>> -> memref<16x128xf32, #tpu.memory_space<hbm>>
      tpu.enqueue_dma source(%dma_start3A_786 : memref<16x128xf32, #tpu.memory_space<hbm>>) target(%dma_start3A_784 : memref<16x128xf32, #tpu.memory_space<vmem>>) target_semaphore(%arg18 : memref<!tpu.dma_semaphore, #tpu.memory_space<semaphore_mem>>)
      %slice3A_787 = vector.extract_strided_slice %get3A_16 {offsets = [10], sizes = [1], strides = [1]} : vector<16xi32> to vector<1xi32>
      %squeeze3A_788 = vector.extract %slice3A_787[0] : i32 from vector<1xi32>
      %jit3A_789 = arith.constant 128 : i32
      %div3A_790 = arith.divsi %squeeze3A_788, %jit3A_789 : i32
      %sign3A_791 = arith.constant 0 : i32
      %sign3A_792 = arith.cmpi sgt, %squeeze3A_788, %sign3A_791 : i32
      %sign3A_793 = arith.extui %sign3A_792 : i1 to i32
      %sign3A_794 = arith.constant 0 : i32
      %sign3A_795 = arith.cmpi slt, %squeeze3A_788, %sign3A_794 : i32
      %sign3A_796 = arith.extui %sign3A_795 : i1 to i32
      %sign3A_797 = arith.subi %sign3A_793, %sign3A_796 : i32
      %sign3A_798 = arith.constant 0 : i32
      %sign3A_799 = arith.cmpi sgt, %jit3A_789, %sign3A_798 : i32
      %sign3A_800 = arith.extui %sign3A_799 : i1 to i32
      %sign3A_801 = arith.constant 0 : i32
      %sign3A_802 = arith.cmpi slt, %jit3A_789, %sign3A_801 : i32
      %sign3A_803 = arith.extui %sign3A_802 : i1 to i32
      %sign3A_804 = arith.subi %sign3A_800, %sign3A_803 : i32
      %ne3A_805 = arith.cmpi ne, %sign3A_797, %sign3A_804 : i32
      %rem3A_806 = arith.remsi %squeeze3A_788, %jit3A_789 : i32
      %ne3A_807 = arith.constant 0 : i32
      %ne3A_808 = arith.cmpi ne, %rem3A_806, %ne3A_807 : i32
      %and3A_809 = arith.andi %ne3A_805, %ne3A_808 : i1
      %sub3A_810 = arith.constant 1 : i32
      %sub3A_811 = arith.subi %div3A_790, %sub3A_810 : i32
      %select_n3A_812 = arith.select %and3A_809, %sub3A_811, %div3A_790 : i32
      %mul3A_813 = arith.constant 128 : i32
      %mul3A_814 = arith.muli %select_n3A_812, %mul3A_813 : i32
      %multiple_of3A_815 = tpu.assume_multiple %mul3A_814, 128 : i32
      %slice3A_816 = vector.extract_strided_slice %get3A_18 {offsets = [10], sizes = [1], strides = [1]} : vector<16xi32> to vector<1xi32>
      %squeeze3A_817 = vector.extract %slice3A_816[0] : i32 from vector<1xi32>
      %jit3A_818 = arith.constant 128 : i32
      %div3A_819 = arith.divsi %squeeze3A_817, %jit3A_818 : i32
      %sign3A_820 = arith.constant 0 : i32
      %sign3A_821 = arith.cmpi sgt, %squeeze3A_817, %sign3A_820 : i32
      %sign3A_822 = arith.extui %sign3A_821 : i1 to i32
      %sign3A_823 = arith.constant 0 : i32
      %sign3A_824 = arith.cmpi slt, %squeeze3A_817, %sign3A_823 : i32
      %sign3A_825 = arith.extui %sign3A_824 : i1 to i32
      %sign3A_826 = arith.subi %sign3A_822, %sign3A_825 : i32
      %sign3A_827 = arith.constant 0 : i32
      %sign3A_828 = arith.cmpi sgt, %jit3A_818, %sign3A_827 : i32
      %sign3A_829 = arith.extui %sign3A_828 : i1 to i32
      %sign3A_830 = arith.constant 0 : i32
      %sign3A_831 = arith.cmpi slt, %jit3A_818, %sign3A_830 : i32
      %sign3A_832 = arith.extui %sign3A_831 : i1 to i32
      %sign3A_833 = arith.subi %sign3A_829, %sign3A_832 : i32
      %ne3A_834 = arith.cmpi ne, %sign3A_826, %sign3A_833 : i32
      %rem3A_835 = arith.remsi %squeeze3A_817, %jit3A_818 : i32
      %ne3A_836 = arith.constant 0 : i32
      %ne3A_837 = arith.cmpi ne, %rem3A_835, %ne3A_836 : i32
      %and3A_838 = arith.andi %ne3A_834, %ne3A_837 : i1
      %sub3A_839 = arith.constant 1 : i32
      %sub3A_840 = arith.subi %div3A_819, %sub3A_839 : i32
      %select_n3A_841 = arith.select %and3A_838, %sub3A_840, %div3A_819 : i32
      %mul3A_842 = arith.constant 128 : i32
      %mul3A_843 = arith.muli %select_n3A_841, %mul3A_842 : i32
      %multiple_of3A_844 = tpu.assume_multiple %mul3A_843, 128 : i32
      %dma_start3A_845 = arith.constant 0 : i32
      %dma_start3A_846 = arith.constant 256 : i32
      %dma_start3A_847 = tpu.memref_slice %arg10[%dma_start3A_845, %dma_start3A_846] : memref<16x1024xf32, #tpu.memory_space<vmem>> -> memref<16x128xf32, #tpu.memory_space<vmem>>
      %dma_start3A_848 = arith.constant 0 : i32
      %dma_start3A_849 = tpu.memref_slice %arg4[%dma_start3A_848, %multiple_of3A_815] : memref<16x1000000xf32, #tpu.memory_space<hbm>> -> memref<16x128xf32, #tpu.memory_space<hbm>>
      %dma_start3A_850 = arith.constant 0 : i32
      %dma_start3A_851 = arith.constant 256 : i32
      %dma_start3A_852 = tpu.memref_slice %arg10[%dma_start3A_850, %dma_start3A_851] : memref<16x1024xf32, #tpu.memory_space<vmem>> -> memref<16x128xf32, #tpu.memory_space<vmem>>
      %dma_start3A_853 = arith.constant 0 : i32
      %dma_start3A_854 = tpu.memref_slice %arg4[%dma_start3A_853, %multiple_of3A_815] : memref<16x1000000xf32, #tpu.memory_space<hbm>> -> memref<16x128xf32, #tpu.memory_space<hbm>>
      tpu.enqueue_dma source(%dma_start3A_854 : memref<16x128xf32, #tpu.memory_space<hbm>>) target(%dma_start3A_852 : memref<16x128xf32, #tpu.memory_space<vmem>>) target_semaphore(%arg16 : memref<!tpu.dma_semaphore, #tpu.memory_space<semaphore_mem>>)
      %dma_start3A_855 = arith.constant 0 : i32
      %dma_start3A_856 = arith.constant 256 : i32
      %dma_start3A_857 = tpu.memref_slice %arg12[%dma_start3A_855, %dma_start3A_856] : memref<16x1024xf32, #tpu.memory_space<vmem>> -> memref<16x128xf32, #tpu.memory_space<vmem>>
      %dma_start3A_858 = arith.constant 0 : i32
      %dma_start3A_859 = tpu.memref_slice %arg5[%dma_start3A_858, %multiple_of3A_844] : memref<16x1000000xf32, #tpu.memory_space<hbm>> -> memref<16x128xf32, #tpu.memory_space<hbm>>
      %dma_start3A_860 = arith.constant 0 : i32
      %dma_start3A_861 = arith.constant 256 : i32
      %dma_start3A_862 = tpu.memref_slice %arg12[%dma_start3A_860, %dma_start3A_861] : memref<16x1024xf32, #tpu.memory_space<vmem>> -> memref<16x128xf32, #tpu.memory_space<vmem>>
      %dma_start3A_863 = arith.constant 0 : i32
      %dma_start3A_864 = tpu.memref_slice %arg5[%dma_start3A_863, %multiple_of3A_844] : memref<16x1000000xf32, #tpu.memory_space<hbm>> -> memref<16x128xf32, #tpu.memory_space<hbm>>
      tpu.enqueue_dma source(%dma_start3A_864 : memref<16x128xf32, #tpu.memory_space<hbm>>) target(%dma_start3A_862 : memref<16x128xf32, #tpu.memory_space<vmem>>) target_semaphore(%arg18 : memref<!tpu.dma_semaphore, #tpu.memory_space<semaphore_mem>>)
      %slice3A_865 = vector.extract_strided_slice %get3A_16 {offsets = [11], sizes = [1], strides = [1]} : vector<16xi32> to vector<1xi32>
      %squeeze3A_866 = vector.extract %slice3A_865[0] : i32 from vector<1xi32>
      %jit3A_867 = arith.constant 128 : i32
      %div3A_868 = arith.divsi %squeeze3A_866, %jit3A_867 : i32
      %sign3A_869 = arith.constant 0 : i32
      %sign3A_870 = arith.cmpi sgt, %squeeze3A_866, %sign3A_869 : i32
      %sign3A_871 = arith.extui %sign3A_870 : i1 to i32
      %sign3A_872 = arith.constant 0 : i32
      %sign3A_873 = arith.cmpi slt, %squeeze3A_866, %sign3A_872 : i32
      %sign3A_874 = arith.extui %sign3A_873 : i1 to i32
      %sign3A_875 = arith.subi %sign3A_871, %sign3A_874 : i32
      %sign3A_876 = arith.constant 0 : i32
      %sign3A_877 = arith.cmpi sgt, %jit3A_867, %sign3A_876 : i32
      %sign3A_878 = arith.extui %sign3A_877 : i1 to i32
      %sign3A_879 = arith.constant 0 : i32
      %sign3A_880 = arith.cmpi slt, %jit3A_867, %sign3A_879 : i32
      %sign3A_881 = arith.extui %sign3A_880 : i1 to i32
      %sign3A_882 = arith.subi %sign3A_878, %sign3A_881 : i32
      %ne3A_883 = arith.cmpi ne, %sign3A_875, %sign3A_882 : i32
      %rem3A_884 = arith.remsi %squeeze3A_866, %jit3A_867 : i32
      %ne3A_885 = arith.constant 0 : i32
      %ne3A_886 = arith.cmpi ne, %rem3A_884, %ne3A_885 : i32
      %and3A_887 = arith.andi %ne3A_883, %ne3A_886 : i1
      %sub3A_888 = arith.constant 1 : i32
      %sub3A_889 = arith.subi %div3A_868, %sub3A_888 : i32
      %select_n3A_890 = arith.select %and3A_887, %sub3A_889, %div3A_868 : i32
      %mul3A_891 = arith.constant 128 : i32
      %mul3A_892 = arith.muli %select_n3A_890, %mul3A_891 : i32
      %multiple_of3A_893 = tpu.assume_multiple %mul3A_892, 128 : i32
      %slice3A_894 = vector.extract_strided_slice %get3A_18 {offsets = [11], sizes = [1], strides = [1]} : vector<16xi32> to vector<1xi32>
      %squeeze3A_895 = vector.extract %slice3A_894[0] : i32 from vector<1xi32>
      %jit3A_896 = arith.constant 128 : i32
      %div3A_897 = arith.divsi %squeeze3A_895, %jit3A_896 : i32
      %sign3A_898 = arith.constant 0 : i32
      %sign3A_899 = arith.cmpi sgt, %squeeze3A_895, %sign3A_898 : i32
      %sign3A_900 = arith.extui %sign3A_899 : i1 to i32
      %sign3A_901 = arith.constant 0 : i32
      %sign3A_902 = arith.cmpi slt, %squeeze3A_895, %sign3A_901 : i32
      %sign3A_903 = arith.extui %sign3A_902 : i1 to i32
      %sign3A_904 = arith.subi %sign3A_900, %sign3A_903 : i32
      %sign3A_905 = arith.constant 0 : i32
      %sign3A_906 = arith.cmpi sgt, %jit3A_896, %sign3A_905 : i32
      %sign3A_907 = arith.extui %sign3A_906 : i1 to i32
      %sign3A_908 = arith.constant 0 : i32
      %sign3A_909 = arith.cmpi slt, %jit3A_896, %sign3A_908 : i32
      %sign3A_910 = arith.extui %sign3A_909 : i1 to i32
      %sign3A_911 = arith.subi %sign3A_907, %sign3A_910 : i32
      %ne3A_912 = arith.cmpi ne, %sign3A_904, %sign3A_911 : i32
      %rem3A_913 = arith.remsi %squeeze3A_895, %jit3A_896 : i32
      %ne3A_914 = arith.constant 0 : i32
      %ne3A_915 = arith.cmpi ne, %rem3A_913, %ne3A_914 : i32
      %and3A_916 = arith.andi %ne3A_912, %ne3A_915 : i1
      %sub3A_917 = arith.constant 1 : i32
      %sub3A_918 = arith.subi %div3A_897, %sub3A_917 : i32
      %select_n3A_919 = arith.select %and3A_916, %sub3A_918, %div3A_897 : i32
      %mul3A_920 = arith.constant 128 : i32
      %mul3A_921 = arith.muli %select_n3A_919, %mul3A_920 : i32
      %multiple_of3A_922 = tpu.assume_multiple %mul3A_921, 128 : i32
      %dma_start3A_923 = arith.constant 0 : i32
      %dma_start3A_924 = arith.constant 384 : i32
      %dma_start3A_925 = tpu.memref_slice %arg10[%dma_start3A_923, %dma_start3A_924] : memref<16x1024xf32, #tpu.memory_space<vmem>> -> memref<16x128xf32, #tpu.memory_space<vmem>>
      %dma_start3A_926 = arith.constant 0 : i32
      %dma_start3A_927 = tpu.memref_slice %arg4[%dma_start3A_926, %multiple_of3A_893] : memref<16x1000000xf32, #tpu.memory_space<hbm>> -> memref<16x128xf32, #tpu.memory_space<hbm>>
      %dma_start3A_928 = arith.constant 0 : i32
      %dma_start3A_929 = arith.constant 384 : i32
      %dma_start3A_930 = tpu.memref_slice %arg10[%dma_start3A_928, %dma_start3A_929] : memref<16x1024xf32, #tpu.memory_space<vmem>> -> memref<16x128xf32, #tpu.memory_space<vmem>>
      %dma_start3A_931 = arith.constant 0 : i32
      %dma_start3A_932 = tpu.memref_slice %arg4[%dma_start3A_931, %multiple_of3A_893] : memref<16x1000000xf32, #tpu.memory_space<hbm>> -> memref<16x128xf32, #tpu.memory_space<hbm>>
      tpu.enqueue_dma source(%dma_start3A_932 : memref<16x128xf32, #tpu.memory_space<hbm>>) target(%dma_start3A_930 : memref<16x128xf32, #tpu.memory_space<vmem>>) target_semaphore(%arg16 : memref<!tpu.dma_semaphore, #tpu.memory_space<semaphore_mem>>)
      %dma_start3A_933 = arith.constant 0 : i32
      %dma_start3A_934 = arith.constant 384 : i32
      %dma_start3A_935 = tpu.memref_slice %arg12[%dma_start3A_933, %dma_start3A_934] : memref<16x1024xf32, #tpu.memory_space<vmem>> -> memref<16x128xf32, #tpu.memory_space<vmem>>
      %dma_start3A_936 = arith.constant 0 : i32
      %dma_start3A_937 = tpu.memref_slice %arg5[%dma_start3A_936, %multiple_of3A_922] : memref<16x1000000xf32, #tpu.memory_space<hbm>> -> memref<16x128xf32, #tpu.memory_space<hbm>>
      %dma_start3A_938 = arith.constant 0 : i32
      %dma_start3A_939 = arith.constant 384 : i32
      %dma_start3A_940 = tpu.memref_slice %arg12[%dma_start3A_938, %dma_start3A_939] : memref<16x1024xf32, #tpu.memory_space<vmem>> -> memref<16x128xf32, #tpu.memory_space<vmem>>
      %dma_start3A_941 = arith.constant 0 : i32
      %dma_start3A_942 = tpu.memref_slice %arg5[%dma_start3A_941, %multiple_of3A_922] : memref<16x1000000xf32, #tpu.memory_space<hbm>> -> memref<16x128xf32, #tpu.memory_space<hbm>>
      tpu.enqueue_dma source(%dma_start3A_942 : memref<16x128xf32, #tpu.memory_space<hbm>>) target(%dma_start3A_940 : memref<16x128xf32, #tpu.memory_space<vmem>>) target_semaphore(%arg18 : memref<!tpu.dma_semaphore, #tpu.memory_space<semaphore_mem>>)
      %slice3A_943 = vector.extract_strided_slice %get3A_16 {offsets = [12], sizes = [1], strides = [1]} : vector<16xi32> to vector<1xi32>
      %squeeze3A_944 = vector.extract %slice3A_943[0] : i32 from vector<1xi32>
      %jit3A_945 = arith.constant 128 : i32
      %div3A_946 = arith.divsi %squeeze3A_944, %jit3A_945 : i32
      %sign3A_947 = arith.constant 0 : i32
      %sign3A_948 = arith.cmpi sgt, %squeeze3A_944, %sign3A_947 : i32
      %sign3A_949 = arith.extui %sign3A_948 : i1 to i32
      %sign3A_950 = arith.constant 0 : i32
      %sign3A_951 = arith.cmpi slt, %squeeze3A_944, %sign3A_950 : i32
      %sign3A_952 = arith.extui %sign3A_951 : i1 to i32
      %sign3A_953 = arith.subi %sign3A_949, %sign3A_952 : i32
      %sign3A_954 = arith.constant 0 : i32
      %sign3A_955 = arith.cmpi sgt, %jit3A_945, %sign3A_954 : i32
      %sign3A_956 = arith.extui %sign3A_955 : i1 to i32
      %sign3A_957 = arith.constant 0 : i32
      %sign3A_958 = arith.cmpi slt, %jit3A_945, %sign3A_957 : i32
      %sign3A_959 = arith.extui %sign3A_958 : i1 to i32
      %sign3A_960 = arith.subi %sign3A_956, %sign3A_959 : i32
      %ne3A_961 = arith.cmpi ne, %sign3A_953, %sign3A_960 : i32
      %rem3A_962 = arith.remsi %squeeze3A_944, %jit3A_945 : i32
      %ne3A_963 = arith.constant 0 : i32
      %ne3A_964 = arith.cmpi ne, %rem3A_962, %ne3A_963 : i32
      %and3A_965 = arith.andi %ne3A_961, %ne3A_964 : i1
      %sub3A_966 = arith.constant 1 : i32
      %sub3A_967 = arith.subi %div3A_946, %sub3A_966 : i32
      %select_n3A_968 = arith.select %and3A_965, %sub3A_967, %div3A_946 : i32
      %mul3A_969 = arith.constant 128 : i32
      %mul3A_970 = arith.muli %select_n3A_968, %mul3A_969 : i32
      %multiple_of3A_971 = tpu.assume_multiple %mul3A_970, 128 : i32
      %slice3A_972 = vector.extract_strided_slice %get3A_18 {offsets = [12], sizes = [1], strides = [1]} : vector<16xi32> to vector<1xi32>
      %squeeze3A_973 = vector.extract %slice3A_972[0] : i32 from vector<1xi32>
      %jit3A_974 = arith.constant 128 : i32
      %div3A_975 = arith.divsi %squeeze3A_973, %jit3A_974 : i32
      %sign3A_976 = arith.constant 0 : i32
      %sign3A_977 = arith.cmpi sgt, %squeeze3A_973, %sign3A_976 : i32
      %sign3A_978 = arith.extui %sign3A_977 : i1 to i32
      %sign3A_979 = arith.constant 0 : i32
      %sign3A_980 = arith.cmpi slt, %squeeze3A_973, %sign3A_979 : i32
      %sign3A_981 = arith.extui %sign3A_980 : i1 to i32
      %sign3A_982 = arith.subi %sign3A_978, %sign3A_981 : i32
      %sign3A_983 = arith.constant 0 : i32
      %sign3A_984 = arith.cmpi sgt, %jit3A_974, %sign3A_983 : i32
      %sign3A_985 = arith.extui %sign3A_984 : i1 to i32
      %sign3A_986 = arith.constant 0 : i32
      %sign3A_987 = arith.cmpi slt, %jit3A_974, %sign3A_986 : i32
      %sign3A_988 = arith.extui %sign3A_987 : i1 to i32
      %sign3A_989 = arith.subi %sign3A_985, %sign3A_988 : i32
      %ne3A_990 = arith.cmpi ne, %sign3A_982, %sign3A_989 : i32
      %rem3A_991 = arith.remsi %squeeze3A_973, %jit3A_974 : i32
      %ne3A_992 = arith.constant 0 : i32
      %ne3A_993 = arith.cmpi ne, %rem3A_991, %ne3A_992 : i32
      %and3A_994 = arith.andi %ne3A_990, %ne3A_993 : i1
      %sub3A_995 = arith.constant 1 : i32
      %sub3A_996 = arith.subi %div3A_975, %sub3A_995 : i32
      %select_n3A_997 = arith.select %and3A_994, %sub3A_996, %div3A_975 : i32
      %mul3A_998 = arith.constant 128 : i32
      %mul3A_999 = arith.muli %select_n3A_997, %mul3A_998 : i32
      %multiple_of3A_1000 = tpu.assume_multiple %mul3A_999, 128 : i32
      %dma_start3A_1001 = arith.constant 0 : i32
      %dma_start3A_1002 = arith.constant 512 : i32
      %dma_start3A_1003 = tpu.memref_slice %arg10[%dma_start3A_1001, %dma_start3A_1002] : memref<16x1024xf32, #tpu.memory_space<vmem>> -> memref<16x128xf32, #tpu.memory_space<vmem>>
      %dma_start3A_1004 = arith.constant 0 : i32
      %dma_start3A_1005 = tpu.memref_slice %arg4[%dma_start3A_1004, %multiple_of3A_971] : memref<16x1000000xf32, #tpu.memory_space<hbm>> -> memref<16x128xf32, #tpu.memory_space<hbm>>
      %dma_start3A_1006 = arith.constant 0 : i32
      %dma_start3A_1007 = arith.constant 512 : i32
      %dma_start3A_1008 = tpu.memref_slice %arg10[%dma_start3A_1006, %dma_start3A_1007] : memref<16x1024xf32, #tpu.memory_space<vmem>> -> memref<16x128xf32, #tpu.memory_space<vmem>>
      %dma_start3A_1009 = arith.constant 0 : i32
      %dma_start3A_1010 = tpu.memref_slice %arg4[%dma_start3A_1009, %multiple_of3A_971] : memref<16x1000000xf32, #tpu.memory_space<hbm>> -> memref<16x128xf32, #tpu.memory_space<hbm>>
      tpu.enqueue_dma source(%dma_start3A_1010 : memref<16x128xf32, #tpu.memory_space<hbm>>) target(%dma_start3A_1008 : memref<16x128xf32, #tpu.memory_space<vmem>>) target_semaphore(%arg16 : memref<!tpu.dma_semaphore, #tpu.memory_space<semaphore_mem>>)
      %dma_start3A_1011 = arith.constant 0 : i32
      %dma_start3A_1012 = arith.constant 512 : i32
      %dma_start3A_1013 = tpu.memref_slice %arg12[%dma_start3A_1011, %dma_start3A_1012] : memref<16x1024xf32, #tpu.memory_space<vmem>> -> memref<16x128xf32, #tpu.memory_space<vmem>>
      %dma_start3A_1014 = arith.constant 0 : i32
      %dma_start3A_1015 = tpu.memref_slice %arg5[%dma_start3A_1014, %multiple_of3A_1000] : memref<16x1000000xf32, #tpu.memory_space<hbm>> -> memref<16x128xf32, #tpu.memory_space<hbm>>
      %dma_start3A_1016 = arith.constant 0 : i32
      %dma_start3A_1017 = arith.constant 512 : i32
      %dma_start3A_1018 = tpu.memref_slice %arg12[%dma_start3A_1016, %dma_start3A_1017] : memref<16x1024xf32, #tpu.memory_space<vmem>> -> memref<16x128xf32, #tpu.memory_space<vmem>>
      %dma_start3A_1019 = arith.constant 0 : i32
      %dma_start3A_1020 = tpu.memref_slice %arg5[%dma_start3A_1019, %multiple_of3A_1000] : memref<16x1000000xf32, #tpu.memory_space<hbm>> -> memref<16x128xf32, #tpu.memory_space<hbm>>
      tpu.enqueue_dma source(%dma_start3A_1020 : memref<16x128xf32, #tpu.memory_space<hbm>>) target(%dma_start3A_1018 : memref<16x128xf32, #tpu.memory_space<vmem>>) target_semaphore(%arg18 : memref<!tpu.dma_semaphore, #tpu.memory_space<semaphore_mem>>)
      %slice3A_1021 = vector.extract_strided_slice %get3A_16 {offsets = [13], sizes = [1], strides = [1]} : vector<16xi32> to vector<1xi32>
      %squeeze3A_1022 = vector.extract %slice3A_1021[0] : i32 from vector<1xi32>
      %jit3A_1023 = arith.constant 128 : i32
      %div3A_1024 = arith.divsi %squeeze3A_1022, %jit3A_1023 : i32
      %sign3A_1025 = arith.constant 0 : i32
      %sign3A_1026 = arith.cmpi sgt, %squeeze3A_1022, %sign3A_1025 : i32
      %sign3A_1027 = arith.extui %sign3A_1026 : i1 to i32
      %sign3A_1028 = arith.constant 0 : i32
      %sign3A_1029 = arith.cmpi slt, %squeeze3A_1022, %sign3A_1028 : i32
      %sign3A_1030 = arith.extui %sign3A_1029 : i1 to i32
      %sign3A_1031 = arith.subi %sign3A_1027, %sign3A_1030 : i32
      %sign3A_1032 = arith.constant 0 : i32
      %sign3A_1033 = arith.cmpi sgt, %jit3A_1023, %sign3A_1032 : i32
      %sign3A_1034 = arith.extui %sign3A_1033 : i1 to i32
      %sign3A_1035 = arith.constant 0 : i32
      %sign3A_1036 = arith.cmpi slt, %jit3A_1023, %sign3A_1035 : i32
      %sign3A_1037 = arith.extui %sign3A_1036 : i1 to i32
      %sign3A_1038 = arith.subi %sign3A_1034, %sign3A_1037 : i32
      %ne3A_1039 = arith.cmpi ne, %sign3A_1031, %sign3A_1038 : i32
      %rem3A_1040 = arith.remsi %squeeze3A_1022, %jit3A_1023 : i32
      %ne3A_1041 = arith.constant 0 : i32
      %ne3A_1042 = arith.cmpi ne, %rem3A_1040, %ne3A_1041 : i32
      %and3A_1043 = arith.andi %ne3A_1039, %ne3A_1042 : i1
      %sub3A_1044 = arith.constant 1 : i32
      %sub3A_1045 = arith.subi %div3A_1024, %sub3A_1044 : i32
      %select_n3A_1046 = arith.select %and3A_1043, %sub3A_1045, %div3A_1024 : i32
      %mul3A_1047 = arith.constant 128 : i32
      %mul3A_1048 = arith.muli %select_n3A_1046, %mul3A_1047 : i32
      %multiple_of3A_1049 = tpu.assume_multiple %mul3A_1048, 128 : i32
      %slice3A_1050 = vector.extract_strided_slice %get3A_18 {offsets = [13], sizes = [1], strides = [1]} : vector<16xi32> to vector<1xi32>
      %squeeze3A_1051 = vector.extract %slice3A_1050[0] : i32 from vector<1xi32>
      %jit3A_1052 = arith.constant 128 : i32
      %div3A_1053 = arith.divsi %squeeze3A_1051, %jit3A_1052 : i32
      %sign3A_1054 = arith.constant 0 : i32
      %sign3A_1055 = arith.cmpi sgt, %squeeze3A_1051, %sign3A_1054 : i32
      %sign3A_1056 = arith.extui %sign3A_1055 : i1 to i32
      %sign3A_1057 = arith.constant 0 : i32
      %sign3A_1058 = arith.cmpi slt, %squeeze3A_1051, %sign3A_1057 : i32
      %sign3A_1059 = arith.extui %sign3A_1058 : i1 to i32
      %sign3A_1060 = arith.subi %sign3A_1056, %sign3A_1059 : i32
      %sign3A_1061 = arith.constant 0 : i32
      %sign3A_1062 = arith.cmpi sgt, %jit3A_1052, %sign3A_1061 : i32
      %sign3A_1063 = arith.extui %sign3A_1062 : i1 to i32
      %sign3A_1064 = arith.constant 0 : i32
      %sign3A_1065 = arith.cmpi slt, %jit3A_1052, %sign3A_1064 : i32
      %sign3A_1066 = arith.extui %sign3A_1065 : i1 to i32
      %sign3A_1067 = arith.subi %sign3A_1063, %sign3A_1066 : i32
      %ne3A_1068 = arith.cmpi ne, %sign3A_1060, %sign3A_1067 : i32
      %rem3A_1069 = arith.remsi %squeeze3A_1051, %jit3A_1052 : i32
      %ne3A_1070 = arith.constant 0 : i32
      %ne3A_1071 = arith.cmpi ne, %rem3A_1069, %ne3A_1070 : i32
      %and3A_1072 = arith.andi %ne3A_1068, %ne3A_1071 : i1
      %sub3A_1073 = arith.constant 1 : i32
      %sub3A_1074 = arith.subi %div3A_1053, %sub3A_1073 : i32
      %select_n3A_1075 = arith.select %and3A_1072, %sub3A_1074, %div3A_1053 : i32
      %mul3A_1076 = arith.constant 128 : i32
      %mul3A_1077 = arith.muli %select_n3A_1075, %mul3A_1076 : i32
      %multiple_of3A_1078 = tpu.assume_multiple %mul3A_1077, 128 : i32
      %dma_start3A_1079 = arith.constant 0 : i32
      %dma_start3A_1080 = arith.constant 640 : i32
      %dma_start3A_1081 = tpu.memref_slice %arg10[%dma_start3A_1079, %dma_start3A_1080] : memref<16x1024xf32, #tpu.memory_space<vmem>> -> memref<16x128xf32, #tpu.memory_space<vmem>>
      %dma_start3A_1082 = arith.constant 0 : i32
      %dma_start3A_1083 = tpu.memref_slice %arg4[%dma_start3A_1082, %multiple_of3A_1049] : memref<16x1000000xf32, #tpu.memory_space<hbm>> -> memref<16x128xf32, #tpu.memory_space<hbm>>
      %dma_start3A_1084 = arith.constant 0 : i32
      %dma_start3A_1085 = arith.constant 640 : i32
      %dma_start3A_1086 = tpu.memref_slice %arg10[%dma_start3A_1084, %dma_start3A_1085] : memref<16x1024xf32, #tpu.memory_space<vmem>> -> memref<16x128xf32, #tpu.memory_space<vmem>>
      %dma_start3A_1087 = arith.constant 0 : i32
      %dma_start3A_1088 = tpu.memref_slice %arg4[%dma_start3A_1087, %multiple_of3A_1049] : memref<16x1000000xf32, #tpu.memory_space<hbm>> -> memref<16x128xf32, #tpu.memory_space<hbm>>
      tpu.enqueue_dma source(%dma_start3A_1088 : memref<16x128xf32, #tpu.memory_space<hbm>>) target(%dma_start3A_1086 : memref<16x128xf32, #tpu.memory_space<vmem>>) target_semaphore(%arg16 : memref<!tpu.dma_semaphore, #tpu.memory_space<semaphore_mem>>)
      %dma_start3A_1089 = arith.constant 0 : i32
      %dma_start3A_1090 = arith.constant 640 : i32
      %dma_start3A_1091 = tpu.memref_slice %arg12[%dma_start3A_1089, %dma_start3A_1090] : memref<16x1024xf32, #tpu.memory_space<vmem>> -> memref<16x128xf32, #tpu.memory_space<vmem>>
      %dma_start3A_1092 = arith.constant 0 : i32
      %dma_start3A_1093 = tpu.memref_slice %arg5[%dma_start3A_1092, %multiple_of3A_1078] : memref<16x1000000xf32, #tpu.memory_space<hbm>> -> memref<16x128xf32, #tpu.memory_space<hbm>>
      %dma_start3A_1094 = arith.constant 0 : i32
      %dma_start3A_1095 = arith.constant 640 : i32
      %dma_start3A_1096 = tpu.memref_slice %arg12[%dma_start3A_1094, %dma_start3A_1095] : memref<16x1024xf32, #tpu.memory_space<vmem>> -> memref<16x128xf32, #tpu.memory_space<vmem>>
      %dma_start3A_1097 = arith.constant 0 : i32
      %dma_start3A_1098 = tpu.memref_slice %arg5[%dma_start3A_1097, %multiple_of3A_1078] : memref<16x1000000xf32, #tpu.memory_space<hbm>> -> memref<16x128xf32, #tpu.memory_space<hbm>>
      tpu.enqueue_dma source(%dma_start3A_1098 : memref<16x128xf32, #tpu.memory_space<hbm>>) target(%dma_start3A_1096 : memref<16x128xf32, #tpu.memory_space<vmem>>) target_semaphore(%arg18 : memref<!tpu.dma_semaphore, #tpu.memory_space<semaphore_mem>>)
      %slice3A_1099 = vector.extract_strided_slice %get3A_16 {offsets = [14], sizes = [1], strides = [1]} : vector<16xi32> to vector<1xi32>
      %squeeze3A_1100 = vector.extract %slice3A_1099[0] : i32 from vector<1xi32>
      %jit3A_1101 = arith.constant 128 : i32
      %div3A_1102 = arith.divsi %squeeze3A_1100, %jit3A_1101 : i32
      %sign3A_1103 = arith.constant 0 : i32
      %sign3A_1104 = arith.cmpi sgt, %squeeze3A_1100, %sign3A_1103 : i32
      %sign3A_1105 = arith.extui %sign3A_1104 : i1 to i32
      %sign3A_1106 = arith.constant 0 : i32
      %sign3A_1107 = arith.cmpi slt, %squeeze3A_1100, %sign3A_1106 : i32
      %sign3A_1108 = arith.extui %sign3A_1107 : i1 to i32
      %sign3A_1109 = arith.subi %sign3A_1105, %sign3A_1108 : i32
      %sign3A_1110 = arith.constant 0 : i32
      %sign3A_1111 = arith.cmpi sgt, %jit3A_1101, %sign3A_1110 : i32
      %sign3A_1112 = arith.extui %sign3A_1111 : i1 to i32
      %sign3A_1113 = arith.constant 0 : i32
      %sign3A_1114 = arith.cmpi slt, %jit3A_1101, %sign3A_1113 : i32
      %sign3A_1115 = arith.extui %sign3A_1114 : i1 to i32
      %sign3A_1116 = arith.subi %sign3A_1112, %sign3A_1115 : i32
      %ne3A_1117 = arith.cmpi ne, %sign3A_1109, %sign3A_1116 : i32
      %rem3A_1118 = arith.remsi %squeeze3A_1100, %jit3A_1101 : i32
      %ne3A_1119 = arith.constant 0 : i32
      %ne3A_1120 = arith.cmpi ne, %rem3A_1118, %ne3A_1119 : i32
      %and3A_1121 = arith.andi %ne3A_1117, %ne3A_1120 : i1
      %sub3A_1122 = arith.constant 1 : i32
      %sub3A_1123 = arith.subi %div3A_1102, %sub3A_1122 : i32
      %select_n3A_1124 = arith.select %and3A_1121, %sub3A_1123, %div3A_1102 : i32
      %mul3A_1125 = arith.constant 128 : i32
      %mul3A_1126 = arith.muli %select_n3A_1124, %mul3A_1125 : i32
      %multiple_of3A_1127 = tpu.assume_multiple %mul3A_1126, 128 : i32
      %slice3A_1128 = vector.extract_strided_slice %get3A_18 {offsets = [14], sizes = [1], strides = [1]} : vector<16xi32> to vector<1xi32>
      %squeeze3A_1129 = vector.extract %slice3A_1128[0] : i32 from vector<1xi32>
      %jit3A_1130 = arith.constant 128 : i32
      %div3A_1131 = arith.divsi %squeeze3A_1129, %jit3A_1130 : i32
      %sign3A_1132 = arith.constant 0 : i32
      %sign3A_1133 = arith.cmpi sgt, %squeeze3A_1129, %sign3A_1132 : i32
      %sign3A_1134 = arith.extui %sign3A_1133 : i1 to i32
      %sign3A_1135 = arith.constant 0 : i32
      %sign3A_1136 = arith.cmpi slt, %squeeze3A_1129, %sign3A_1135 : i32
      %sign3A_1137 = arith.extui %sign3A_1136 : i1 to i32
      %sign3A_1138 = arith.subi %sign3A_1134, %sign3A_1137 : i32
      %sign3A_1139 = arith.constant 0 : i32
      %sign3A_1140 = arith.cmpi sgt, %jit3A_1130, %sign3A_1139 : i32
      %sign3A_1141 = arith.extui %sign3A_1140 : i1 to i32
      %sign3A_1142 = arith.constant 0 : i32
      %sign3A_1143 = arith.cmpi slt, %jit3A_1130, %sign3A_1142 : i32
      %sign3A_1144 = arith.extui %sign3A_1143 : i1 to i32
      %sign3A_1145 = arith.subi %sign3A_1141, %sign3A_1144 : i32
      %ne3A_1146 = arith.cmpi ne, %sign3A_1138, %sign3A_1145 : i32
      %rem3A_1147 = arith.remsi %squeeze3A_1129, %jit3A_1130 : i32
      %ne3A_1148 = arith.constant 0 : i32
      %ne3A_1149 = arith.cmpi ne, %rem3A_1147, %ne3A_1148 : i32
      %and3A_1150 = arith.andi %ne3A_1146, %ne3A_1149 : i1
      %sub3A_1151 = arith.constant 1 : i32
      %sub3A_1152 = arith.subi %div3A_1131, %sub3A_1151 : i32
      %select_n3A_1153 = arith.select %and3A_1150, %sub3A_1152, %div3A_1131 : i32
      %mul3A_1154 = arith.constant 128 : i32
      %mul3A_1155 = arith.muli %select_n3A_1153, %mul3A_1154 : i32
      %multiple_of3A_1156 = tpu.assume_multiple %mul3A_1155, 128 : i32
      %dma_start3A_1157 = arith.constant 0 : i32
      %dma_start3A_1158 = arith.constant 768 : i32
      %dma_start3A_1159 = tpu.memref_slice %arg10[%dma_start3A_1157, %dma_start3A_1158] : memref<16x1024xf32, #tpu.memory_space<vmem>> -> memref<16x128xf32, #tpu.memory_space<vmem>>
      %dma_start3A_1160 = arith.constant 0 : i32
      %dma_start3A_1161 = tpu.memref_slice %arg4[%dma_start3A_1160, %multiple_of3A_1127] : memref<16x1000000xf32, #tpu.memory_space<hbm>> -> memref<16x128xf32, #tpu.memory_space<hbm>>
      %dma_start3A_1162 = arith.constant 0 : i32
      %dma_start3A_1163 = arith.constant 768 : i32
      %dma_start3A_1164 = tpu.memref_slice %arg10[%dma_start3A_1162, %dma_start3A_1163] : memref<16x1024xf32, #tpu.memory_space<vmem>> -> memref<16x128xf32, #tpu.memory_space<vmem>>
      %dma_start3A_1165 = arith.constant 0 : i32
      %dma_start3A_1166 = tpu.memref_slice %arg4[%dma_start3A_1165, %multiple_of3A_1127] : memref<16x1000000xf32, #tpu.memory_space<hbm>> -> memref<16x128xf32, #tpu.memory_space<hbm>>
      tpu.enqueue_dma source(%dma_start3A_1166 : memref<16x128xf32, #tpu.memory_space<hbm>>) target(%dma_start3A_1164 : memref<16x128xf32, #tpu.memory_space<vmem>>) target_semaphore(%arg16 : memref<!tpu.dma_semaphore, #tpu.memory_space<semaphore_mem>>)
      %dma_start3A_1167 = arith.constant 0 : i32
      %dma_start3A_1168 = arith.constant 768 : i32
      %dma_start3A_1169 = tpu.memref_slice %arg12[%dma_start3A_1167, %dma_start3A_1168] : memref<16x1024xf32, #tpu.memory_space<vmem>> -> memref<16x128xf32, #tpu.memory_space<vmem>>
      %dma_start3A_1170 = arith.constant 0 : i32
      %dma_start3A_1171 = tpu.memref_slice %arg5[%dma_start3A_1170, %multiple_of3A_1156] : memref<16x1000000xf32, #tpu.memory_space<hbm>> -> memref<16x128xf32, #tpu.memory_space<hbm>>
      %dma_start3A_1172 = arith.constant 0 : i32
      %dma_start3A_1173 = arith.constant 768 : i32
      %dma_start3A_1174 = tpu.memref_slice %arg12[%dma_start3A_1172, %dma_start3A_1173] : memref<16x1024xf32, #tpu.memory_space<vmem>> -> memref<16x128xf32, #tpu.memory_space<vmem>>
      %dma_start3A_1175 = arith.constant 0 : i32
      %dma_start3A_1176 = tpu.memref_slice %arg5[%dma_start3A_1175, %multiple_of3A_1156] : memref<16x1000000xf32, #tpu.memory_space<hbm>> -> memref<16x128xf32, #tpu.memory_space<hbm>>
      tpu.enqueue_dma source(%dma_start3A_1176 : memref<16x128xf32, #tpu.memory_space<hbm>>) target(%dma_start3A_1174 : memref<16x128xf32, #tpu.memory_space<vmem>>) target_semaphore(%arg18 : memref<!tpu.dma_semaphore, #tpu.memory_space<semaphore_mem>>)
      %slice3A_1177 = vector.extract_strided_slice %get3A_16 {offsets = [15], sizes = [1], strides = [1]} : vector<16xi32> to vector<1xi32>
      %squeeze3A_1178 = vector.extract %slice3A_1177[0] : i32 from vector<1xi32>
      %jit3A_1179 = arith.constant 128 : i32
      %div3A_1180 = arith.divsi %squeeze3A_1178, %jit3A_1179 : i32
      %sign3A_1181 = arith.constant 0 : i32
      %sign3A_1182 = arith.cmpi sgt, %squeeze3A_1178, %sign3A_1181 : i32
      %sign3A_1183 = arith.extui %sign3A_1182 : i1 to i32
      %sign3A_1184 = arith.constant 0 : i32
      %sign3A_1185 = arith.cmpi slt, %squeeze3A_1178, %sign3A_1184 : i32
      %sign3A_1186 = arith.extui %sign3A_1185 : i1 to i32
      %sign3A_1187 = arith.subi %sign3A_1183, %sign3A_1186 : i32
      %sign3A_1188 = arith.constant 0 : i32
      %sign3A_1189 = arith.cmpi sgt, %jit3A_1179, %sign3A_1188 : i32
      %sign3A_1190 = arith.extui %sign3A_1189 : i1 to i32
      %sign3A_1191 = arith.constant 0 : i32
      %sign3A_1192 = arith.cmpi slt, %jit3A_1179, %sign3A_1191 : i32
      %sign3A_1193 = arith.extui %sign3A_1192 : i1 to i32
      %sign3A_1194 = arith.subi %sign3A_1190, %sign3A_1193 : i32
      %ne3A_1195 = arith.cmpi ne, %sign3A_1187, %sign3A_1194 : i32
      %rem3A_1196 = arith.remsi %squeeze3A_1178, %jit3A_1179 : i32
      %ne3A_1197 = arith.constant 0 : i32
      %ne3A_1198 = arith.cmpi ne, %rem3A_1196, %ne3A_1197 : i32
      %and3A_1199 = arith.andi %ne3A_1195, %ne3A_1198 : i1
      %sub3A_1200 = arith.constant 1 : i32
      %sub3A_1201 = arith.subi %div3A_1180, %sub3A_1200 : i32
      %select_n3A_1202 = arith.select %and3A_1199, %sub3A_1201, %div3A_1180 : i32
      %mul3A_1203 = arith.constant 128 : i32
      %mul3A_1204 = arith.muli %select_n3A_1202, %mul3A_1203 : i32
      %multiple_of3A_1205 = tpu.assume_multiple %mul3A_1204, 128 : i32
      %slice3A_1206 = vector.extract_strided_slice %get3A_18 {offsets = [15], sizes = [1], strides = [1]} : vector<16xi32> to vector<1xi32>
      %squeeze3A_1207 = vector.extract %slice3A_1206[0] : i32 from vector<1xi32>
      %jit3A_1208 = arith.constant 128 : i32
      %div3A_1209 = arith.divsi %squeeze3A_1207, %jit3A_1208 : i32
      %sign3A_1210 = arith.constant 0 : i32
      %sign3A_1211 = arith.cmpi sgt, %squeeze3A_1207, %sign3A_1210 : i32
      %sign3A_1212 = arith.extui %sign3A_1211 : i1 to i32
      %sign3A_1213 = arith.constant 0 : i32
      %sign3A_1214 = arith.cmpi slt, %squeeze3A_1207, %sign3A_1213 : i32
      %sign3A_1215 = arith.extui %sign3A_1214 : i1 to i32
      %sign3A_1216 = arith.subi %sign3A_1212, %sign3A_1215 : i32
      %sign3A_1217 = arith.constant 0 : i32
      %sign3A_1218 = arith.cmpi sgt, %jit3A_1208, %sign3A_1217 : i32
      %sign3A_1219 = arith.extui %sign3A_1218 : i1 to i32
      %sign3A_1220 = arith.constant 0 : i32
      %sign3A_1221 = arith.cmpi slt, %jit3A_1208, %sign3A_1220 : i32
      %sign3A_1222 = arith.extui %sign3A_1221 : i1 to i32
      %sign3A_1223 = arith.subi %sign3A_1219, %sign3A_1222 : i32
      %ne3A_1224 = arith.cmpi ne, %sign3A_1216, %sign3A_1223 : i32
      %rem3A_1225 = arith.remsi %squeeze3A_1207, %jit3A_1208 : i32
      %ne3A_1226 = arith.constant 0 : i32
      %ne3A_1227 = arith.cmpi ne, %rem3A_1225, %ne3A_1226 : i32
      %and3A_1228 = arith.andi %ne3A_1224, %ne3A_1227 : i1
      %sub3A_1229 = arith.constant 1 : i32
      %sub3A_1230 = arith.subi %div3A_1209, %sub3A_1229 : i32
      %select_n3A_1231 = arith.select %and3A_1228, %sub3A_1230, %div3A_1209 : i32
      %mul3A_1232 = arith.constant 128 : i32
      %mul3A_1233 = arith.muli %select_n3A_1231, %mul3A_1232 : i32
      %multiple_of3A_1234 = tpu.assume_multiple %mul3A_1233, 128 : i32
      %dma_start3A_1235 = arith.constant 0 : i32
      %dma_start3A_1236 = arith.constant 896 : i32
      %dma_start3A_1237 = tpu.memref_slice %arg10[%dma_start3A_1235, %dma_start3A_1236] : memref<16x1024xf32, #tpu.memory_space<vmem>> -> memref<16x128xf32, #tpu.memory_space<vmem>>
      %dma_start3A_1238 = arith.constant 0 : i32
      %dma_start3A_1239 = tpu.memref_slice %arg4[%dma_start3A_1238, %multiple_of3A_1205] : memref<16x1000000xf32, #tpu.memory_space<hbm>> -> memref<16x128xf32, #tpu.memory_space<hbm>>
      %dma_start3A_1240 = arith.constant 0 : i32
      %dma_start3A_1241 = arith.constant 896 : i32
      %dma_start3A_1242 = tpu.memref_slice %arg10[%dma_start3A_1240, %dma_start3A_1241] : memref<16x1024xf32, #tpu.memory_space<vmem>> -> memref<16x128xf32, #tpu.memory_space<vmem>>
      %dma_start3A_1243 = arith.constant 0 : i32
      %dma_start3A_1244 = tpu.memref_slice %arg4[%dma_start3A_1243, %multiple_of3A_1205] : memref<16x1000000xf32, #tpu.memory_space<hbm>> -> memref<16x128xf32, #tpu.memory_space<hbm>>
      tpu.enqueue_dma source(%dma_start3A_1244 : memref<16x128xf32, #tpu.memory_space<hbm>>) target(%dma_start3A_1242 : memref<16x128xf32, #tpu.memory_space<vmem>>) target_semaphore(%arg16 : memref<!tpu.dma_semaphore, #tpu.memory_space<semaphore_mem>>)
      %dma_start3A_1245 = arith.constant 0 : i32
      %dma_start3A_1246 = arith.constant 896 : i32
      %dma_start3A_1247 = tpu.memref_slice %arg12[%dma_start3A_1245, %dma_start3A_1246] : memref<16x1024xf32, #tpu.memory_space<vmem>> -> memref<16x128xf32, #tpu.memory_space<vmem>>
      %dma_start3A_1248 = arith.constant 0 : i32
      %dma_start3A_1249 = tpu.memref_slice %arg5[%dma_start3A_1248, %multiple_of3A_1234] : memref<16x1000000xf32, #tpu.memory_space<hbm>> -> memref<16x128xf32, #tpu.memory_space<hbm>>
      %dma_start3A_1250 = arith.constant 0 : i32
      %dma_start3A_1251 = arith.constant 896 : i32
      %dma_start3A_1252 = tpu.memref_slice %arg12[%dma_start3A_1250, %dma_start3A_1251] : memref<16x1024xf32, #tpu.memory_space<vmem>> -> memref<16x128xf32, #tpu.memory_space<vmem>>
      %dma_start3A_1253 = arith.constant 0 : i32
      %dma_start3A_1254 = tpu.memref_slice %arg5[%dma_start3A_1253, %multiple_of3A_1234] : memref<16x1000000xf32, #tpu.memory_space<hbm>> -> memref<16x128xf32, #tpu.memory_space<hbm>>
      tpu.enqueue_dma source(%dma_start3A_1254 : memref<16x128xf32, #tpu.memory_space<hbm>>) target(%dma_start3A_1252 : memref<16x128xf32, #tpu.memory_space<vmem>>) target_semaphore(%arg18 : memref<!tpu.dma_semaphore, #tpu.memory_space<semaphore_mem>>)
      %dma_wait3A = arith.constant 0 : i32
      %dma_wait3A_1255 = arith.constant 0 : i32
      %dma_wait3A_1256 = tpu.memref_slice %arg4[%dma_wait3A, %dma_wait3A_1255] : memref<16x1000000xf32, #tpu.memory_space<hbm>> -> memref<16x1024xf32, #tpu.memory_space<hbm>>
      %dma_wait3A_1257 = arith.constant 0 : i32
      %dma_wait3A_1258 = arith.constant 0 : i32
      %dma_wait3A_1259 = tpu.memref_slice %arg4[%dma_wait3A_1257, %dma_wait3A_1258] : memref<16x1000000xf32, #tpu.memory_space<hbm>> -> memref<16x1024xf32, #tpu.memory_space<hbm>>
      tpu.wait_dma2 semaphore(%arg15 : memref<!tpu.dma_semaphore, #tpu.memory_space<semaphore_mem>>) src(%dma_wait3A_1259 : memref<16x1024xf32, #tpu.memory_space<hbm>>) dst(%arg9 : memref<16x1024xf32, #tpu.memory_space<vmem>>)
      %dma_wait3A_1260 = arith.constant 0 : i32
      %dma_wait3A_1261 = arith.constant 0 : i32
      %dma_wait3A_1262 = tpu.memref_slice %arg5[%dma_wait3A_1260, %dma_wait3A_1261] : memref<16x1000000xf32, #tpu.memory_space<hbm>> -> memref<16x1024xf32, #tpu.memory_space<hbm>>
      %dma_wait3A_1263 = arith.constant 0 : i32
      %dma_wait3A_1264 = arith.constant 0 : i32
      %dma_wait3A_1265 = tpu.memref_slice %arg5[%dma_wait3A_1263, %dma_wait3A_1264] : memref<16x1000000xf32, #tpu.memory_space<hbm>> -> memref<16x1024xf32, #tpu.memory_space<hbm>>
      tpu.wait_dma2 semaphore(%arg17 : memref<!tpu.dma_semaphore, #tpu.memory_space<semaphore_mem>>) src(%dma_wait3A_1265 : memref<16x1024xf32, #tpu.memory_space<hbm>>) dst(%arg11 : memref<16x1024xf32, #tpu.memory_space<vmem>>)
      %broadcast_in_dim3A = arith.constant 0 : i32
      %broadcast_in_dim3A_1266 = vector.broadcast %broadcast_in_dim3A : i32 to vector<16xi32>
      %slice3A_1267 = vector.extract_strided_slice %get3A_16 {offsets = [0], sizes = [1], strides = [1]} : vector<16xi32> to vector<1xi32>
      %squeeze3A_1268 = vector.extract %slice3A_1267[0] : i32 from vector<1xi32>
      %jit3A_1269 = arith.constant 128 : i32
      %eq3A = arith.constant 0 : i32
      %eq3A_1270 = arith.cmpi eq, %jit3A_1269, %eq3A : i32
      %jit3A_1271 = arith.constant 1 : i32
      %select_n3A_1272 = arith.select %eq3A_1270, %jit3A_1271, %jit3A_1269 : i32
      %rem3A_1273 = arith.remsi %squeeze3A_1268, %select_n3A_1272 : i32
      %ne3A_1274 = arith.constant 0 : i32
      %ne3A_1275 = arith.cmpi ne, %rem3A_1273, %ne3A_1274 : i32
      %lt3A = arith.constant 0 : i32
      %lt3A_1276 = arith.cmpi slt, %rem3A_1273, %lt3A : i32
      %lt3A_1277 = arith.constant 0 : i32
      %lt3A_1278 = arith.cmpi slt, %select_n3A_1272, %lt3A_1277 : i32
      %ne3A_1279 = arith.xori %lt3A_1276, %lt3A_1278 : i1
      %and3A_1280 = arith.andi %ne3A_1279, %ne3A_1275 : i1
      %add3A_1281 = arith.addi %rem3A_1273, %select_n3A_1272 : i32
      %select_n3A_1282 = arith.select %and3A_1280, %add3A_1281, %rem3A_1273 : i32
      %add3A_1283 = vector.broadcast %select_n3A_1282 : i32 to vector<16xi32>
      %add3A_1284 = arith.addi %broadcast_in_dim3A_1266, %add3A_1283 : vector<16xi32>
      %broadcast_in_dim3A_1285 = arith.constant 0 : i32
      %broadcast_in_dim3A_1286 = vector.broadcast %broadcast_in_dim3A_1285 : i32 to vector<16xi32>
      %slice3A_1287 = vector.extract_strided_slice %get3A_18 {offsets = [0], sizes = [1], strides = [1]} : vector<16xi32> to vector<1xi32>
      %squeeze3A_1288 = vector.extract %slice3A_1287[0] : i32 from vector<1xi32>
      %jit3A_1289 = arith.constant 128 : i32
      %eq3A_1290 = arith.constant 0 : i32
      %eq3A_1291 = arith.cmpi eq, %jit3A_1289, %eq3A_1290 : i32
      %jit3A_1292 = arith.constant 1 : i32
      %select_n3A_1293 = arith.select %eq3A_1291, %jit3A_1292, %jit3A_1289 : i32
      %rem3A_1294 = arith.remsi %squeeze3A_1288, %select_n3A_1293 : i32
      %ne3A_1295 = arith.constant 0 : i32
      %ne3A_1296 = arith.cmpi ne, %rem3A_1294, %ne3A_1295 : i32
      %lt3A_1297 = arith.constant 0 : i32
      %lt3A_1298 = arith.cmpi slt, %rem3A_1294, %lt3A_1297 : i32
      %lt3A_1299 = arith.constant 0 : i32
      %lt3A_1300 = arith.cmpi slt, %select_n3A_1293, %lt3A_1299 : i32
      %ne3A_1301 = arith.xori %lt3A_1298, %lt3A_1300 : i1
      %and3A_1302 = arith.andi %ne3A_1301, %ne3A_1296 : i1
      %add3A_1303 = arith.addi %rem3A_1294, %select_n3A_1293 : i32
      %select_n3A_1304 = arith.select %and3A_1302, %add3A_1303, %rem3A_1294 : i32
      %add3A_1305 = vector.broadcast %select_n3A_1304 : i32 to vector<16xi32>
      %add3A_1306 = arith.addi %broadcast_in_dim3A_1286, %add3A_1305 : vector<16xi32>
      %gather3A = tpu.vector_load_idx %arg9[%iota3A, %add3A_1284] : memref<16x1024xf32, #tpu.memory_space<vmem>>[vector<16xi32>, vector<16xi32>], vector<16xf32>,
      %gather3A_1307 = tpu.vector_load_idx %arg11[%iota3A, %add3A_1306] : memref<16x1024xf32, #tpu.memory_space<vmem>>[vector<16xi32>, vector<16xi32>], vector<16xf32>,
      %mul3A_1308 = arith.mulf %gather3A, %gather3A_1307 : vector<16xf32>
      %swap3A = arith.constant 0 : index
      %swap3A_1309 = tpu.vector_load %arg13[%swap3A] {strides = array<i32>} : memref<256xf32, #tpu.memory_space<vmem>>, vector<16xf32>,
      tpu.vector_store %arg13[%swap3A], %mul3A_1308 {strides = array<i32>} : memref<256xf32, #tpu.memory_space<vmem>>, vector<16xf32>,
      %broadcast_in_dim3A_1310 = arith.constant 128 : i32
      %broadcast_in_dim3A_1311 = vector.broadcast %broadcast_in_dim3A_1310 : i32 to vector<16xi32>
      %slice3A_1312 = vector.extract_strided_slice %get3A_16 {offsets = [1], sizes = [1], strides = [1]} : vector<16xi32> to vector<1xi32>
      %squeeze3A_1313 = vector.extract %slice3A_1312[0] : i32 from vector<1xi32>
      %jit3A_1314 = arith.constant 128 : i32
      %eq3A_1315 = arith.constant 0 : i32
      %eq3A_1316 = arith.cmpi eq, %jit3A_1314, %eq3A_1315 : i32
      %jit3A_1317 = arith.constant 1 : i32
      %select_n3A_1318 = arith.select %eq3A_1316, %jit3A_1317, %jit3A_1314 : i32
      %rem3A_1319 = arith.remsi %squeeze3A_1313, %select_n3A_1318 : i32
      %ne3A_1320 = arith.constant 0 : i32
      %ne3A_1321 = arith.cmpi ne, %rem3A_1319, %ne3A_1320 : i32
      %lt3A_1322 = arith.constant 0 : i32
      %lt3A_1323 = arith.cmpi slt, %rem3A_1319, %lt3A_1322 : i32
      %lt3A_1324 = arith.constant 0 : i32
      %lt3A_1325 = arith.cmpi slt, %select_n3A_1318, %lt3A_1324 : i32
      %ne3A_1326 = arith.xori %lt3A_1323, %lt3A_1325 : i1
      %and3A_1327 = arith.andi %ne3A_1326, %ne3A_1321 : i1
      %add3A_1328 = arith.addi %rem3A_1319, %select_n3A_1318 : i32
      %select_n3A_1329 = arith.select %and3A_1327, %add3A_1328, %rem3A_1319 : i32
      %add3A_1330 = vector.broadcast %select_n3A_1329 : i32 to vector<16xi32>
      %add3A_1331 = arith.addi %broadcast_in_dim3A_1311, %add3A_1330 : vector<16xi32>
      %broadcast_in_dim3A_1332 = arith.constant 128 : i32
      %broadcast_in_dim3A_1333 = vector.broadcast %broadcast_in_dim3A_1332 : i32 to vector<16xi32>
      %slice3A_1334 = vector.extract_strided_slice %get3A_18 {offsets = [1], sizes = [1], strides = [1]} : vector<16xi32> to vector<1xi32>
      %squeeze3A_1335 = vector.extract %slice3A_1334[0] : i32 from vector<1xi32>
      %jit3A_1336 = arith.constant 128 : i32
      %eq3A_1337 = arith.constant 0 : i32
      %eq3A_1338 = arith.cmpi eq, %jit3A_1336, %eq3A_1337 : i32
      %jit3A_1339 = arith.constant 1 : i32
      %select_n3A_1340 = arith.select %eq3A_1338, %jit3A_1339, %jit3A_1336 : i32
      %rem3A_1341 = arith.remsi %squeeze3A_1335, %select_n3A_1340 : i32
      %ne3A_1342 = arith.constant 0 : i32
      %ne3A_1343 = arith.cmpi ne, %rem3A_1341, %ne3A_1342 : i32
      %lt3A_1344 = arith.constant 0 : i32
      %lt3A_1345 = arith.cmpi slt, %rem3A_1341, %lt3A_1344 : i32
      %lt3A_1346 = arith.constant 0 : i32
      %lt3A_1347 = arith.cmpi slt, %select_n3A_1340, %lt3A_1346 : i32
      %ne3A_1348 = arith.xori %lt3A_1345, %lt3A_1347 : i1
      %and3A_1349 = arith.andi %ne3A_1348, %ne3A_1343 : i1
      %add3A_1350 = arith.addi %rem3A_1341, %select_n3A_1340 : i32
      %select_n3A_1351 = arith.select %and3A_1349, %add3A_1350, %rem3A_1341 : i32
      %add3A_1352 = vector.broadcast %select_n3A_1351 : i32 to vector<16xi32>
      %add3A_1353 = arith.addi %broadcast_in_dim3A_1333, %add3A_1352 : vector<16xi32>
      %gather3A_1354 = tpu.vector_load_idx %arg9[%iota3A, %add3A_1331] : memref<16x1024xf32, #tpu.memory_space<vmem>>[vector<16xi32>, vector<16xi32>], vector<16xf32>,
      %gather3A_1355 = tpu.vector_load_idx %arg11[%iota3A, %add3A_1353] : memref<16x1024xf32, #tpu.memory_space<vmem>>[vector<16xi32>, vector<16xi32>], vector<16xf32>,
      %mul3A_1356 = arith.mulf %gather3A_1354, %gather3A_1355 : vector<16xf32>
      %swap3A_1357 = arith.constant 16 : index
      %swap3A_1358 = tpu.vector_load %arg13[%swap3A_1357] {strides = array<i32>} : memref<256xf32, #tpu.memory_space<vmem>>, vector<16xf32>,
      tpu.vector_store %arg13[%swap3A_1357], %mul3A_1356 {strides = array<i32>} : memref<256xf32, #tpu.memory_space<vmem>>, vector<16xf32>,
      %broadcast_in_dim3A_1359 = arith.constant 256 : i32
      %broadcast_in_dim3A_1360 = vector.broadcast %broadcast_in_dim3A_1359 : i32 to vector<16xi32>
      %slice3A_1361 = vector.extract_strided_slice %get3A_16 {offsets = [2], sizes = [1], strides = [1]} : vector<16xi32> to vector<1xi32>
      %squeeze3A_1362 = vector.extract %slice3A_1361[0] : i32 from vector<1xi32>
      %jit3A_1363 = arith.constant 128 : i32
      %eq3A_1364 = arith.constant 0 : i32
      %eq3A_1365 = arith.cmpi eq, %jit3A_1363, %eq3A_1364 : i32
      %jit3A_1366 = arith.constant 1 : i32
      %select_n3A_1367 = arith.select %eq3A_1365, %jit3A_1366, %jit3A_1363 : i32
      %rem3A_1368 = arith.remsi %squeeze3A_1362, %select_n3A_1367 : i32
      %ne3A_1369 = arith.constant 0 : i32
      %ne3A_1370 = arith.cmpi ne, %rem3A_1368, %ne3A_1369 : i32
      %lt3A_1371 = arith.constant 0 : i32
      %lt3A_1372 = arith.cmpi slt, %rem3A_1368, %lt3A_1371 : i32
      %lt3A_1373 = arith.constant 0 : i32
      %lt3A_1374 = arith.cmpi slt, %select_n3A_1367, %lt3A_1373 : i32
      %ne3A_1375 = arith.xori %lt3A_1372, %lt3A_1374 : i1
      %and3A_1376 = arith.andi %ne3A_1375, %ne3A_1370 : i1
      %add3A_1377 = arith.addi %rem3A_1368, %select_n3A_1367 : i32
      %select_n3A_1378 = arith.select %and3A_1376, %add3A_1377, %rem3A_1368 : i32
      %add3A_1379 = vector.broadcast %select_n3A_1378 : i32 to vector<16xi32>
      %add3A_1380 = arith.addi %broadcast_in_dim3A_1360, %add3A_1379 : vector<16xi32>
      %broadcast_in_dim3A_1381 = arith.constant 256 : i32
      %broadcast_in_dim3A_1382 = vector.broadcast %broadcast_in_dim3A_1381 : i32 to vector<16xi32>
      %slice3A_1383 = vector.extract_strided_slice %get3A_18 {offsets = [2], sizes = [1], strides = [1]} : vector<16xi32> to vector<1xi32>
      %squeeze3A_1384 = vector.extract %slice3A_1383[0] : i32 from vector<1xi32>
      %jit3A_1385 = arith.constant 128 : i32
      %eq3A_1386 = arith.constant 0 : i32
      %eq3A_1387 = arith.cmpi eq, %jit3A_1385, %eq3A_1386 : i32
      %jit3A_1388 = arith.constant 1 : i32
      %select_n3A_1389 = arith.select %eq3A_1387, %jit3A_1388, %jit3A_1385 : i32
      %rem3A_1390 = arith.remsi %squeeze3A_1384, %select_n3A_1389 : i32
      %ne3A_1391 = arith.constant 0 : i32
      %ne3A_1392 = arith.cmpi ne, %rem3A_1390, %ne3A_1391 : i32
      %lt3A_1393 = arith.constant 0 : i32
      %lt3A_1394 = arith.cmpi slt, %rem3A_1390, %lt3A_1393 : i32
      %lt3A_1395 = arith.constant 0 : i32
      %lt3A_1396 = arith.cmpi slt, %select_n3A_1389, %lt3A_1395 : i32
      %ne3A_1397 = arith.xori %lt3A_1394, %lt3A_1396 : i1
      %and3A_1398 = arith.andi %ne3A_1397, %ne3A_1392 : i1
      %add3A_1399 = arith.addi %rem3A_1390, %select_n3A_1389 : i32
      %select_n3A_1400 = arith.select %and3A_1398, %add3A_1399, %rem3A_1390 : i32
      %add3A_1401 = vector.broadcast %select_n3A_1400 : i32 to vector<16xi32>
      %add3A_1402 = arith.addi %broadcast_in_dim3A_1382, %add3A_1401 : vector<16xi32>
      %gather3A_1403 = tpu.vector_load_idx %arg9[%iota3A, %add3A_1380] : memref<16x1024xf32, #tpu.memory_space<vmem>>[vector<16xi32>, vector<16xi32>], vector<16xf32>,
      %gather3A_1404 = tpu.vector_load_idx %arg11[%iota3A, %add3A_1402] : memref<16x1024xf32, #tpu.memory_space<vmem>>[vector<16xi32>, vector<16xi32>], vector<16xf32>,
      %mul3A_1405 = arith.mulf %gather3A_1403, %gather3A_1404 : vector<16xf32>
      %swap3A_1406 = arith.constant 32 : index
      %swap3A_1407 = tpu.vector_load %arg13[%swap3A_1406] {strides = array<i32>} : memref<256xf32, #tpu.memory_space<vmem>>, vector<16xf32>,
      tpu.vector_store %arg13[%swap3A_1406], %mul3A_1405 {strides = array<i32>} : memref<256xf32, #tpu.memory_space<vmem>>, vector<16xf32>,
      %broadcast_in_dim3A_1408 = arith.constant 384 : i32
      %broadcast_in_dim3A_1409 = vector.broadcast %broadcast_in_dim3A_1408 : i32 to vector<16xi32>
      %slice3A_1410 = vector.extract_strided_slice %get3A_16 {offsets = [3], sizes = [1], strides = [1]} : vector<16xi32> to vector<1xi32>
      %squeeze3A_1411 = vector.extract %slice3A_1410[0] : i32 from vector<1xi32>
      %jit3A_1412 = arith.constant 128 : i32
      %eq3A_1413 = arith.constant 0 : i32
      %eq3A_1414 = arith.cmpi eq, %jit3A_1412, %eq3A_1413 : i32
      %jit3A_1415 = arith.constant 1 : i32
      %select_n3A_1416 = arith.select %eq3A_1414, %jit3A_1415, %jit3A_1412 : i32
      %rem3A_1417 = arith.remsi %squeeze3A_1411, %select_n3A_1416 : i32
      %ne3A_1418 = arith.constant 0 : i32
      %ne3A_1419 = arith.cmpi ne, %rem3A_1417, %ne3A_1418 : i32
      %lt3A_1420 = arith.constant 0 : i32
      %lt3A_1421 = arith.cmpi slt, %rem3A_1417, %lt3A_1420 : i32
      %lt3A_1422 = arith.constant 0 : i32
      %lt3A_1423 = arith.cmpi slt, %select_n3A_1416, %lt3A_1422 : i32
      %ne3A_1424 = arith.xori %lt3A_1421, %lt3A_1423 : i1
      %and3A_1425 = arith.andi %ne3A_1424, %ne3A_1419 : i1
      %add3A_1426 = arith.addi %rem3A_1417, %select_n3A_1416 : i32
      %select_n3A_1427 = arith.select %and3A_1425, %add3A_1426, %rem3A_1417 : i32
      %add3A_1428 = vector.broadcast %select_n3A_1427 : i32 to vector<16xi32>
      %add3A_1429 = arith.addi %broadcast_in_dim3A_1409, %add3A_1428 : vector<16xi32>
      %broadcast_in_dim3A_1430 = arith.constant 384 : i32
      %broadcast_in_dim3A_1431 = vector.broadcast %broadcast_in_dim3A_1430 : i32 to vector<16xi32>
      %slice3A_1432 = vector.extract_strided_slice %get3A_18 {offsets = [3], sizes = [1], strides = [1]} : vector<16xi32> to vector<1xi32>
      %squeeze3A_1433 = vector.extract %slice3A_1432[0] : i32 from vector<1xi32>
      %jit3A_1434 = arith.constant 128 : i32
      %eq3A_1435 = arith.constant 0 : i32
      %eq3A_1436 = arith.cmpi eq, %jit3A_1434, %eq3A_1435 : i32
      %jit3A_1437 = arith.constant 1 : i32
      %select_n3A_1438 = arith.select %eq3A_1436, %jit3A_1437, %jit3A_1434 : i32
      %rem3A_1439 = arith.remsi %squeeze3A_1433, %select_n3A_1438 : i32
      %ne3A_1440 = arith.constant 0 : i32
      %ne3A_1441 = arith.cmpi ne, %rem3A_1439, %ne3A_1440 : i32
      %lt3A_1442 = arith.constant 0 : i32
      %lt3A_1443 = arith.cmpi slt, %rem3A_1439, %lt3A_1442 : i32
      %lt3A_1444 = arith.constant 0 : i32
      %lt3A_1445 = arith.cmpi slt, %select_n3A_1438, %lt3A_1444 : i32
      %ne3A_1446 = arith.xori %lt3A_1443, %lt3A_1445 : i1
      %and3A_1447 = arith.andi %ne3A_1446, %ne3A_1441 : i1
      %add3A_1448 = arith.addi %rem3A_1439, %select_n3A_1438 : i32
      %select_n3A_1449 = arith.select %and3A_1447, %add3A_1448, %rem3A_1439 : i32
      %add3A_1450 = vector.broadcast %select_n3A_1449 : i32 to vector<16xi32>
      %add3A_1451 = arith.addi %broadcast_in_dim3A_1431, %add3A_1450 : vector<16xi32>
      %gather3A_1452 = tpu.vector_load_idx %arg9[%iota3A, %add3A_1429] : memref<16x1024xf32, #tpu.memory_space<vmem>>[vector<16xi32>, vector<16xi32>], vector<16xf32>,
      %gather3A_1453 = tpu.vector_load_idx %arg11[%iota3A, %add3A_1451] : memref<16x1024xf32, #tpu.memory_space<vmem>>[vector<16xi32>, vector<16xi32>], vector<16xf32>,
      %mul3A_1454 = arith.mulf %gather3A_1452, %gather3A_1453 : vector<16xf32>
      %swap3A_1455 = arith.constant 48 : index
      %swap3A_1456 = tpu.vector_load %arg13[%swap3A_1455] {strides = array<i32>} : memref<256xf32, #tpu.memory_space<vmem>>, vector<16xf32>,
      tpu.vector_store %arg13[%swap3A_1455], %mul3A_1454 {strides = array<i32>} : memref<256xf32, #tpu.memory_space<vmem>>, vector<16xf32>,
      %broadcast_in_dim3A_1457 = arith.constant 512 : i32
      %broadcast_in_dim3A_1458 = vector.broadcast %broadcast_in_dim3A_1457 : i32 to vector<16xi32>
      %slice3A_1459 = vector.extract_strided_slice %get3A_16 {offsets = [4], sizes = [1], strides = [1]} : vector<16xi32> to vector<1xi32>
      %squeeze3A_1460 = vector.extract %slice3A_1459[0] : i32 from vector<1xi32>
      %jit3A_1461 = arith.constant 128 : i32
      %eq3A_1462 = arith.constant 0 : i32
      %eq3A_1463 = arith.cmpi eq, %jit3A_1461, %eq3A_1462 : i32
      %jit3A_1464 = arith.constant 1 : i32
      %select_n3A_1465 = arith.select %eq3A_1463, %jit3A_1464, %jit3A_1461 : i32
      %rem3A_1466 = arith.remsi %squeeze3A_1460, %select_n3A_1465 : i32
      %ne3A_1467 = arith.constant 0 : i32
      %ne3A_1468 = arith.cmpi ne, %rem3A_1466, %ne3A_1467 : i32
      %lt3A_1469 = arith.constant 0 : i32
      %lt3A_1470 = arith.cmpi slt, %rem3A_1466, %lt3A_1469 : i32
      %lt3A_1471 = arith.constant 0 : i32
      %lt3A_1472 = arith.cmpi slt, %select_n3A_1465, %lt3A_1471 : i32
      %ne3A_1473 = arith.xori %lt3A_1470, %lt3A_1472 : i1
      %and3A_1474 = arith.andi %ne3A_1473, %ne3A_1468 : i1
      %add3A_1475 = arith.addi %rem3A_1466, %select_n3A_1465 : i32
      %select_n3A_1476 = arith.select %and3A_1474, %add3A_1475, %rem3A_1466 : i32
      %add3A_1477 = vector.broadcast %select_n3A_1476 : i32 to vector<16xi32>
      %add3A_1478 = arith.addi %broadcast_in_dim3A_1458, %add3A_1477 : vector<16xi32>
      %broadcast_in_dim3A_1479 = arith.constant 512 : i32
      %broadcast_in_dim3A_1480 = vector.broadcast %broadcast_in_dim3A_1479 : i32 to vector<16xi32>
      %slice3A_1481 = vector.extract_strided_slice %get3A_18 {offsets = [4], sizes = [1], strides = [1]} : vector<16xi32> to vector<1xi32>
      %squeeze3A_1482 = vector.extract %slice3A_1481[0] : i32 from vector<1xi32>
      %jit3A_1483 = arith.constant 128 : i32
      %eq3A_1484 = arith.constant 0 : i32
      %eq3A_1485 = arith.cmpi eq, %jit3A_1483, %eq3A_1484 : i32
      %jit3A_1486 = arith.constant 1 : i32
      %select_n3A_1487 = arith.select %eq3A_1485, %jit3A_1486, %jit3A_1483 : i32
      %rem3A_1488 = arith.remsi %squeeze3A_1482, %select_n3A_1487 : i32
      %ne3A_1489 = arith.constant 0 : i32
      %ne3A_1490 = arith.cmpi ne, %rem3A_1488, %ne3A_1489 : i32
      %lt3A_1491 = arith.constant 0 : i32
      %lt3A_1492 = arith.cmpi slt, %rem3A_1488, %lt3A_1491 : i32
      %lt3A_1493 = arith.constant 0 : i32
      %lt3A_1494 = arith.cmpi slt, %select_n3A_1487, %lt3A_1493 : i32
      %ne3A_1495 = arith.xori %lt3A_1492, %lt3A_1494 : i1
      %and3A_1496 = arith.andi %ne3A_1495, %ne3A_1490 : i1
      %add3A_1497 = arith.addi %rem3A_1488, %select_n3A_1487 : i32
      %select_n3A_1498 = arith.select %and3A_1496, %add3A_1497, %rem3A_1488 : i32
      %add3A_1499 = vector.broadcast %select_n3A_1498 : i32 to vector<16xi32>
      %add3A_1500 = arith.addi %broadcast_in_dim3A_1480, %add3A_1499 : vector<16xi32>
      %gather3A_1501 = tpu.vector_load_idx %arg9[%iota3A, %add3A_1478] : memref<16x1024xf32, #tpu.memory_space<vmem>>[vector<16xi32>, vector<16xi32>], vector<16xf32>,
      %gather3A_1502 = tpu.vector_load_idx %arg11[%iota3A, %add3A_1500] : memref<16x1024xf32, #tpu.memory_space<vmem>>[vector<16xi32>, vector<16xi32>], vector<16xf32>,
      %mul3A_1503 = arith.mulf %gather3A_1501, %gather3A_1502 : vector<16xf32>
      %swap3A_1504 = arith.constant 64 : index
      %swap3A_1505 = tpu.vector_load %arg13[%swap3A_1504] {strides = array<i32>} : memref<256xf32, #tpu.memory_space<vmem>>, vector<16xf32>,
      tpu.vector_store %arg13[%swap3A_1504], %mul3A_1503 {strides = array<i32>} : memref<256xf32, #tpu.memory_space<vmem>>, vector<16xf32>,
      %broadcast_in_dim3A_1506 = arith.constant 640 : i32
      %broadcast_in_dim3A_1507 = vector.broadcast %broadcast_in_dim3A_1506 : i32 to vector<16xi32>
      %slice3A_1508 = vector.extract_strided_slice %get3A_16 {offsets = [5], sizes = [1], strides = [1]} : vector<16xi32> to vector<1xi32>
      %squeeze3A_1509 = vector.extract %slice3A_1508[0] : i32 from vector<1xi32>
      %jit3A_1510 = arith.constant 128 : i32
      %eq3A_1511 = arith.constant 0 : i32
      %eq3A_1512 = arith.cmpi eq, %jit3A_1510, %eq3A_1511 : i32
      %jit3A_1513 = arith.constant 1 : i32
      %select_n3A_1514 = arith.select %eq3A_1512, %jit3A_1513, %jit3A_1510 : i32
      %rem3A_1515 = arith.remsi %squeeze3A_1509, %select_n3A_1514 : i32
      %ne3A_1516 = arith.constant 0 : i32
      %ne3A_1517 = arith.cmpi ne, %rem3A_1515, %ne3A_1516 : i32
      %lt3A_1518 = arith.constant 0 : i32
      %lt3A_1519 = arith.cmpi slt, %rem3A_1515, %lt3A_1518 : i32
      %lt3A_1520 = arith.constant 0 : i32
      %lt3A_1521 = arith.cmpi slt, %select_n3A_1514, %lt3A_1520 : i32
      %ne3A_1522 = arith.xori %lt3A_1519, %lt3A_1521 : i1
      %and3A_1523 = arith.andi %ne3A_1522, %ne3A_1517 : i1
      %add3A_1524 = arith.addi %rem3A_1515, %select_n3A_1514 : i32
      %select_n3A_1525 = arith.select %and3A_1523, %add3A_1524, %rem3A_1515 : i32
      %add3A_1526 = vector.broadcast %select_n3A_1525 : i32 to vector<16xi32>
      %add3A_1527 = arith.addi %broadcast_in_dim3A_1507, %add3A_1526 : vector<16xi32>
      %broadcast_in_dim3A_1528 = arith.constant 640 : i32
      %broadcast_in_dim3A_1529 = vector.broadcast %broadcast_in_dim3A_1528 : i32 to vector<16xi32>
      %slice3A_1530 = vector.extract_strided_slice %get3A_18 {offsets = [5], sizes = [1], strides = [1]} : vector<16xi32> to vector<1xi32>
      %squeeze3A_1531 = vector.extract %slice3A_1530[0] : i32 from vector<1xi32>
      %jit3A_1532 = arith.constant 128 : i32
      %eq3A_1533 = arith.constant 0 : i32
      %eq3A_1534 = arith.cmpi eq, %jit3A_1532, %eq3A_1533 : i32
      %jit3A_1535 = arith.constant 1 : i32
      %select_n3A_1536 = arith.select %eq3A_1534, %jit3A_1535, %jit3A_1532 : i32
      %rem3A_1537 = arith.remsi %squeeze3A_1531, %select_n3A_1536 : i32
      %ne3A_1538 = arith.constant 0 : i32
      %ne3A_1539 = arith.cmpi ne, %rem3A_1537, %ne3A_1538 : i32
      %lt3A_1540 = arith.constant 0 : i32
      %lt3A_1541 = arith.cmpi slt, %rem3A_1537, %lt3A_1540 : i32
      %lt3A_1542 = arith.constant 0 : i32
      %lt3A_1543 = arith.cmpi slt, %select_n3A_1536, %lt3A_1542 : i32
      %ne3A_1544 = arith.xori %lt3A_1541, %lt3A_1543 : i1
      %and3A_1545 = arith.andi %ne3A_1544, %ne3A_1539 : i1
      %add3A_1546 = arith.addi %rem3A_1537, %select_n3A_1536 : i32
      %select_n3A_1547 = arith.select %and3A_1545, %add3A_1546, %rem3A_1537 : i32
      %add3A_1548 = vector.broadcast %select_n3A_1547 : i32 to vector<16xi32>
      %add3A_1549 = arith.addi %broadcast_in_dim3A_1529, %add3A_1548 : vector<16xi32>
      %gather3A_1550 = tpu.vector_load_idx %arg9[%iota3A, %add3A_1527] : memref<16x1024xf32, #tpu.memory_space<vmem>>[vector<16xi32>, vector<16xi32>], vector<16xf32>,
      %gather3A_1551 = tpu.vector_load_idx %arg11[%iota3A, %add3A_1549] : memref<16x1024xf32, #tpu.memory_space<vmem>>[vector<16xi32>, vector<16xi32>], vector<16xf32>,
      %mul3A_1552 = arith.mulf %gather3A_1550, %gather3A_1551 : vector<16xf32>
      %swap3A_1553 = arith.constant 80 : index
      %swap3A_1554 = tpu.vector_load %arg13[%swap3A_1553] {strides = array<i32>} : memref<256xf32, #tpu.memory_space<vmem>>, vector<16xf32>,
      tpu.vector_store %arg13[%swap3A_1553], %mul3A_1552 {strides = array<i32>} : memref<256xf32, #tpu.memory_space<vmem>>, vector<16xf32>,
      %broadcast_in_dim3A_1555 = arith.constant 768 : i32
      %broadcast_in_dim3A_1556 = vector.broadcast %broadcast_in_dim3A_1555 : i32 to vector<16xi32>
      %slice3A_1557 = vector.extract_strided_slice %get3A_16 {offsets = [6], sizes = [1], strides = [1]} : vector<16xi32> to vector<1xi32>
      %squeeze3A_1558 = vector.extract %slice3A_1557[0] : i32 from vector<1xi32>
      %jit3A_1559 = arith.constant 128 : i32
      %eq3A_1560 = arith.constant 0 : i32
      %eq3A_1561 = arith.cmpi eq, %jit3A_1559, %eq3A_1560 : i32
      %jit3A_1562 = arith.constant 1 : i32
      %select_n3A_1563 = arith.select %eq3A_1561, %jit3A_1562, %jit3A_1559 : i32
      %rem3A_1564 = arith.remsi %squeeze3A_1558, %select_n3A_1563 : i32
      %ne3A_1565 = arith.constant 0 : i32
      %ne3A_1566 = arith.cmpi ne, %rem3A_1564, %ne3A_1565 : i32
      %lt3A_1567 = arith.constant 0 : i32
      %lt3A_1568 = arith.cmpi slt, %rem3A_1564, %lt3A_1567 : i32
      %lt3A_1569 = arith.constant 0 : i32
      %lt3A_1570 = arith.cmpi slt, %select_n3A_1563, %lt3A_1569 : i32
      %ne3A_1571 = arith.xori %lt3A_1568, %lt3A_1570 : i1
      %and3A_1572 = arith.andi %ne3A_1571, %ne3A_1566 : i1
      %add3A_1573 = arith.addi %rem3A_1564, %select_n3A_1563 : i32
      %select_n3A_1574 = arith.select %and3A_1572, %add3A_1573, %rem3A_1564 : i32
      %add3A_1575 = vector.broadcast %select_n3A_1574 : i32 to vector<16xi32>
      %add3A_1576 = arith.addi %broadcast_in_dim3A_1556, %add3A_1575 : vector<16xi32>
      %broadcast_in_dim3A_1577 = arith.constant 768 : i32
      %broadcast_in_dim3A_1578 = vector.broadcast %broadcast_in_dim3A_1577 : i32 to vector<16xi32>
      %slice3A_1579 = vector.extract_strided_slice %get3A_18 {offsets = [6], sizes = [1], strides = [1]} : vector<16xi32> to vector<1xi32>
      %squeeze3A_1580 = vector.extract %slice3A_1579[0] : i32 from vector<1xi32>
      %jit3A_1581 = arith.constant 128 : i32
      %eq3A_1582 = arith.constant 0 : i32
      %eq3A_1583 = arith.cmpi eq, %jit3A_1581, %eq3A_1582 : i32
      %jit3A_1584 = arith.constant 1 : i32
      %select_n3A_1585 = arith.select %eq3A_1583, %jit3A_1584, %jit3A_1581 : i32
      %rem3A_1586 = arith.remsi %squeeze3A_1580, %select_n3A_1585 : i32
      %ne3A_1587 = arith.constant 0 : i32
      %ne3A_1588 = arith.cmpi ne, %rem3A_1586, %ne3A_1587 : i32
      %lt3A_1589 = arith.constant 0 : i32
      %lt3A_1590 = arith.cmpi slt, %rem3A_1586, %lt3A_1589 : i32
      %lt3A_1591 = arith.constant 0 : i32
      %lt3A_1592 = arith.cmpi slt, %select_n3A_1585, %lt3A_1591 : i32
      %ne3A_1593 = arith.xori %lt3A_1590, %lt3A_1592 : i1
      %and3A_1594 = arith.andi %ne3A_1593, %ne3A_1588 : i1
      %add3A_1595 = arith.addi %rem3A_1586, %select_n3A_1585 : i32
      %select_n3A_1596 = arith.select %and3A_1594, %add3A_1595, %rem3A_1586 : i32
      %add3A_1597 = vector.broadcast %select_n3A_1596 : i32 to vector<16xi32>
      %add3A_1598 = arith.addi %broadcast_in_dim3A_1578, %add3A_1597 : vector<16xi32>
      %gather3A_1599 = tpu.vector_load_idx %arg9[%iota3A, %add3A_1576] : memref<16x1024xf32, #tpu.memory_space<vmem>>[vector<16xi32>, vector<16xi32>], vector<16xf32>,
      %gather3A_1600 = tpu.vector_load_idx %arg11[%iota3A, %add3A_1598] : memref<16x1024xf32, #tpu.memory_space<vmem>>[vector<16xi32>, vector<16xi32>], vector<16xf32>,
      %mul3A_1601 = arith.mulf %gather3A_1599, %gather3A_1600 : vector<16xf32>
      %swap3A_1602 = arith.constant 96 : index
      %swap3A_1603 = tpu.vector_load %arg13[%swap3A_1602] {strides = array<i32>} : memref<256xf32, #tpu.memory_space<vmem>>, vector<16xf32>,
      tpu.vector_store %arg13[%swap3A_1602], %mul3A_1601 {strides = array<i32>} : memref<256xf32, #tpu.memory_space<vmem>>, vector<16xf32>,
      %broadcast_in_dim3A_1604 = arith.constant 896 : i32
      %broadcast_in_dim3A_1605 = vector.broadcast %broadcast_in_dim3A_1604 : i32 to vector<16xi32>
      %slice3A_1606 = vector.extract_strided_slice %get3A_16 {offsets = [7], sizes = [1], strides = [1]} : vector<16xi32> to vector<1xi32>
      %squeeze3A_1607 = vector.extract %slice3A_1606[0] : i32 from vector<1xi32>
      %jit3A_1608 = arith.constant 128 : i32
      %eq3A_1609 = arith.constant 0 : i32
      %eq3A_1610 = arith.cmpi eq, %jit3A_1608, %eq3A_1609 : i32
      %jit3A_1611 = arith.constant 1 : i32
      %select_n3A_1612 = arith.select %eq3A_1610, %jit3A_1611, %jit3A_1608 : i32
      %rem3A_1613 = arith.remsi %squeeze3A_1607, %select_n3A_1612 : i32
      %ne3A_1614 = arith.constant 0 : i32
      %ne3A_1615 = arith.cmpi ne, %rem3A_1613, %ne3A_1614 : i32
      %lt3A_1616 = arith.constant 0 : i32
      %lt3A_1617 = arith.cmpi slt, %rem3A_1613, %lt3A_1616 : i32
      %lt3A_1618 = arith.constant 0 : i32
      %lt3A_1619 = arith.cmpi slt, %select_n3A_1612, %lt3A_1618 : i32
      %ne3A_1620 = arith.xori %lt3A_1617, %lt3A_1619 : i1
      %and3A_1621 = arith.andi %ne3A_1620, %ne3A_1615 : i1
      %add3A_1622 = arith.addi %rem3A_1613, %select_n3A_1612 : i32
      %select_n3A_1623 = arith.select %and3A_1621, %add3A_1622, %rem3A_1613 : i32
      %add3A_1624 = vector.broadcast %select_n3A_1623 : i32 to vector<16xi32>
      %add3A_1625 = arith.addi %broadcast_in_dim3A_1605, %add3A_1624 : vector<16xi32>
      %broadcast_in_dim3A_1626 = arith.constant 896 : i32
      %broadcast_in_dim3A_1627 = vector.broadcast %broadcast_in_dim3A_1626 : i32 to vector<16xi32>
      %slice3A_1628 = vector.extract_strided_slice %get3A_18 {offsets = [7], sizes = [1], strides = [1]} : vector<16xi32> to vector<1xi32>
      %squeeze3A_1629 = vector.extract %slice3A_1628[0] : i32 from vector<1xi32>
      %jit3A_1630 = arith.constant 128 : i32
      %eq3A_1631 = arith.constant 0 : i32
      %eq3A_1632 = arith.cmpi eq, %jit3A_1630, %eq3A_1631 : i32
      %jit3A_1633 = arith.constant 1 : i32
      %select_n3A_1634 = arith.select %eq3A_1632, %jit3A_1633, %jit3A_1630 : i32
      %rem3A_1635 = arith.remsi %squeeze3A_1629, %select_n3A_1634 : i32
      %ne3A_1636 = arith.constant 0 : i32
      %ne3A_1637 = arith.cmpi ne, %rem3A_1635, %ne3A_1636 : i32
      %lt3A_1638 = arith.constant 0 : i32
      %lt3A_1639 = arith.cmpi slt, %rem3A_1635, %lt3A_1638 : i32
      %lt3A_1640 = arith.constant 0 : i32
      %lt3A_1641 = arith.cmpi slt, %select_n3A_1634, %lt3A_1640 : i32
      %ne3A_1642 = arith.xori %lt3A_1639, %lt3A_1641 : i1
      %and3A_1643 = arith.andi %ne3A_1642, %ne3A_1637 : i1
      %add3A_1644 = arith.addi %rem3A_1635, %select_n3A_1634 : i32
      %select_n3A_1645 = arith.select %and3A_1643, %add3A_1644, %rem3A_1635 : i32
      %add3A_1646 = vector.broadcast %select_n3A_1645 : i32 to vector<16xi32>
      %add3A_1647 = arith.addi %broadcast_in_dim3A_1627, %add3A_1646 : vector<16xi32>
      %gather3A_1648 = tpu.vector_load_idx %arg9[%iota3A, %add3A_1625] : memref<16x1024xf32, #tpu.memory_space<vmem>>[vector<16xi32>, vector<16xi32>], vector<16xf32>,
      %gather3A_1649 = tpu.vector_load_idx %arg11[%iota3A, %add3A_1647] : memref<16x1024xf32, #tpu.memory_space<vmem>>[vector<16xi32>, vector<16xi32>], vector<16xf32>,
      %mul3A_1650 = arith.mulf %gather3A_1648, %gather3A_1649 : vector<16xf32>
      %swap3A_1651 = arith.constant 112 : index
      %swap3A_1652 = tpu.vector_load %arg13[%swap3A_1651] {strides = array<i32>} : memref<256xf32, #tpu.memory_space<vmem>>, vector<16xf32>,
      tpu.vector_store %arg13[%swap3A_1651], %mul3A_1650 {strides = array<i32>} : memref<256xf32, #tpu.memory_space<vmem>>, vector<16xf32>,
      %dma_wait3A_1653 = arith.constant 0 : i32
      %dma_wait3A_1654 = arith.constant 0 : i32
      %dma_wait3A_1655 = tpu.memref_slice %arg4[%dma_wait3A_1653, %dma_wait3A_1654] : memref<16x1000000xf32, #tpu.memory_space<hbm>> -> memref<16x1024xf32, #tpu.memory_space<hbm>>
      %dma_wait3A_1656 = arith.constant 0 : i32
      %dma_wait3A_1657 = arith.constant 0 : i32
      %dma_wait3A_1658 = tpu.memref_slice %arg4[%dma_wait3A_1656, %dma_wait3A_1657] : memref<16x1000000xf32, #tpu.memory_space<hbm>> -> memref<16x1024xf32, #tpu.memory_space<hbm>>
      tpu.wait_dma2 semaphore(%arg16 : memref<!tpu.dma_semaphore, #tpu.memory_space<semaphore_mem>>) src(%dma_wait3A_1658 : memref<16x1024xf32, #tpu.memory_space<hbm>>) dst(%arg10 : memref<16x1024xf32, #tpu.memory_space<vmem>>)
      %dma_wait3A_1659 = arith.constant 0 : i32
      %dma_wait3A_1660 = arith.constant 0 : i32
      %dma_wait3A_1661 = tpu.memref_slice %arg5[%dma_wait3A_1659, %dma_wait3A_1660] : memref<16x1000000xf32, #tpu.memory_space<hbm>> -> memref<16x1024xf32, #tpu.memory_space<hbm>>
      %dma_wait3A_1662 = arith.constant 0 : i32
      %dma_wait3A_1663 = arith.constant 0 : i32
      %dma_wait3A_1664 = tpu.memref_slice %arg5[%dma_wait3A_1662, %dma_wait3A_1663] : memref<16x1000000xf32, #tpu.memory_space<hbm>> -> memref<16x1024xf32, #tpu.memory_space<hbm>>
      tpu.wait_dma2 semaphore(%arg18 : memref<!tpu.dma_semaphore, #tpu.memory_space<semaphore_mem>>) src(%dma_wait3A_1664 : memref<16x1024xf32, #tpu.memory_space<hbm>>) dst(%arg12 : memref<16x1024xf32, #tpu.memory_space<vmem>>)
      %broadcast_in_dim3A_1665 = arith.constant 0 : i32
      %broadcast_in_dim3A_1666 = vector.broadcast %broadcast_in_dim3A_1665 : i32 to vector<16xi32>
      %slice3A_1667 = vector.extract_strided_slice %get3A_16 {offsets = [8], sizes = [1], strides = [1]} : vector<16xi32> to vector<1xi32>
      %squeeze3A_1668 = vector.extract %slice3A_1667[0] : i32 from vector<1xi32>
      %jit3A_1669 = arith.constant 128 : i32
      %eq3A_1670 = arith.constant 0 : i32
      %eq3A_1671 = arith.cmpi eq, %jit3A_1669, %eq3A_1670 : i32
      %jit3A_1672 = arith.constant 1 : i32
      %select_n3A_1673 = arith.select %eq3A_1671, %jit3A_1672, %jit3A_1669 : i32
      %rem3A_1674 = arith.remsi %squeeze3A_1668, %select_n3A_1673 : i32
      %ne3A_1675 = arith.constant 0 : i32
      %ne3A_1676 = arith.cmpi ne, %rem3A_1674, %ne3A_1675 : i32
      %lt3A_1677 = arith.constant 0 : i32
      %lt3A_1678 = arith.cmpi slt, %rem3A_1674, %lt3A_1677 : i32
      %lt3A_1679 = arith.constant 0 : i32
      %lt3A_1680 = arith.cmpi slt, %select_n3A_1673, %lt3A_1679 : i32
      %ne3A_1681 = arith.xori %lt3A_1678, %lt3A_1680 : i1
      %and3A_1682 = arith.andi %ne3A_1681, %ne3A_1676 : i1
      %add3A_1683 = arith.addi %rem3A_1674, %select_n3A_1673 : i32
      %select_n3A_1684 = arith.select %and3A_1682, %add3A_1683, %rem3A_1674 : i32
      %add3A_1685 = vector.broadcast %select_n3A_1684 : i32 to vector<16xi32>
      %add3A_1686 = arith.addi %broadcast_in_dim3A_1666, %add3A_1685 : vector<16xi32>
      %broadcast_in_dim3A_1687 = arith.constant 0 : i32
      %broadcast_in_dim3A_1688 = vector.broadcast %broadcast_in_dim3A_1687 : i32 to vector<16xi32>
      %slice3A_1689 = vector.extract_strided_slice %get3A_18 {offsets = [8], sizes = [1], strides = [1]} : vector<16xi32> to vector<1xi32>
      %squeeze3A_1690 = vector.extract %slice3A_1689[0] : i32 from vector<1xi32>
      %jit3A_1691 = arith.constant 128 : i32
      %eq3A_1692 = arith.constant 0 : i32
      %eq3A_1693 = arith.cmpi eq, %jit3A_1691, %eq3A_1692 : i32
      %jit3A_1694 = arith.constant 1 : i32
      %select_n3A_1695 = arith.select %eq3A_1693, %jit3A_1694, %jit3A_1691 : i32
      %rem3A_1696 = arith.remsi %squeeze3A_1690, %select_n3A_1695 : i32
      %ne3A_1697 = arith.constant 0 : i32
      %ne3A_1698 = arith.cmpi ne, %rem3A_1696, %ne3A_1697 : i32
      %lt3A_1699 = arith.constant 0 : i32
      %lt3A_1700 = arith.cmpi slt, %rem3A_1696, %lt3A_1699 : i32
      %lt3A_1701 = arith.constant 0 : i32
      %lt3A_1702 = arith.cmpi slt, %select_n3A_1695, %lt3A_1701 : i32
      %ne3A_1703 = arith.xori %lt3A_1700, %lt3A_1702 : i1
      %and3A_1704 = arith.andi %ne3A_1703, %ne3A_1698 : i1
      %add3A_1705 = arith.addi %rem3A_1696, %select_n3A_1695 : i32
      %select_n3A_1706 = arith.select %and3A_1704, %add3A_1705, %rem3A_1696 : i32
      %add3A_1707 = vector.broadcast %select_n3A_1706 : i32 to vector<16xi32>
      %add3A_1708 = arith.addi %broadcast_in_dim3A_1688, %add3A_1707 : vector<16xi32>
      %gather3A_1709 = tpu.vector_load_idx %arg10[%iota3A, %add3A_1686] : memref<16x1024xf32, #tpu.memory_space<vmem>>[vector<16xi32>, vector<16xi32>], vector<16xf32>,
      %gather3A_1710 = tpu.vector_load_idx %arg12[%iota3A, %add3A_1708] : memref<16x1024xf32, #tpu.memory_space<vmem>>[vector<16xi32>, vector<16xi32>], vector<16xf32>,
      %mul3A_1711 = arith.mulf %gather3A_1709, %gather3A_1710 : vector<16xf32>
      %swap3A_1712 = arith.constant 128 : index
      %swap3A_1713 = tpu.vector_load %arg13[%swap3A_1712] {strides = array<i32>} : memref<256xf32, #tpu.memory_space<vmem>>, vector<16xf32>,
      tpu.vector_store %arg13[%swap3A_1712], %mul3A_1711 {strides = array<i32>} : memref<256xf32, #tpu.memory_space<vmem>>, vector<16xf32>,
      %broadcast_in_dim3A_1714 = arith.constant 128 : i32
      %broadcast_in_dim3A_1715 = vector.broadcast %broadcast_in_dim3A_1714 : i32 to vector<16xi32>
      %slice3A_1716 = vector.extract_strided_slice %get3A_16 {offsets = [9], sizes = [1], strides = [1]} : vector<16xi32> to vector<1xi32>
      %squeeze3A_1717 = vector.extract %slice3A_1716[0] : i32 from vector<1xi32>
      %jit3A_1718 = arith.constant 128 : i32
      %eq3A_1719 = arith.constant 0 : i32
      %eq3A_1720 = arith.cmpi eq, %jit3A_1718, %eq3A_1719 : i32
      %jit3A_1721 = arith.constant 1 : i32
      %select_n3A_1722 = arith.select %eq3A_1720, %jit3A_1721, %jit3A_1718 : i32
      %rem3A_1723 = arith.remsi %squeeze3A_1717, %select_n3A_1722 : i32
      %ne3A_1724 = arith.constant 0 : i32
      %ne3A_1725 = arith.cmpi ne, %rem3A_1723, %ne3A_1724 : i32
      %lt3A_1726 = arith.constant 0 : i32
      %lt3A_1727 = arith.cmpi slt, %rem3A_1723, %lt3A_1726 : i32
      %lt3A_1728 = arith.constant 0 : i32
      %lt3A_1729 = arith.cmpi slt, %select_n3A_1722, %lt3A_1728 : i32
      %ne3A_1730 = arith.xori %lt3A_1727, %lt3A_1729 : i1
      %and3A_1731 = arith.andi %ne3A_1730, %ne3A_1725 : i1
      %add3A_1732 = arith.addi %rem3A_1723, %select_n3A_1722 : i32
      %select_n3A_1733 = arith.select %and3A_1731, %add3A_1732, %rem3A_1723 : i32
      %add3A_1734 = vector.broadcast %select_n3A_1733 : i32 to vector<16xi32>
      %add3A_1735 = arith.addi %broadcast_in_dim3A_1715, %add3A_1734 : vector<16xi32>
      %broadcast_in_dim3A_1736 = arith.constant 128 : i32
      %broadcast_in_dim3A_1737 = vector.broadcast %broadcast_in_dim3A_1736 : i32 to vector<16xi32>
      %slice3A_1738 = vector.extract_strided_slice %get3A_18 {offsets = [9], sizes = [1], strides = [1]} : vector<16xi32> to vector<1xi32>
      %squeeze3A_1739 = vector.extract %slice3A_1738[0] : i32 from vector<1xi32>
      %jit3A_1740 = arith.constant 128 : i32
      %eq3A_1741 = arith.constant 0 : i32
      %eq3A_1742 = arith.cmpi eq, %jit3A_1740, %eq3A_1741 : i32
      %jit3A_1743 = arith.constant 1 : i32
      %select_n3A_1744 = arith.select %eq3A_1742, %jit3A_1743, %jit3A_1740 : i32
      %rem3A_1745 = arith.remsi %squeeze3A_1739, %select_n3A_1744 : i32
      %ne3A_1746 = arith.constant 0 : i32
      %ne3A_1747 = arith.cmpi ne, %rem3A_1745, %ne3A_1746 : i32
      %lt3A_1748 = arith.constant 0 : i32
      %lt3A_1749 = arith.cmpi slt, %rem3A_1745, %lt3A_1748 : i32
      %lt3A_1750 = arith.constant 0 : i32
      %lt3A_1751 = arith.cmpi slt, %select_n3A_1744, %lt3A_1750 : i32
      %ne3A_1752 = arith.xori %lt3A_1749, %lt3A_1751 : i1
      %and3A_1753 = arith.andi %ne3A_1752, %ne3A_1747 : i1
      %add3A_1754 = arith.addi %rem3A_1745, %select_n3A_1744 : i32
      %select_n3A_1755 = arith.select %and3A_1753, %add3A_1754, %rem3A_1745 : i32
      %add3A_1756 = vector.broadcast %select_n3A_1755 : i32 to vector<16xi32>
      %add3A_1757 = arith.addi %broadcast_in_dim3A_1737, %add3A_1756 : vector<16xi32>
      %gather3A_1758 = tpu.vector_load_idx %arg10[%iota3A, %add3A_1735] : memref<16x1024xf32, #tpu.memory_space<vmem>>[vector<16xi32>, vector<16xi32>], vector<16xf32>,
      %gather3A_1759 = tpu.vector_load_idx %arg12[%iota3A, %add3A_1757] : memref<16x1024xf32, #tpu.memory_space<vmem>>[vector<16xi32>, vector<16xi32>], vector<16xf32>,
      %mul3A_1760 = arith.mulf %gather3A_1758, %gather3A_1759 : vector<16xf32>
      %swap3A_1761 = arith.constant 144 : index
      %swap3A_1762 = tpu.vector_load %arg13[%swap3A_1761] {strides = array<i32>} : memref<256xf32, #tpu.memory_space<vmem>>, vector<16xf32>,
      tpu.vector_store %arg13[%swap3A_1761], %mul3A_1760 {strides = array<i32>} : memref<256xf32, #tpu.memory_space<vmem>>, vector<16xf32>,
      %broadcast_in_dim3A_1763 = arith.constant 256 : i32
      %broadcast_in_dim3A_1764 = vector.broadcast %broadcast_in_dim3A_1763 : i32 to vector<16xi32>
      %slice3A_1765 = vector.extract_strided_slice %get3A_16 {offsets = [10], sizes = [1], strides = [1]} : vector<16xi32> to vector<1xi32>
      %squeeze3A_1766 = vector.extract %slice3A_1765[0] : i32 from vector<1xi32>
      %jit3A_1767 = arith.constant 128 : i32
      %eq3A_1768 = arith.constant 0 : i32
      %eq3A_1769 = arith.cmpi eq, %jit3A_1767, %eq3A_1768 : i32
      %jit3A_1770 = arith.constant 1 : i32
      %select_n3A_1771 = arith.select %eq3A_1769, %jit3A_1770, %jit3A_1767 : i32
      %rem3A_1772 = arith.remsi %squeeze3A_1766, %select_n3A_1771 : i32
      %ne3A_1773 = arith.constant 0 : i32
      %ne3A_1774 = arith.cmpi ne, %rem3A_1772, %ne3A_1773 : i32
      %lt3A_1775 = arith.constant 0 : i32
      %lt3A_1776 = arith.cmpi slt, %rem3A_1772, %lt3A_1775 : i32
      %lt3A_1777 = arith.constant 0 : i32
      %lt3A_1778 = arith.cmpi slt, %select_n3A_1771, %lt3A_1777 : i32
      %ne3A_1779 = arith.xori %lt3A_1776, %lt3A_1778 : i1
      %and3A_1780 = arith.andi %ne3A_1779, %ne3A_1774 : i1
      %add3A_1781 = arith.addi %rem3A_1772, %select_n3A_1771 : i32
      %select_n3A_1782 = arith.select %and3A_1780, %add3A_1781, %rem3A_1772 : i32
      %add3A_1783 = vector.broadcast %select_n3A_1782 : i32 to vector<16xi32>
      %add3A_1784 = arith.addi %broadcast_in_dim3A_1764, %add3A_1783 : vector<16xi32>
      %broadcast_in_dim3A_1785 = arith.constant 256 : i32
      %broadcast_in_dim3A_1786 = vector.broadcast %broadcast_in_dim3A_1785 : i32 to vector<16xi32>
      %slice3A_1787 = vector.extract_strided_slice %get3A_18 {offsets = [10], sizes = [1], strides = [1]} : vector<16xi32> to vector<1xi32>
      %squeeze3A_1788 = vector.extract %slice3A_1787[0] : i32 from vector<1xi32>
      %jit3A_1789 = arith.constant 128 : i32
      %eq3A_1790 = arith.constant 0 : i32
      %eq3A_1791 = arith.cmpi eq, %jit3A_1789, %eq3A_1790 : i32
      %jit3A_1792 = arith.constant 1 : i32
      %select_n3A_1793 = arith.select %eq3A_1791, %jit3A_1792, %jit3A_1789 : i32
      %rem3A_1794 = arith.remsi %squeeze3A_1788, %select_n3A_1793 : i32
      %ne3A_1795 = arith.constant 0 : i32
      %ne3A_1796 = arith.cmpi ne, %rem3A_1794, %ne3A_1795 : i32
      %lt3A_1797 = arith.constant 0 : i32
      %lt3A_1798 = arith.cmpi slt, %rem3A_1794, %lt3A_1797 : i32
      %lt3A_1799 = arith.constant 0 : i32
      %lt3A_1800 = arith.cmpi slt, %select_n3A_1793, %lt3A_1799 : i32
      %ne3A_1801 = arith.xori %lt3A_1798, %lt3A_1800 : i1
      %and3A_1802 = arith.andi %ne3A_1801, %ne3A_1796 : i1
      %add3A_1803 = arith.addi %rem3A_1794, %select_n3A_1793 : i32
      %select_n3A_1804 = arith.select %and3A_1802, %add3A_1803, %rem3A_1794 : i32
      %add3A_1805 = vector.broadcast %select_n3A_1804 : i32 to vector<16xi32>
      %add3A_1806 = arith.addi %broadcast_in_dim3A_1786, %add3A_1805 : vector<16xi32>
      %gather3A_1807 = tpu.vector_load_idx %arg10[%iota3A, %add3A_1784] : memref<16x1024xf32, #tpu.memory_space<vmem>>[vector<16xi32>, vector<16xi32>], vector<16xf32>,
      %gather3A_1808 = tpu.vector_load_idx %arg12[%iota3A, %add3A_1806] : memref<16x1024xf32, #tpu.memory_space<vmem>>[vector<16xi32>, vector<16xi32>], vector<16xf32>,
      %mul3A_1809 = arith.mulf %gather3A_1807, %gather3A_1808 : vector<16xf32>
      %swap3A_1810 = arith.constant 160 : index
      %swap3A_1811 = tpu.vector_load %arg13[%swap3A_1810] {strides = array<i32>} : memref<256xf32, #tpu.memory_space<vmem>>, vector<16xf32>,
      tpu.vector_store %arg13[%swap3A_1810], %mul3A_1809 {strides = array<i32>} : memref<256xf32, #tpu.memory_space<vmem>>, vector<16xf32>,
      %broadcast_in_dim3A_1812 = arith.constant 384 : i32
      %broadcast_in_dim3A_1813 = vector.broadcast %broadcast_in_dim3A_1812 : i32 to vector<16xi32>
      %slice3A_1814 = vector.extract_strided_slice %get3A_16 {offsets = [11], sizes = [1], strides = [1]} : vector<16xi32> to vector<1xi32>
      %squeeze3A_1815 = vector.extract %slice3A_1814[0] : i32 from vector<1xi32>
      %jit3A_1816 = arith.constant 128 : i32
      %eq3A_1817 = arith.constant 0 : i32
      %eq3A_1818 = arith.cmpi eq, %jit3A_1816, %eq3A_1817 : i32
      %jit3A_1819 = arith.constant 1 : i32
      %select_n3A_1820 = arith.select %eq3A_1818, %jit3A_1819, %jit3A_1816 : i32
      %rem3A_1821 = arith.remsi %squeeze3A_1815, %select_n3A_1820 : i32
      %ne3A_1822 = arith.constant 0 : i32
      %ne3A_1823 = arith.cmpi ne, %rem3A_1821, %ne3A_1822 : i32
      %lt3A_1824 = arith.constant 0 : i32
      %lt3A_1825 = arith.cmpi slt, %rem3A_1821, %lt3A_1824 : i32
      %lt3A_1826 = arith.constant 0 : i32
      %lt3A_1827 = arith.cmpi slt, %select_n3A_1820, %lt3A_1826 : i32
      %ne3A_1828 = arith.xori %lt3A_1825, %lt3A_1827 : i1
      %and3A_1829 = arith.andi %ne3A_1828, %ne3A_1823 : i1
      %add3A_1830 = arith.addi %rem3A_1821, %select_n3A_1820 : i32
      %select_n3A_1831 = arith.select %and3A_1829, %add3A_1830, %rem3A_1821 : i32
      %add3A_1832 = vector.broadcast %select_n3A_1831 : i32 to vector<16xi32>
      %add3A_1833 = arith.addi %broadcast_in_dim3A_1813, %add3A_1832 : vector<16xi32>
      %broadcast_in_dim3A_1834 = arith.constant 384 : i32
      %broadcast_in_dim3A_1835 = vector.broadcast %broadcast_in_dim3A_1834 : i32 to vector<16xi32>
      %slice3A_1836 = vector.extract_strided_slice %get3A_18 {offsets = [11], sizes = [1], strides = [1]} : vector<16xi32> to vector<1xi32>
      %squeeze3A_1837 = vector.extract %slice3A_1836[0] : i32 from vector<1xi32>
      %jit3A_1838 = arith.constant 128 : i32
      %eq3A_1839 = arith.constant 0 : i32
      %eq3A_1840 = arith.cmpi eq, %jit3A_1838, %eq3A_1839 : i32
      %jit3A_1841 = arith.constant 1 : i32
      %select_n3A_1842 = arith.select %eq3A_1840, %jit3A_1841, %jit3A_1838 : i32
      %rem3A_1843 = arith.remsi %squeeze3A_1837, %select_n3A_1842 : i32
      %ne3A_1844 = arith.constant 0 : i32
      %ne3A_1845 = arith.cmpi ne, %rem3A_1843, %ne3A_1844 : i32
      %lt3A_1846 = arith.constant 0 : i32
      %lt3A_1847 = arith.cmpi slt, %rem3A_1843, %lt3A_1846 : i32
      %lt3A_1848 = arith.constant 0 : i32
      %lt3A_1849 = arith.cmpi slt, %select_n3A_1842, %lt3A_1848 : i32
      %ne3A_1850 = arith.xori %lt3A_1847, %lt3A_1849 : i1
      %and3A_1851 = arith.andi %ne3A_1850, %ne3A_1845 : i1
      %add3A_1852 = arith.addi %rem3A_1843, %select_n3A_1842 : i32
      %select_n3A_1853 = arith.select %and3A_1851, %add3A_1852, %rem3A_1843 : i32
      %add3A_1854 = vector.broadcast %select_n3A_1853 : i32 to vector<16xi32>
      %add3A_1855 = arith.addi %broadcast_in_dim3A_1835, %add3A_1854 : vector<16xi32>
      %gather3A_1856 = tpu.vector_load_idx %arg10[%iota3A, %add3A_1833] : memref<16x1024xf32, #tpu.memory_space<vmem>>[vector<16xi32>, vector<16xi32>], vector<16xf32>,
      %gather3A_1857 = tpu.vector_load_idx %arg12[%iota3A, %add3A_1855] : memref<16x1024xf32, #tpu.memory_space<vmem>>[vector<16xi32>, vector<16xi32>], vector<16xf32>,
      %mul3A_1858 = arith.mulf %gather3A_1856, %gather3A_1857 : vector<16xf32>
      %swap3A_1859 = arith.constant 176 : index
      %swap3A_1860 = tpu.vector_load %arg13[%swap3A_1859] {strides = array<i32>} : memref<256xf32, #tpu.memory_space<vmem>>, vector<16xf32>,
      tpu.vector_store %arg13[%swap3A_1859], %mul3A_1858 {strides = array<i32>} : memref<256xf32, #tpu.memory_space<vmem>>, vector<16xf32>,
      %broadcast_in_dim3A_1861 = arith.constant 512 : i32
      %broadcast_in_dim3A_1862 = vector.broadcast %broadcast_in_dim3A_1861 : i32 to vector<16xi32>
      %slice3A_1863 = vector.extract_strided_slice %get3A_16 {offsets = [12], sizes = [1], strides = [1]} : vector<16xi32> to vector<1xi32>
      %squeeze3A_1864 = vector.extract %slice3A_1863[0] : i32 from vector<1xi32>
      %jit3A_1865 = arith.constant 128 : i32
      %eq3A_1866 = arith.constant 0 : i32
      %eq3A_1867 = arith.cmpi eq, %jit3A_1865, %eq3A_1866 : i32
      %jit3A_1868 = arith.constant 1 : i32
      %select_n3A_1869 = arith.select %eq3A_1867, %jit3A_1868, %jit3A_1865 : i32
      %rem3A_1870 = arith.remsi %squeeze3A_1864, %select_n3A_1869 : i32
      %ne3A_1871 = arith.constant 0 : i32
      %ne3A_1872 = arith.cmpi ne, %rem3A_1870, %ne3A_1871 : i32
      %lt3A_1873 = arith.constant 0 : i32
      %lt3A_1874 = arith.cmpi slt, %rem3A_1870, %lt3A_1873 : i32
      %lt3A_1875 = arith.constant 0 : i32
      %lt3A_1876 = arith.cmpi slt, %select_n3A_1869, %lt3A_1875 : i32
      %ne3A_1877 = arith.xori %lt3A_1874, %lt3A_1876 : i1
      %and3A_1878 = arith.andi %ne3A_1877, %ne3A_1872 : i1
      %add3A_1879 = arith.addi %rem3A_1870, %select_n3A_1869 : i32
      %select_n3A_1880 = arith.select %and3A_1878, %add3A_1879, %rem3A_1870 : i32
      %add3A_1881 = vector.broadcast %select_n3A_1880 : i32 to vector<16xi32>
      %add3A_1882 = arith.addi %broadcast_in_dim3A_1862, %add3A_1881 : vector<16xi32>
      %broadcast_in_dim3A_1883 = arith.constant 512 : i32
      %broadcast_in_dim3A_1884 = vector.broadcast %broadcast_in_dim3A_1883 : i32 to vector<16xi32>
      %slice3A_1885 = vector.extract_strided_slice %get3A_18 {offsets = [12], sizes = [1], strides = [1]} : vector<16xi32> to vector<1xi32>
      %squeeze3A_1886 = vector.extract %slice3A_1885[0] : i32 from vector<1xi32>
      %jit3A_1887 = arith.constant 128 : i32
      %eq3A_1888 = arith.constant 0 : i32
      %eq3A_1889 = arith.cmpi eq, %jit3A_1887, %eq3A_1888 : i32
      %jit3A_1890 = arith.constant 1 : i32
      %select_n3A_1891 = arith.select %eq3A_1889, %jit3A_1890, %jit3A_1887 : i32
      %rem3A_1892 = arith.remsi %squeeze3A_1886, %select_n3A_1891 : i32
      %ne3A_1893 = arith.constant 0 : i32
      %ne3A_1894 = arith.cmpi ne, %rem3A_1892, %ne3A_1893 : i32
      %lt3A_1895 = arith.constant 0 : i32
      %lt3A_1896 = arith.cmpi slt, %rem3A_1892, %lt3A_1895 : i32
      %lt3A_1897 = arith.constant 0 : i32
      %lt3A_1898 = arith.cmpi slt, %select_n3A_1891, %lt3A_1897 : i32
      %ne3A_1899 = arith.xori %lt3A_1896, %lt3A_1898 : i1
      %and3A_1900 = arith.andi %ne3A_1899, %ne3A_1894 : i1
      %add3A_1901 = arith.addi %rem3A_1892, %select_n3A_1891 : i32
      %select_n3A_1902 = arith.select %and3A_1900, %add3A_1901, %rem3A_1892 : i32
      %add3A_1903 = vector.broadcast %select_n3A_1902 : i32 to vector<16xi32>
      %add3A_1904 = arith.addi %broadcast_in_dim3A_1884, %add3A_1903 : vector<16xi32>
      %gather3A_1905 = tpu.vector_load_idx %arg10[%iota3A, %add3A_1882] : memref<16x1024xf32, #tpu.memory_space<vmem>>[vector<16xi32>, vector<16xi32>], vector<16xf32>,
      %gather3A_1906 = tpu.vector_load_idx %arg12[%iota3A, %add3A_1904] : memref<16x1024xf32, #tpu.memory_space<vmem>>[vector<16xi32>, vector<16xi32>], vector<16xf32>,
      %mul3A_1907 = arith.mulf %gather3A_1905, %gather3A_1906 : vector<16xf32>
      %swap3A_1908 = arith.constant 192 : index
      %swap3A_1909 = tpu.vector_load %arg13[%swap3A_1908] {strides = array<i32>} : memref<256xf32, #tpu.memory_space<vmem>>, vector<16xf32>,
      tpu.vector_store %arg13[%swap3A_1908], %mul3A_1907 {strides = array<i32>} : memref<256xf32, #tpu.memory_space<vmem>>, vector<16xf32>,
      %broadcast_in_dim3A_1910 = arith.constant 640 : i32
      %broadcast_in_dim3A_1911 = vector.broadcast %broadcast_in_dim3A_1910 : i32 to vector<16xi32>
      %slice3A_1912 = vector.extract_strided_slice %get3A_16 {offsets = [13], sizes = [1], strides = [1]} : vector<16xi32> to vector<1xi32>
      %squeeze3A_1913 = vector.extract %slice3A_1912[0] : i32 from vector<1xi32>
      %jit3A_1914 = arith.constant 128 : i32
      %eq3A_1915 = arith.constant 0 : i32
      %eq3A_1916 = arith.cmpi eq, %jit3A_1914, %eq3A_1915 : i32
      %jit3A_1917 = arith.constant 1 : i32
      %select_n3A_1918 = arith.select %eq3A_1916, %jit3A_1917, %jit3A_1914 : i32
      %rem3A_1919 = arith.remsi %squeeze3A_1913, %select_n3A_1918 : i32
      %ne3A_1920 = arith.constant 0 : i32
      %ne3A_1921 = arith.cmpi ne, %rem3A_1919, %ne3A_1920 : i32
      %lt3A_1922 = arith.constant 0 : i32
      %lt3A_1923 = arith.cmpi slt, %rem3A_1919, %lt3A_1922 : i32
      %lt3A_1924 = arith.constant 0 : i32
      %lt3A_1925 = arith.cmpi slt, %select_n3A_1918, %lt3A_1924 : i32
      %ne3A_1926 = arith.xori %lt3A_1923, %lt3A_1925 : i1
      %and3A_1927 = arith.andi %ne3A_1926, %ne3A_1921 : i1
      %add3A_1928 = arith.addi %rem3A_1919, %select_n3A_1918 : i32
      %select_n3A_1929 = arith.select %and3A_1927, %add3A_1928, %rem3A_1919 : i32
      %add3A_1930 = vector.broadcast %select_n3A_1929 : i32 to vector<16xi32>
      %add3A_1931 = arith.addi %broadcast_in_dim3A_1911, %add3A_1930 : vector<16xi32>
      %broadcast_in_dim3A_1932 = arith.constant 640 : i32
      %broadcast_in_dim3A_1933 = vector.broadcast %broadcast_in_dim3A_1932 : i32 to vector<16xi32>
      %slice3A_1934 = vector.extract_strided_slice %get3A_18 {offsets = [13], sizes = [1], strides = [1]} : vector<16xi32> to vector<1xi32>
      %squeeze3A_1935 = vector.extract %slice3A_1934[0] : i32 from vector<1xi32>
      %jit3A_1936 = arith.constant 128 : i32
      %eq3A_1937 = arith.constant 0 : i32
      %eq3A_1938 = arith.cmpi eq, %jit3A_1936, %eq3A_1937 : i32
      %jit3A_1939 = arith.constant 1 : i32
      %select_n3A_1940 = arith.select %eq3A_1938, %jit3A_1939, %jit3A_1936 : i32
      %rem3A_1941 = arith.remsi %squeeze3A_1935, %select_n3A_1940 : i32
      %ne3A_1942 = arith.constant 0 : i32
      %ne3A_1943 = arith.cmpi ne, %rem3A_1941, %ne3A_1942 : i32
      %lt3A_1944 = arith.constant 0 : i32
      %lt3A_1945 = arith.cmpi slt, %rem3A_1941, %lt3A_1944 : i32
      %lt3A_1946 = arith.constant 0 : i32
      %lt3A_1947 = arith.cmpi slt, %select_n3A_1940, %lt3A_1946 : i32
      %ne3A_1948 = arith.xori %lt3A_1945, %lt3A_1947 : i1
      %and3A_1949 = arith.andi %ne3A_1948, %ne3A_1943 : i1
      %add3A_1950 = arith.addi %rem3A_1941, %select_n3A_1940 : i32
      %select_n3A_1951 = arith.select %and3A_1949, %add3A_1950, %rem3A_1941 : i32
      %add3A_1952 = vector.broadcast %select_n3A_1951 : i32 to vector<16xi32>
      %add3A_1953 = arith.addi %broadcast_in_dim3A_1933, %add3A_1952 : vector<16xi32>
      %gather3A_1954 = tpu.vector_load_idx %arg10[%iota3A, %add3A_1931] : memref<16x1024xf32, #tpu.memory_space<vmem>>[vector<16xi32>, vector<16xi32>], vector<16xf32>,
      %gather3A_1955 = tpu.vector_load_idx %arg12[%iota3A, %add3A_1953] : memref<16x1024xf32, #tpu.memory_space<vmem>>[vector<16xi32>, vector<16xi32>], vector<16xf32>,
      %mul3A_1956 = arith.mulf %gather3A_1954, %gather3A_1955 : vector<16xf32>
      %swap3A_1957 = arith.constant 208 : index
      %swap3A_1958 = tpu.vector_load %arg13[%swap3A_1957] {strides = array<i32>} : memref<256xf32, #tpu.memory_space<vmem>>, vector<16xf32>,
      tpu.vector_store %arg13[%swap3A_1957], %mul3A_1956 {strides = array<i32>} : memref<256xf32, #tpu.memory_space<vmem>>, vector<16xf32>,
      %broadcast_in_dim3A_1959 = arith.constant 768 : i32
      %broadcast_in_dim3A_1960 = vector.broadcast %broadcast_in_dim3A_1959 : i32 to vector<16xi32>
      %slice3A_1961 = vector.extract_strided_slice %get3A_16 {offsets = [14], sizes = [1], strides = [1]} : vector<16xi32> to vector<1xi32>
      %squeeze3A_1962 = vector.extract %slice3A_1961[0] : i32 from vector<1xi32>
      %jit3A_1963 = arith.constant 128 : i32
      %eq3A_1964 = arith.constant 0 : i32
      %eq3A_1965 = arith.cmpi eq, %jit3A_1963, %eq3A_1964 : i32
      %jit3A_1966 = arith.constant 1 : i32
      %select_n3A_1967 = arith.select %eq3A_1965, %jit3A_1966, %jit3A_1963 : i32
      %rem3A_1968 = arith.remsi %squeeze3A_1962, %select_n3A_1967 : i32
      %ne3A_1969 = arith.constant 0 : i32
      %ne3A_1970 = arith.cmpi ne, %rem3A_1968, %ne3A_1969 : i32
      %lt3A_1971 = arith.constant 0 : i32
      %lt3A_1972 = arith.cmpi slt, %rem3A_1968, %lt3A_1971 : i32
      %lt3A_1973 = arith.constant 0 : i32
      %lt3A_1974 = arith.cmpi slt, %select_n3A_1967, %lt3A_1973 : i32
      %ne3A_1975 = arith.xori %lt3A_1972, %lt3A_1974 : i1
      %and3A_1976 = arith.andi %ne3A_1975, %ne3A_1970 : i1
      %add3A_1977 = arith.addi %rem3A_1968, %select_n3A_1967 : i32
      %select_n3A_1978 = arith.select %and3A_1976, %add3A_1977, %rem3A_1968 : i32
      %add3A_1979 = vector.broadcast %select_n3A_1978 : i32 to vector<16xi32>
      %add3A_1980 = arith.addi %broadcast_in_dim3A_1960, %add3A_1979 : vector<16xi32>
      %broadcast_in_dim3A_1981 = arith.constant 768 : i32
      %broadcast_in_dim3A_1982 = vector.broadcast %broadcast_in_dim3A_1981 : i32 to vector<16xi32>
      %slice3A_1983 = vector.extract_strided_slice %get3A_18 {offsets = [14], sizes = [1], strides = [1]} : vector<16xi32> to vector<1xi32>
      %squeeze3A_1984 = vector.extract %slice3A_1983[0] : i32 from vector<1xi32>
      %jit3A_1985 = arith.constant 128 : i32
      %eq3A_1986 = arith.constant 0 : i32
      %eq3A_1987 = arith.cmpi eq, %jit3A_1985, %eq3A_1986 : i32
      %jit3A_1988 = arith.constant 1 : i32
      %select_n3A_1989 = arith.select %eq3A_1987, %jit3A_1988, %jit3A_1985 : i32
      %rem3A_1990 = arith.remsi %squeeze3A_1984, %select_n3A_1989 : i32
      %ne3A_1991 = arith.constant 0 : i32
      %ne3A_1992 = arith.cmpi ne, %rem3A_1990, %ne3A_1991 : i32
      %lt3A_1993 = arith.constant 0 : i32
      %lt3A_1994 = arith.cmpi slt, %rem3A_1990, %lt3A_1993 : i32
      %lt3A_1995 = arith.constant 0 : i32
      %lt3A_1996 = arith.cmpi slt, %select_n3A_1989, %lt3A_1995 : i32
      %ne3A_1997 = arith.xori %lt3A_1994, %lt3A_1996 : i1
      %and3A_1998 = arith.andi %ne3A_1997, %ne3A_1992 : i1
      %add3A_1999 = arith.addi %rem3A_1990, %select_n3A_1989 : i32
      %select_n3A_2000 = arith.select %and3A_1998, %add3A_1999, %rem3A_1990 : i32
      %add3A_2001 = vector.broadcast %select_n3A_2000 : i32 to vector<16xi32>
      %add3A_2002 = arith.addi %broadcast_in_dim3A_1982, %add3A_2001 : vector<16xi32>
      %gather3A_2003 = tpu.vector_load_idx %arg10[%iota3A, %add3A_1980] : memref<16x1024xf32, #tpu.memory_space<vmem>>[vector<16xi32>, vector<16xi32>], vector<16xf32>,
      %gather3A_2004 = tpu.vector_load_idx %arg12[%iota3A, %add3A_2002] : memref<16x1024xf32, #tpu.memory_space<vmem>>[vector<16xi32>, vector<16xi32>], vector<16xf32>,
      %mul3A_2005 = arith.mulf %gather3A_2003, %gather3A_2004 : vector<16xf32>
      %swap3A_2006 = arith.constant 224 : index
      %swap3A_2007 = tpu.vector_load %arg13[%swap3A_2006] {strides = array<i32>} : memref<256xf32, #tpu.memory_space<vmem>>, vector<16xf32>,
      tpu.vector_store %arg13[%swap3A_2006], %mul3A_2005 {strides = array<i32>} : memref<256xf32, #tpu.memory_space<vmem>>, vector<16xf32>,
      %broadcast_in_dim3A_2008 = arith.constant 896 : i32
      %broadcast_in_dim3A_2009 = vector.broadcast %broadcast_in_dim3A_2008 : i32 to vector<16xi32>
      %slice3A_2010 = vector.extract_strided_slice %get3A_16 {offsets = [15], sizes = [1], strides = [1]} : vector<16xi32> to vector<1xi32>
      %squeeze3A_2011 = vector.extract %slice3A_2010[0] : i32 from vector<1xi32>
      %jit3A_2012 = arith.constant 128 : i32
      %eq3A_2013 = arith.constant 0 : i32
      %eq3A_2014 = arith.cmpi eq, %jit3A_2012, %eq3A_2013 : i32
      %jit3A_2015 = arith.constant 1 : i32
      %select_n3A_2016 = arith.select %eq3A_2014, %jit3A_2015, %jit3A_2012 : i32
      %rem3A_2017 = arith.remsi %squeeze3A_2011, %select_n3A_2016 : i32
      %ne3A_2018 = arith.constant 0 : i32
      %ne3A_2019 = arith.cmpi ne, %rem3A_2017, %ne3A_2018 : i32
      %lt3A_2020 = arith.constant 0 : i32
      %lt3A_2021 = arith.cmpi slt, %rem3A_2017, %lt3A_2020 : i32
      %lt3A_2022 = arith.constant 0 : i32
      %lt3A_2023 = arith.cmpi slt, %select_n3A_2016, %lt3A_2022 : i32
      %ne3A_2024 = arith.xori %lt3A_2021, %lt3A_2023 : i1
      %and3A_2025 = arith.andi %ne3A_2024, %ne3A_2019 : i1
      %add3A_2026 = arith.addi %rem3A_2017, %select_n3A_2016 : i32
      %select_n3A_2027 = arith.select %and3A_2025, %add3A_2026, %rem3A_2017 : i32
      %add3A_2028 = vector.broadcast %select_n3A_2027 : i32 to vector<16xi32>
      %add3A_2029 = arith.addi %broadcast_in_dim3A_2009, %add3A_2028 : vector<16xi32>
      %broadcast_in_dim3A_2030 = arith.constant 896 : i32
      %broadcast_in_dim3A_2031 = vector.broadcast %broadcast_in_dim3A_2030 : i32 to vector<16xi32>
      %slice3A_2032 = vector.extract_strided_slice %get3A_18 {offsets = [15], sizes = [1], strides = [1]} : vector<16xi32> to vector<1xi32>
      %squeeze3A_2033 = vector.extract %slice3A_2032[0] : i32 from vector<1xi32>
      %jit3A_2034 = arith.constant 128 : i32
      %eq3A_2035 = arith.constant 0 : i32
      %eq3A_2036 = arith.cmpi eq, %jit3A_2034, %eq3A_2035 : i32
      %jit3A_2037 = arith.constant 1 : i32
      %select_n3A_2038 = arith.select %eq3A_2036, %jit3A_2037, %jit3A_2034 : i32
      %rem3A_2039 = arith.remsi %squeeze3A_2033, %select_n3A_2038 : i32
      %ne3A_2040 = arith.constant 0 : i32
      %ne3A_2041 = arith.cmpi ne, %rem3A_2039, %ne3A_2040 : i32
      %lt3A_2042 = arith.constant 0 : i32
      %lt3A_2043 = arith.cmpi slt, %rem3A_2039, %lt3A_2042 : i32
      %lt3A_2044 = arith.constant 0 : i32
      %lt3A_2045 = arith.cmpi slt, %select_n3A_2038, %lt3A_2044 : i32
      %ne3A_2046 = arith.xori %lt3A_2043, %lt3A_2045 : i1
      %and3A_2047 = arith.andi %ne3A_2046, %ne3A_2041 : i1
      %add3A_2048 = arith.addi %rem3A_2039, %select_n3A_2038 : i32
      %select_n3A_2049 = arith.select %and3A_2047, %add3A_2048, %rem3A_2039 : i32
      %add3A_2050 = vector.broadcast %select_n3A_2049 : i32 to vector<16xi32>
      %add3A_2051 = arith.addi %broadcast_in_dim3A_2031, %add3A_2050 : vector<16xi32>
      %gather3A_2052 = tpu.vector_load_idx %arg10[%iota3A, %add3A_2029] : memref<16x1024xf32, #tpu.memory_space<vmem>>[vector<16xi32>, vector<16xi32>], vector<16xf32>,
      %gather3A_2053 = tpu.vector_load_idx %arg12[%iota3A, %add3A_2051] : memref<16x1024xf32, #tpu.memory_space<vmem>>[vector<16xi32>, vector<16xi32>], vector<16xf32>,
      %mul3A_2054 = arith.mulf %gather3A_2052, %gather3A_2053 : vector<16xf32>
      %swap3A_2055 = arith.constant 240 : index
      %swap3A_2056 = tpu.vector_load %arg13[%swap3A_2055] {strides = array<i32>} : memref<256xf32, #tpu.memory_space<vmem>>, vector<16xf32>,
      tpu.vector_store %arg13[%swap3A_2055], %mul3A_2054 {strides = array<i32>} : memref<256xf32, #tpu.memory_space<vmem>>, vector<16xf32>,
      %gather3A_2057 = tpu.vector_load_idx %arg13[%mul3A_5] : memref<256xf32, #tpu.memory_space<vmem>>[vector<16xi32>], vector<16xf32>,
      %add3A_2058 = arith.constant 1 : i32
      %add3A_2059 = vector.broadcast %add3A_2058 : i32 to vector<16xi32>
      %add3A_2060 = arith.addi %mul3A_5, %add3A_2059 : vector<16xi32>
      %gather3A_2061 = tpu.vector_load_idx %arg13[%add3A_2060] : memref<256xf32, #tpu.memory_space<vmem>>[vector<16xi32>], vector<16xf32>,
      %add3A_2062 = arith.addf %gather3A_2057, %gather3A_2061 : vector<16xf32>
      %add3A_2063 = arith.constant 2 : i32
      %add3A_2064 = vector.broadcast %add3A_2063 : i32 to vector<16xi32>
      %add3A_2065 = arith.addi %mul3A_5, %add3A_2064 : vector<16xi32>
      %gather3A_2066 = tpu.vector_load_idx %arg13[%add3A_2065] : memref<256xf32, #tpu.memory_space<vmem>>[vector<16xi32>], vector<16xf32>,
      %add3A_2067 = arith.addf %add3A_2062, %gather3A_2066 : vector<16xf32>
      %add3A_2068 = arith.constant 3 : i32
      %add3A_2069 = vector.broadcast %add3A_2068 : i32 to vector<16xi32>
      %add3A_2070 = arith.addi %mul3A_5, %add3A_2069 : vector<16xi32>
      %gather3A_2071 = tpu.vector_load_idx %arg13[%add3A_2070] : memref<256xf32, #tpu.memory_space<vmem>>[vector<16xi32>], vector<16xf32>,
      %add3A_2072 = arith.addf %add3A_2067, %gather3A_2071 : vector<16xf32>
      %add3A_2073 = arith.constant 4 : i32
      %add3A_2074 = vector.broadcast %add3A_2073 : i32 to vector<16xi32>
      %add3A_2075 = arith.addi %mul3A_5, %add3A_2074 : vector<16xi32>
      %gather3A_2076 = tpu.vector_load_idx %arg13[%add3A_2075] : memref<256xf32, #tpu.memory_space<vmem>>[vector<16xi32>], vector<16xf32>,
      %add3A_2077 = arith.addf %add3A_2072, %gather3A_2076 : vector<16xf32>
      %add3A_2078 = arith.constant 5 : i32
      %add3A_2079 = vector.broadcast %add3A_2078 : i32 to vector<16xi32>
      %add3A_2080 = arith.addi %mul3A_5, %add3A_2079 : vector<16xi32>
      %gather3A_2081 = tpu.vector_load_idx %arg13[%add3A_2080] : memref<256xf32, #tpu.memory_space<vmem>>[vector<16xi32>], vector<16xf32>,
      %add3A_2082 = arith.addf %add3A_2077, %gather3A_2081 : vector<16xf32>
      %add3A_2083 = arith.constant 6 : i32
      %add3A_2084 = vector.broadcast %add3A_2083 : i32 to vector<16xi32>
      %add3A_2085 = arith.addi %mul3A_5, %add3A_2084 : vector<16xi32>
      %gather3A_2086 = tpu.vector_load_idx %arg13[%add3A_2085] : memref<256xf32, #tpu.memory_space<vmem>>[vector<16xi32>], vector<16xf32>,
      %add3A_2087 = arith.addf %add3A_2082, %gather3A_2086 : vector<16xf32>
      %add3A_2088 = arith.constant 7 : i32
      %add3A_2089 = vector.broadcast %add3A_2088 : i32 to vector<16xi32>
      %add3A_2090 = arith.addi %mul3A_5, %add3A_2089 : vector<16xi32>
      %gather3A_2091 = tpu.vector_load_idx %arg13[%add3A_2090] : memref<256xf32, #tpu.memory_space<vmem>>[vector<16xi32>], vector<16xf32>,
      %add3A_2092 = arith.addf %add3A_2087, %gather3A_2091 : vector<16xf32>
      %add3A_2093 = arith.constant 8 : i32
      %add3A_2094 = vector.broadcast %add3A_2093 : i32 to vector<16xi32>
      %add3A_2095 = arith.addi %mul3A_5, %add3A_2094 : vector<16xi32>
      %gather3A_2096 = tpu.vector_load_idx %arg13[%add3A_2095] : memref<256xf32, #tpu.memory_space<vmem>>[vector<16xi32>], vector<16xf32>,
      %add3A_2097 = arith.addf %add3A_2092, %gather3A_2096 : vector<16xf32>
      %add3A_2098 = arith.constant 9 : i32
      %add3A_2099 = vector.broadcast %add3A_2098 : i32 to vector<16xi32>
      %add3A_2100 = arith.addi %mul3A_5, %add3A_2099 : vector<16xi32>
      %gather3A_2101 = tpu.vector_load_idx %arg13[%add3A_2100] : memref<256xf32, #tpu.memory_space<vmem>>[vector<16xi32>], vector<16xf32>,
      %add3A_2102 = arith.addf %add3A_2097, %gather3A_2101 : vector<16xf32>
      %add3A_2103 = arith.constant 10 : i32
      %add3A_2104 = vector.broadcast %add3A_2103 : i32 to vector<16xi32>
      %add3A_2105 = arith.addi %mul3A_5, %add3A_2104 : vector<16xi32>
      %gather3A_2106 = tpu.vector_load_idx %arg13[%add3A_2105] : memref<256xf32, #tpu.memory_space<vmem>>[vector<16xi32>], vector<16xf32>,
      %add3A_2107 = arith.addf %add3A_2102, %gather3A_2106 : vector<16xf32>
      %add3A_2108 = arith.constant 11 : i32
      %add3A_2109 = vector.broadcast %add3A_2108 : i32 to vector<16xi32>
      %add3A_2110 = arith.addi %mul3A_5, %add3A_2109 : vector<16xi32>
      %gather3A_2111 = tpu.vector_load_idx %arg13[%add3A_2110] : memref<256xf32, #tpu.memory_space<vmem>>[vector<16xi32>], vector<16xf32>,
      %add3A_2112 = arith.addf %add3A_2107, %gather3A_2111 : vector<16xf32>
      %add3A_2113 = arith.constant 12 : i32
      %add3A_2114 = vector.broadcast %add3A_2113 : i32 to vector<16xi32>
      %add3A_2115 = arith.addi %mul3A_5, %add3A_2114 : vector<16xi32>
      %gather3A_2116 = tpu.vector_load_idx %arg13[%add3A_2115] : memref<256xf32, #tpu.memory_space<vmem>>[vector<16xi32>], vector<16xf32>,
      %add3A_2117 = arith.addf %add3A_2112, %gather3A_2116 : vector<16xf32>
      %add3A_2118 = arith.constant 13 : i32
      %add3A_2119 = vector.broadcast %add3A_2118 : i32 to vector<16xi32>
      %add3A_2120 = arith.addi %mul3A_5, %add3A_2119 : vector<16xi32>
      %gather3A_2121 = tpu.vector_load_idx %arg13[%add3A_2120] : memref<256xf32, #tpu.memory_space<vmem>>[vector<16xi32>], vector<16xf32>,
      %add3A_2122 = arith.addf %add3A_2117, %gather3A_2121 : vector<16xf32>
      %add3A_2123 = arith.constant 14 : i32
      %add3A_2124 = vector.broadcast %add3A_2123 : i32 to vector<16xi32>
      %add3A_2125 = arith.addi %mul3A_5, %add3A_2124 : vector<16xi32>
      %gather3A_2126 = tpu.vector_load_idx %arg13[%add3A_2125] : memref<256xf32, #tpu.memory_space<vmem>>[vector<16xi32>], vector<16xf32>,
      %add3A_2127 = arith.addf %add3A_2122, %gather3A_2126 : vector<16xf32>
      %add3A_2128 = arith.constant 15 : i32
      %add3A_2129 = vector.broadcast %add3A_2128 : i32 to vector<16xi32>
      %add3A_2130 = arith.addi %mul3A_5, %add3A_2129 : vector<16xi32>
      %gather3A_2131 = tpu.vector_load_idx %arg13[%add3A_2130] : memref<256xf32, #tpu.memory_space<vmem>>[vector<16xi32>], vector<16xf32>,
      %add3A_2132 = arith.addf %add3A_2127, %gather3A_2131 : vector<16xf32>
      %swap3A_2133 = arith.index_cast %mul3A_15 : i32 to index
      %swap3A_2134 = tpu.vector_load %arg14[%swap3A_2133] {strides = array<i32>} : memref<512xf32, #tpu.memory_space<vmem>>, vector<16xf32>,
      tpu.vector_store %arg14[%swap3A_2133], %add3A_2132 {strides = array<i32>} : memref<512xf32, #tpu.memory_space<vmem>>, vector<16xf32>,
      %scan3A_2135 = arith.constant 0 : i32
      scf.yield %scan3A_2135 : i32
    }
    %scan3A_11 = arith.constant 32 : i32
    "tpu.region"() ({
      %run_scoped3A = tpu.sem_alloc : memref<!tpu.dma_semaphore, #tpu.memory_space<semaphore_mem>>
      %dma_start3A = tpu.memref_slice %arg6[%mul3A_2] : memref<16384xf32, #tpu.memory_space<hbm>> -> memref<512xf32, #tpu.memory_space<hbm>>
      %dma_start3A_12 = tpu.memref_slice %arg6[%mul3A_2] : memref<16384xf32, #tpu.memory_space<hbm>> -> memref<512xf32, #tpu.memory_space<hbm>>
      tpu.enqueue_dma source(%arg14 : memref<512xf32, #tpu.memory_space<vmem>>) target(%dma_start3A_12 : memref<512xf32, #tpu.memory_space<hbm>>) target_semaphore(%run_scoped3A : memref<!tpu.dma_semaphore, #tpu.memory_space<semaphore_mem>>)
      %dma_wait3A = tpu.memref_slice %arg6[%mul3A_2] : memref<16384xf32, #tpu.memory_space<hbm>> -> memref<512xf32, #tpu.memory_space<hbm>>
      %dma_wait3A_13 = tpu.memref_slice %arg6[%mul3A_2] : memref<16384xf32, #tpu.memory_space<hbm>> -> memref<512xf32, #tpu.memory_space<hbm>>
      tpu.wait_dma2 semaphore(%run_scoped3A : memref<!tpu.dma_semaphore, #tpu.memory_space<semaphore_mem>>) src(%arg14 : memref<512xf32, #tpu.memory_space<vmem>>) dst(%dma_wait3A_13 : memref<512xf32, #tpu.memory_space<hbm>>)
      tpu.yield
    }) : () -> ()
    return
  }
}

</mosaic_0001>

<sc_bundles>
// kernel: kernel.3.cloned.1.call-start
scs
__scs_entry_jumppad:
0x0: {  	(pc) =	sbr.rel $0x88, $3  }
0x1: {  	(tag) =	ssettag $0x0;
	lr =	simm.s32 $0x1  }
0x2: {  	[smem:$0x3F9D] =	sst lr;
	_ =	strace $0xD0000000  }
0x3: {  	_ = 	snop  }
0x4: {  	_ = 	snop  }
0x5: {  	_ = 	snop  }
0x6: {  	_ = 	snop  }
0x7: {  	_ = 	snop  }
__scs_overlays_trampoline_lowered:
0x8: {  	[smem:$0x3FAC] =	sst s0  }
0x9: {  	[smem:$0x3FAD] =	sst s1  }
0xa: {  	[smem:$0x3FAE] =	sst s2  }
0xb: {  	[smem:$0x3FAF] =	sst s3  }
0xc: {  	[smem:$0x3FB0] =	sst s4  }
0xd: {  	[smem:$0x3FB1] =	sst s5  }
0xe: {  	[smem:$0x3FB2] =	sst s6  }
0xf: {  	[smem:$0x3FB3] =	sst s7  }
0x10: {  	[smem:$0x3FB4] =	sst s8  }
0x11: {  	[smem:$0x3FB5] =	sst s9;
	s0 =	simm.s32 @!p0 $0x0  }
0x12: {  	s1 =	sld [smem:$0x3F9B];
	s0 =	simm.s32 @p0 $0x1  }
0x13: {  	[smem:$0x3FB6] =	sst s0;
	s0 =	simm.s32 @!p1 $0x0  }
0x14: {  	s2 =	sld [smem:$0x3F9A];
	s0 =	simm.s32 @p1 $0x1  }
0x15: {  	[smem:$0x3FB7] =	sst s0;
	s0 =	simm.s32 @!p2 $0x0  }
0x16: {  	s3 =	sld [smem:$0x3FDB];
	s0 =	simm.s32 @p2 $0x1  }
0x17: {  	s4 =	simm.s32 $0x1BF5;
	[smem:$0x3FB9] =	sst s0  }
0x18: {  	s0 =	sld [smem:$0x3F9C];
	_ =	swait.ge [sflag:s4], $0x0  }
0x19: {  	s7 =	sld [smem:$0x3F9D]  }
0x1a: {  	s8 =	sadd.s32 $0xFFFFE003, lr  }
0x1b: {  	s9 =	sadd.s32 $0xFFFFFEF7, lr;
	s5 =	simm.s32 $0xFFFFFFFF;
	p2 =	slt.u32 s8, $0xFFFFF086  }
0x1c: {  	p1 =	slt.u32 s9, $0xF7A;
	s5 =	simm.s32 @!p2 $0x0  }
0x1d: {  	s5 =	simm.s32 @p1 $0x1;
	p0 =	seq.s32 s7, s2  }
0x1e: {  	s7 =	smul.u32 @!p0 $0xF7A, s2;
	p2 =	seq.s32 @!p0 s5, $0x0  }
0x1f: {  	s9 =	smul.u32 $0xF7A, s1;
	s8 =	simm.s32 @!p0 $0x1BF5;
	p2 =	por !p2, p0  }
0x20: {  	[sflag:s8] =	ssyncset.s32 @!p0 $0xFFFFF086;
	s6 =	sadd.s32 @!p0 s3, s7;
	s7 =	simm.s32 @!p0 $0x108  }
0x21: {  	s3 =	sadd.s32 s3, s9;
	s6 =	sadd.s32 @!p0 $0x88, s6;
	s7 =	simm.s32 @p2 $0x1082  }
0x22: {  	[simem:s7], [sflag:s8] =	dma.local @!p0 [hbm:s6], $0xF7A  }
0x23: {  	s9 =	sor.u32 $0xD0000000, s2;
	s6 =	simm.s32 $0x108;
	_ =	swait.ge @!p0 [sflag:s8], $0x0  }
0x24: {  	s3 =	sadd.s32 $0x88, s3;
	s6 =	simm.s32 @!p1 $0x1082;
	[sflag:s4] =	ssyncset.s32 $0xFFFFF086  }
0x25: {  	[simem:s6], [sflag:s4] =	dma.local [hbm:s3], $0xF7A  }
0x26: {  	[smem:$0x3F9D] =	sst s1;
	(tag) =	ssettag s2;
	_ =	strace s9  }
0x27: {  	s1 =	sld [smem:$0x3FAD]  }
0x28: {  	s2 =	sld [smem:$0x3FAE]  }
0x29: {  	s4 =	sld [smem:$0x3FB0]  }
0x2a: {  	p0 =	seq.s32 s5, $0x0;
	s5 =	sld [smem:$0x3FB1]  }
0x2b: {  	s6 =	sld [smem:$0x3FB2]  }
0x2c: {  	s7 =	sld [smem:$0x3FB3]  }
0x2d: {  	s3 =	simm.s32 $0x108;
	s8 =	sld [smem:$0x3FB4]  }
0x2e: {  	s3 =	simm.s32 @!p0 $0x1082;
	s9 =	sld [smem:$0x3FB5]  }
0x2f: {  	lr =	sadd.s32 s0, s3;
	s0 =	sld [smem:$0x3FAC]  }
0x30: {  	s3 =	sld [smem:$0x3FAF]  }
0x31: {  	[smem:$0x3FB8] =	sst s10  }
0x32: {  	s10 =	sld [smem:$0x3FB6];
	_ =	sdelay $0x3  }
0x33: {  	p0 =	seq.s32 s10, $0x1;
	s10 =	sld [smem:$0x3FB8];
	_ =	sdelay $0x3  }
0x34: {  	[smem:$0x3FB8] =	sst s10  }
0x35: {  	s10 =	sld [smem:$0x3FB7];
	_ =	sdelay $0x3  }
0x36: {  	p1 =	seq.s32 s10, $0x1;
	s10 =	sld [smem:$0x3FB8];
	_ =	sdelay $0x3  }
0x37: {  	[smem:$0x3FB8] =	sst s10  }
0x38: {  	s10 =	sld [smem:$0x3FB9]  }
0x39: {  	_ = 	snop;
	(pc) =	sbr.ind lr, $3  }
0x3a: {  	_ = 	snop  }
0x3b: {  	_ = 	snop  }
0x3c: {  	p2 =	seq.s32 s10, $0x1;
	s10 =	sld [smem:$0x3FB8]  }
0x3d: {  	_ =	shalt  }
0x3e: {  	_ =	shalt  }
0x3f: {  	_ =	shalt  }
0x40: {  	_ =	shalt  }
0x41: {  	_ =	shalt  }
0x42: {  	_ =	shalt  }
0x43: {  	_ =	shalt  }
0x44: {  	_ =	shalt  }
0x45: {  	_ =	shalt  }
0x46: {  	_ =	shalt  }
0x47: {  	_ =	shalt  }
0x48: {  	_ =	shalt  }
0x49: {  	_ =	shalt  }
0x4a: {  	_ =	shalt  }
0x4b: {  	_ =	shalt  }
0x4c: {  	_ =	shalt  }
0x4d: {  	_ =	shalt  }
0x4e: {  	_ =	shalt  }
0x4f: {  	_ =	shalt  }
0x50: {  	_ =	shalt  }
0x51: {  	_ =	shalt  }
0x52: {  	_ =	shalt  }
0x53: {  	_ =	shalt  }
0x54: {  	_ =	shalt  }
0x55: {  	_ =	shalt  }
0x56: {  	_ =	shalt  }
0x57: {  	_ =	shalt  }
0x58: {  	_ =	shalt  }
0x59: {  	_ =	shalt  }
0x5a: {  	_ =	shalt  }
0x5b: {  	_ =	shalt  }
0x5c: {  	_ =	shalt  }
0x5d: {  	_ =	shalt  }
0x5e: {  	_ =	shalt  }
0x5f: {  	_ =	shalt  }
0x60: {  	_ =	shalt  }
0x61: {  	_ =	shalt  }
0x62: {  	_ =	shalt  }
0x63: {  	_ =	shalt  }
0x64: {  	_ =	shalt  }
0x65: {  	_ =	shalt  }
0x66: {  	_ =	shalt  }
0x67: {  	_ =	shalt  }
0x68: {  	_ =	shalt  }
0x69: {  	_ =	shalt  }
0x6a: {  	_ =	shalt  }
0x6b: {  	_ =	shalt  }
0x6c: {  	_ =	shalt  }
0x6d: {  	_ =	shalt  }
0x6e: {  	_ =	shalt  }
0x6f: {  	_ =	shalt  }
0x70: {  	_ =	shalt  }
0x71: {  	_ =	shalt  }
0x72: {  	_ =	shalt  }
0x73: {  	_ =	shalt  }
0x74: {  	_ =	shalt  }
0x75: {  	_ =	shalt  }
0x76: {  	_ =	shalt  }
0x77: {  	_ =	shalt  }
0x78: {  	_ =	shalt  }
0x79: {  	_ =	shalt  }
0x7a: {  	_ =	shalt  }
0x7b: {  	_ =	shalt  }
0x7c: {  	_ =	shalt  }
0x7d: {  	_ =	shalt  }
0x7e: {  	_ =	shalt  }
0x7f: {  	_ =	shalt  }
0x80: {  	_ =	shalt  }
0x81: {  	_ =	shalt  }
0x82: {  	_ =	shalt  }
0x83: {  	_ =	shalt  }
0x84: {  	_ =	shalt  }
0x85: {  	_ =	shalt  }
0x86: {  	_ =	shalt  }
0x87: {  	_ =	shalt  }
.Lfunc_end0:
.L_simem_size_0:
called_computation_lowered:
.L_overlay_start_0:
0x88: {  	s2 =	sld [smem:$0x3FD9]  }
0x89: {  	s3 =	sld [smem:$0x3FFE];
	_ =	sdelay $0x1  }
0x8a: {  	s1 =	srdreg.scid  }
0x8b: {  	s0 =	sand.u32 $0x1, s1  }
0x8c: {  	s18 =	sshll.u32 s0, $0xA;
	s2 =	sadd.s32 s3, s2  }
0x8d: {  	s2 =	sadd.s32 s2, s18  }
0x8e: {  	[smem:$0x3FC4] =	sst s2  }
0x8f: {  	_ = 	snop  }
0x90: {  	s2 =	sld [smem:$0x3FC9]  }
0x91: {  	s19 =	sld [smem:$0x3FC8]  }
0x92: {  	s4 =	sld [smem:$0x3FC7]  }
0x93: {  	s5 =	sld [smem:$0x3FC6]  }
0x94: {  	s6 =	sld [smem:$0x3FD0];
	(tm) =	ssettm $0x1  }
0x95: {  	s7 =	sld [smem:$0x3FFB];
	_ =	sdelay $0x3  }
0x96: {  	_ =	strace s7  }
0x97: {  	s7 =	sld [smem:$0x3FFC];
	_ =	sdelay $0x3  }
0x98: {  	_ =	strace s7  }
0x99: {  	s7 =	sld [smem:$0x3FFD];
	_ =	sdelay $0x3  }
0x9a: {  	_ =	strace s7  }
0x9b: {  	_ =	strace $0x8FFFFFFF  }
0x9c: {  	s20 =	sld [smem:$0x3FDB];
	_ =	sdelay $0x1  }
0x9d: {  	s8 =	simm.s32 $_scs_section_size  }
0x9e: {  	s9 =	simm.s32 $_size__tile_overlayer_lowered;
	s10 =	simm.s32 $_tile_overlayer_lowered  }
0x9f: {  	s23 =	simm.s32 $0x1BFF;
	s22 =	sshll.u32 s10, $0x1;
	s7 =	sadd.s32 s8, s20  }
0xa0: {  	s11 =	simm.s32 $0x0;
	s21 =	sshll.u32 s9, $0x1;
	s9 =	sadd.s32 s22, s7  }
0xa1: {  	[timem:s11], [sflag:s23] =	dma.local [hbm:s9], s21  }
0xa2: {  	_ =	swait.ge [sflag:s23], s21  }
0xa3: {  	s8 =	ssub.s32 $0x0, s21;
	[sflag:s23] =	ssyncset.done $0x0  }
0xa4: {  	[sflag:s23] =	ssyncadd.s32 s8;
	_ =	sdelay $0x1  }
0xa5: {  	s24 =	simm.s32 $0x1B8B  }
0xa6: {  	_ =	swait.ge [sflag:s24], $0x1  }
0xa7: {  	[sflag:s24] =	ssyncset.done $0x0  }
0xa8: {  	s25 =	simm.s32 $0x1B8E;
	[sflag:s24] =	ssyncadd.s32 $0xFFFFFFFF  }
0xa9: {  	s26 =	simm.s32 $execute0_lowered;
	[smem:$0x3FD2] =	sst s25  }
0xaa: {  	s8 =	sshll.u32 s26, $0x1;
	_ =	strace $0x80000046;
	[dreg:$0x1] =	wrdreg $0xFFFFFFFF  }
0xab: {  	s28 =	simm.s32 $_size_execute0_lowered;
	s7 =	sadd.s32 s7, s8;
	[dreg:$0x0] =	wrdreg $0x0  }
0xac: {  	s8 =	sshll.u32 s28, $0x1;
	[dreg:$0x2] =	wrdreg s7  }
0xad: {  	[dreg:$0x3] =	wrdreg s8  }
0xae: {  	[dreg:$0x4] =	wrdreg $0xC0  }
0xaf: {  	_ =	task [dreg:s11], $0x5FFFF  }
0xb0: {  	[dreg:$0x1] =	wrdreg $0xFFFFFFFF  }
0xb1: {  	[dreg:$0x0] =	wrdreg $0x60  }
0xb2: {  	[dreg:$0x2] =	wrdreg s2  }
0xb3: {  	[dreg:$0x3] =	wrdreg s19  }
0xb4: {  	[dreg:$0x4] =	wrdreg s4  }
0xb5: {  	[dreg:$0x5] =	wrdreg s5  }
0xb6: {  	[dreg:$0x6] =	wrdreg s6  }
0xb7: {  	[dreg:$0x7] =	wrdreg $0x9  }
0xb8: {  	_ =	task.clear_ibuf [dreg:s11], $0x8FFFF;
	_ =	strace $0x90000046  }
0xb9: {  	s29 =	simm.s32 $0x9;
	_ =	strace $0x80000048  }
0xba: {  	_ =	swait.ge [sflag:s29], $0x1  }
0xbb: {  	[sflag:s29] =	ssyncadd.s32 $0xFFFFFFFF  }
0xbc: {  	_ =	strace $0x90000048  }
0xbd: {  	_ =	sfence  }
0xbe: {  	s30 =	sld [smem:$0x0];
	_ =	sdelay $0x2  }
0xbf: {  	s31 =	sshll.u32 s1, $0xD;
	s1 =	sshrl.u32 s1, $0x2  }
0xc0: {  	s3 =	sand.u32 $0x4000, s31;
	s1 =	sadd.s32 s1, s30  }
0xc1: {  	s0 =	sor.u32 s3, s0;
	s1 =	sshll.u32 s1, $0x11  }
0xc2: {  	s0 =	sor.u32 s1, s0  }
0xc3: {  	s0 =	sadd.s32 $0x8F2B, s0  }
0xc4: {  	[sflag:s0] =	ssyncadd.remote.s32 $0x1  }
0xc5: {  	_ =	sfence.sel $0xFFFF  }
0xc6: {  	[dreg:$0x0] =	wrdreg $0xFFFFFFFF;
	(pc) =	sbr.abs _section_cstart, $3  }
0xc7: {  	[dreg:$0x1] =	wrdreg $0xFFFFFFFF  }
0xc8: {  	_ =	task.clear_ibuf [dreg:s11], $0x2FFFF;
	_ =	strace $0x9FFFFFFF  }
0xc9: {  	(tm) =	ssettm $0x7FFFFFFF  }
tec
execute0_lowered:
.L_overlay_start_1:
0x0: {  	(tag) =	ssettag $0x1  }
0x1: {  	s2 =	rddreg [dreg:$0x0]  }
0x2: {  	s1 =	rddreg [dreg:$0x1]  }
0x3: {  	s3 =	rddreg [dreg:$0x2]  }
0x4: {  	s31 =	rddreg [dreg:$0x3]  }
0x5: {  	s0 =	rddreg [dreg:$0x4];
	s29 =	simm.s32 $0x0  }
0x6: {  	s4 =	simm.s32 $0x2400;
	[smem:$0x7FF] =	sst s29  }
0x7: {  	s16 =	simm.s32 $0xA400;
	_ =	strace $0x80000047;
	[dreg:$0x6] =	wrdreg s4  }
0x8: {  	s17 =	simm.s32 $0x800;
	[dreg:$0x7] =	wrdreg s16  }
0x9: {  	s18 =	simm.s32 $0x2800;
	[dreg:$0x8] =	wrdreg s17  }
0xa: {  	s19 =	simm.s32 $0x8800;
	[dreg:$0x9] =	wrdreg s18  }
0xb: {  	s20 =	simm.s32 $0xA800;
	[dreg:$0xa] =	wrdreg s19  }
0xc: {  	s21 =	simm.s32 $0xC00;
	[dreg:$0xb] =	wrdreg s20  }
0xd: {  	s22 =	simm.s32 $0x2C00;
	[dreg:$0xc] =	wrdreg s21  }
0xe: {  	s23 =	simm.s32 $0x8C00;
	[dreg:$0xd] =	wrdreg s22  }
0xf: {  	s24 =	simm.s32 $0xAC00;
	[dreg:$0xe] =	wrdreg s23  }
0x10: {  	s25 =	simm.s32 $0x1000;
	[dreg:$0xf] =	wrdreg s24  }
0x11: {  	v0 =	vimm.s32 $0x2380;
	s26 =	simm.s32 $0x3000;
	[dreg:$0x10] =	wrdreg s25  }
0x12: {  	vm14 =	vcmask $0x300;
	vm13 =	vcmask $0x704;
	v1 =	vimm.s32 $0x2780;
	s28 =	simm.s32 $0x9000;
	[dreg:$0x11] =	wrdreg s26  }
0x13: {  	vm12 =	vcmask $0xB08;
	vm11 =	vcmask $0xF0C;
	s30 =	simm.s32 $0xB000;
	vm10 =	vcmask $0x1310;
	[dreg:$0x12] =	wrdreg s28  }
0x14: {  	s5 =	simm.s32 $0x1400;
	vm9 =	vcmask $0x1714;
	vm8 =	vcmask $0x1B18;
	vm7 =	vcmask $0x1F1C;
	[dreg:$0x13] =	wrdreg s30  }
0x15: {  	s6 =	simm.s32 $0x3400;
	vm6 =	vcmask $0x2320;
	vm5 =	vcmask $0x2724;
	vm4 =	vcmask $0x2B28;
	[dreg:$0x14] =	wrdreg s5  }
0x16: {  	s7 =	simm.s32 $0x9400;
	vm1 =	vcmask $0x2F2C;
	vm2 =	vcmask $0x3330;
	vm0 =	vcmask $0x3734;
	[dreg:$0x15] =	wrdreg s6  }
0x17: {  	s8 =	simm.s32 $0xB400;
	vm3 =	vcmask $0x3B38;
	v2 =	vimm.s32 $0x2B80;
	v3 =	vimm.s32 $0x2F80;
	[dreg:$0x16] =	wrdreg s7  }
0x18: {  	s9 =	simm.s32 $0x1800;
	v4 =	vimm.s32 $0x3380;
	v5 =	vimm.s32 $0x3780;
	v6 =	vimm.s32 $0x3B80;
	[dreg:$0x17] =	wrdreg s8  }
0x19: {  	s10 =	simm.s32 $0x3800;
	v7 =	vimm.s32 $0x3F80;
	v0 =	vsel vm14, $0x0, v0;
	v1 =	vsel vm14, $0x400, v1;
	[dreg:$0x18] =	wrdreg s9  }
0x1a: {  	s11 =	simm.s32 $0x9800;
	v2 =	vsel vm14, $0x800, v2;
	v3 =	vsel vm14, $0xC00, v3;
	v4 =	vsel vm14, $0x1000, v4;
	[dreg:$0x19] =	wrdreg s10  }
0x1b: {  	s12 =	simm.s32 $0xB800;
	v5 =	vsel vm14, $0x1400, v5;
	v6 =	vsel vm14, $0x1800, v6;
	v7 =	vsel vm14, $0x1C00, v7;
	[dreg:$0x1a] =	wrdreg s11  }
0x1c: {  	s13 =	simm.s32 $0x1C00;
	v0 =	vsel vm13, $0x80, v0;
	v1 =	vsel vm13, $0x480, v1;
	[dreg:$0x1b] =	wrdreg s12;
	v2 =	vsel vm13, $0x880, v2  }
0x1d: {  	s14 =	simm.s32 $0x3C00;
	[dreg:$0x1c] =	wrdreg s13;
	v3 =	vsel vm13, $0xC80, v3;
	v4 =	vsel vm13, $0x1080, v4;
	v5 =	vsel vm13, $0x1480, v5  }
0x1e: {  	s15 =	simm.s32 $0x9C00;
	[dreg:$0x1d] =	wrdreg s14;
	v6 =	vsel vm13, $0x1880, v6;
	v7 =	vsel vm13, $0x1C80, v7;
	v0 =	vsel vm12, $0x100, v0  }
0x1f: {  	[dreg:$0x1e] =	wrdreg s15;
	s16 =	simm.s32 $0xBC00;
	v1 =	vsel vm12, $0x500, v1;
	v2 =	vsel vm12, $0x900, v2;
	v3 =	vsel vm12, $0xD00, v3  }
0x20: {  	s17 =	simm.s32 $0x2000;
	[dreg:$0x1f] =	wrdreg s16;
	v4 =	vsel vm12, $0x1100, v4;
	v5 =	vsel vm12, $0x1500, v5;
	v6 =	vsel vm12, $0x1900, v6  }
0x21: {  	s18 =	simm.s32 $0x4000;
	[smem:$0x7D8] =	sst s17;
	v7 =	vsel vm12, $0x1D00, v7;
	v0 =	vsel vm11, $0x180, v0;
	v1 =	vsel vm11, $0x580, v1  }
0x22: {  	s19 =	simm.s32 $0xA000;
	[smem:$0x7D9] =	sst s18;
	v2 =	vsel vm11, $0x980, v2;
	v3 =	vsel vm11, $0xD80, v3;
	v4 =	vsel vm11, $0x1180, v4  }
0x23: {  	s20 =	simm.s32 $0xC000;
	[smem:$0x7DA] =	sst s19;
	v5 =	vsel vm11, $0x1580, v5;
	v6 =	vsel vm11, $0x1980, v6;
	v7 =	vsel vm11, $0x1D80, v7  }
0x24: {  	s21 =	simm.s32 $0x6400;
	[smem:$0x7DB] =	sst s20;
	v0 =	vsel vm10, $0x200, v0;
	v1 =	vsel vm10, $0x600, v1;
	v2 =	vsel vm10, $0xA00, v2  }
0x25: {  	s22 =	simm.s32 $0xE400;
	[smem:$0x7DC] =	sst s21;
	v3 =	vsel vm10, $0xE00, v3;
	v4 =	vsel vm10, $0x1200, v4;
	v5 =	vsel vm10, $0x1600, v5  }
0x26: {  	s23 =	simm.s32 $0x4800;
	[smem:$0x7DD] =	sst s22;
	v6 =	vsel vm10, $0x1A00, v6;
	v7 =	vsel vm10, $0x1E00, v7;
	v0 =	vsel vm9, $0x280, v0  }
0x27: {  	s24 =	simm.s32 $0x6800;
	[smem:$0x7DE] =	sst s23;
	v1 =	vsel vm9, $0x680, v1;
	v2 =	vsel vm9, $0xA80, v2;
	v3 =	vsel vm9, $0xE80, v3  }
0x28: {  	s25 =	simm.s32 $0xC800;
	[smem:$0x7DF] =	sst s24;
	v4 =	vsel vm9, $0x1280, v4;
	v5 =	vsel vm9, $0x1680, v5;
	v6 =	vsel vm9, $0x1A80, v6  }
0x29: {  	s26 =	simm.s32 $0xE800;
	[smem:$0x7E0] =	sst s25;
	v7 =	vsel vm9, $0x1E80, v7;
	v0 =	vsel vm8, $0x300, v0;
	v1 =	vsel vm8, $0x700, v1  }
0x2a: {  	s28 =	simm.s32 $0x4C00;
	[smem:$0x7E1] =	sst s26;
	v2 =	vsel vm8, $0xB00, v2;
	v3 =	vsel vm8, $0xF00, v3;
	v4 =	vsel vm8, $0x1300, v4  }
0x2b: {  	s30 =	simm.s32 $0x6C00;
	[smem:$0x7E2] =	sst s28;
	v5 =	vsel vm8, $0x1700, v5;
	v6 =	vsel vm8, $0x1B00, v6;
	v7 =	vsel vm8, $0x1F00, v7  }
0x2c: {  	s5 =	simm.s32 $0xCC00;
	[smem:$0x7E3] =	sst s30;
	v0 =	vsel vm7, $0x380, v0;
	v1 =	vsel vm7, $0x780, v1;
	v2 =	vsel vm7, $0xB80, v2  }
0x2d: {  	s6 =	simm.s32 $0xEC00;
	[smem:$0x7E4] =	sst s5;
	v3 =	vsel vm7, $0xF80, v3;
	v4 =	vsel vm7, $0x1380, v4;
	v5 =	vsel vm7, $0x1780, v5  }
0x2e: {  	s7 =	simm.s32 $0x5000;
	[smem:$0x7E5] =	sst s6;
	v6 =	vsel vm7, $0x1B80, v6;
	v7 =	vsel vm7, $0x1F80, v7;
	v0 =	vsel vm6, $0x2000, v0  }
0x2f: {  	s8 =	simm.s32 $0x7000;
	[smem:$0x7E6] =	sst s7;
	v1 =	vsel vm6, $0x2400, v1;
	v2 =	vsel vm6, $0x2800, v2;
	v3 =	vsel vm6, $0x2C00, v3  }
0x30: {  	s9 =	simm.s32 $0xD000;
	[smem:$0x7E7] =	sst s8;
	v4 =	vsel vm6, $0x3000, v4;
	v5 =	vsel vm6, $0x3400, v5;
	v6 =	vsel vm6, $0x3800, v6  }
0x31: {  	s10 =	simm.s32 $0xF000;
	[smem:$0x7E8] =	sst s9;
	v7 =	vsel vm6, $0x3C00, v7;
	v0 =	vsel vm5, $0x2080, v0;
	v1 =	vsel vm5, $0x2480, v1  }
0x32: {  	s11 =	simm.s32 $0x5400;
	[smem:$0x7E9] =	sst s10;
	v2 =	vsel vm5, $0x2880, v2;
	v3 =	vsel vm5, $0x2C80, v3;
	v4 =	vsel vm5, $0x3080, v4  }
0x33: {  	s12 =	simm.s32 $0x7400;
	[smem:$0x7EA] =	sst s11;
	v5 =	vsel vm5, $0x3480, v5;
	v6 =	vsel vm5, $0x3880, v6;
	v7 =	vsel vm5, $0x3C80, v7  }
0x34: {  	s13 =	simm.s32 $0xD400;
	[smem:$0x7EB] =	sst s12;
	v0 =	vsel vm4, $0x2100, v0;
	v1 =	vsel vm4, $0x2500, v1;
	v2 =	vsel vm4, $0x2900, v2  }
0x35: {  	s14 =	simm.s32 $0xF400;
	[smem:$0x7EC] =	sst s13;
	v3 =	vsel vm4, $0x2D00, v3;
	v4 =	vsel vm4, $0x3100, v4;
	v5 =	vsel vm4, $0x3500, v5  }
0x36: {  	[smem:$0x7ED] =	sst s14;
	s16 =	simm.s32 $0x5800;
	v6 =	vsel vm4, $0x3900, v6;
	v7 =	vsel vm4, $0x3D00, v7;
	v0 =	vsel vm1, $0x2180, v0  }
0x37: {  	s4 =	simm.s32 $0x4400;
	s17 =	simm.s32 $0x7800;
	[smem:$0x7EE] =	sst s16;
	v1 =	vsel vm1, $0x2580, v1;
	v2 =	vsel vm1, $0x2980, v2;
	v3 =	vsel vm1, $0x2D80, v3  }
0x38: {  	s5 =	srdreg.scid;
	s18 =	simm.s32 $0xD800;
	[smem:$0x7EF] =	sst s17;
	v4 =	vsel vm1, $0x3180, v4;
	v5 =	vsel vm1, $0x3580, v5;
	v0 =	vsel vm2, $0x2200, v0  }
0x39: {  	s8 =	stileid.u32;
	s19 =	simm.s32 $0xF800;
	[smem:$0x7F1] =	sst s18;
	v1 =	vsel vm2, $0x2600, v1;
	v2 =	vsel vm2, $0x2A00, v2;
	v3 =	vsel vm2, $0x2E00, v3  }
0x3a: {  	s20 =	simm.s32 $0x5C00;
	s21 =	simm.s32 $0x7C00;
	[smem:$0x7F3] =	sst s19;
	v4 =	vsel vm2, $0x3200, v4;
	v5 =	vsel vm2, $0x3600, v5;
	v0 =	vsel vm0, $0x2280, v0  }
0x3b: {  	s23 =	simm.s32 $0xDC00;
	s24 =	simm.s32 $0xFC00;
	[smem:$0x7F5] =	sst s20;
	v1 =	vsel vm0, $0x2680, v1;
	v2 =	vsel vm0, $0x2A80, v2;
	v3 =	vsel vm0, $0x2E80, v3  }
0x3c: {  	s25 =	simm.s32 $0x6000;
	s26 =	simm.s32 $0x8000;
	[smem:$0x7F7] =	sst s21;
	v4 =	vsel vm0, $0x3280, v4;
	v8 =	vsel vm0, $0x3680, v5;
	v5 =	vsel vm1, $0x3980, v6  }
0x3d: {  	s28 =	simm.s32 $0xE000;
	s30 =	simm.s32 $0x10000;
	[smem:$0x7F8] =	sst s23;
	v6 =	vsel vm1, $0x3D80, v7;
	v7 =	vlaneseq.u32;
	v0 =	vsel vm3, $0x2300, v0  }
0x3e: {  	s10 =	simm.s32 $0x4400;
	s5 =	sand.u32 $0x1, s5;
	[smem:$0x7F9] =	sst s24;
	v1 =	vsel vm3, $0x2700, v1;
	v2 =	vsel vm3, $0x2B00, v2;
	v3 =	vsel vm3, $0x2F00, v3  }
0x3f: {  	s15 =	sshll.u32 s8, $0x7;
	[smem:$0x7FA] =	sst s25;
	s17 =	simm.s32 $0x400;
	v4 =	vsel vm3, $0x3300, v4;
	v5 =	vsel vm2, $0x3A00, v5;
	v6 =	vsel vm2, $0x3E00, v6  }
0x40: {  	[smem:$0x7FB] =	sst s26;
	s6 =	ssub.s32 $0x2, s5;
	s5 =	sshll.u32 s5, $0x6;
	v9 =	vsel vm0, $0x3A80, v5;
	v10 =	vsel vm0, $0x3E80, v6;
	v5 =	vmul.u32 $0x10, v7  }
0x41: {  	s18 =	simm.s32 $0x8400;
	[smem:$0x7FC] =	sst s28;
	s5 =	sor.u32 s5, s15;
	v6 =	vsel vm3, $0x3700, v8;
	v7 =	vsel vm3, $0x3B00, v9;
	v8 =	vsel vm3, $0x3F00, v10  }
0x42: {  	[smem:$0x7FD] =	sst s30;
	s16 =	simm.s32 $0xC400;
	s2 =	sadd.s32 s2, s5;
	v9 =	vor.u32 $0x1, v5;
	v10 =	vor.u32 $0x2, v5;
	v11 =	vor.u32 $0x3, v5  }
0x43: {  	s7 =	sshrl.u32 s6, $0x1;
	s1 =	sadd.s32 s1, s5;
	[smem:$0x7F0] =	sst s2;
	v12 =	vor.u32 $0x4, v5;
	v13 =	vor.u32 $0x5, v5;
	v14 =	vor.u32 $0x6, v5  }
0x44: {  	s6 =	ssub.s32 s6, s7;
	s0 =	sadd.s32 s0, s5;
	[smem:$0x7F2] =	sst s1;
	v15 =	vor.u32 $0x7, v5;
	v16 =	vor.u32 $0x8, v5;
	v17 =	vor.u32 $0x9, v5  }
0x45: {  	s5 =	simm.s32 $0xC400;
	[smem:$0x7F4] =	sst s0;
	s22 =	smax.u32 s6, $0x1;
	v18 =	vor.u32 $0xA, v5;
	v19 =	vor.u32 $0xB, v5;
	v20 =	vor.u32 $0xC, v5  }
0x46: {  	s1 =	simm.s32 $0x5;
	s2 =	simm.s32 $0x0;
	[smem:$0x7F6] =	sst s22;
	v21 =	vor.u32 $0xD, v5;
	v22 =	vor.u32 $0xE, v5;
	v23 =	vor.u32 $0xF, v5  }
.LBB2_1:
0x47: {  	s0 =	sld [smem:$0x7F0];
	_ =	sdelay $0x1  }
0x48: {  	[smem:$0x7D7] =	sst s2  }
0x49: {  	[tilespmem:s29], [sflag:$0x5] =	stream.linear.gather [hbm4b:s0+s29], $0x200, $0x38;
	[tilespmem:$0x10700] =	vst v63  }
0x4a: {  	_ =	swait.ge [sflag:s1], $0x200  }
0x4b: {  	s28 =	sld [smem:$0x7F2]  }
0x4c: {  	[sflag:s1] =	ssyncset.done $0x0  }
0x4d: {  	s30 =	simm.s32 $0x200;
	[sflag:s1] =	ssyncadd.s32 $0xFFFFFE00  }
0x4e: {  	[tilespmem:s30], [sflag:$0x5] =	stream.linear.gather [hbm4b:s28+s29], $0x200, $0x38;
	[tilespmem:$0x10700] =	vst v63  }
0x4f: {  	_ =	swait.ge [sflag:s1], $0x200  }
0x50: {  	[sflag:s1] =	ssyncset.done $0x0  }
0x51: {  	s0 =	simm.s32 $0x0;
	[sflag:s1] =	ssyncadd.s32 $0xFFFFFE00  }
.LBB2_2:
0x52: {  	s23 =	sshra.s32 s0, $0x2  }
0x53: {  	v25 =	vld [tilespmem:s23+$0x0];
	_ =	sdelay $0x4  }
0x54: {  	(v2sf) =	vpush v25, $0x0;
	_ =	sdelay $0xa  }
0x55: {  	v24 =	vld [tilespmem:s23+$0x200];
	_ =	sdelay $0x3  }
0x56: {  	s2 =	spop (v2sf)  }
0x57: {  	(v2sf) =	vpush v24, $0x0;
	s24 =	sshra.s32 s2, $0x1F  }
0x58: {  	[smem:$0x7D5] =	sst s0;
	s0 =	sshrl.u32 s24, $0x19  }
0x59: {  	s0 =	sadd.s32 s0, s2  }
0x5a: {  	s1 =	sand.u32 $0xFFFFFF80, s0  }
0x5b: {  	p0 =	slt.s32 s2, $0x1;
	p1 =	sne.s32 s2, s1  }
0x5c: {  	p0 =	por !p0, !p1  }
0x5d: {  	s1 =	simm.s32 $0x1;
	p0 =	por !p0, !p0  }
0x5e: {  	s0 =	sshrl.u32 s0, $0x7;
	s1 =	simm.s32 @!p0 $0x0  }
0x5f: {  	s0 =	ssub.s32 s0, s1  }
0x60: {  	s0 =	sshll.u32 s0, $0x7  }
0x61: {  	s0 =	sand.u32 $0x1FFFFF80, s0  }
0x62: {  	s0 =	sadd.s32 s3, s0  }
0x63: {  	[tilespmem:s17], [sflag:$0x1] =	stream.linear.gather [hbm4b:s0+s29], $0x400, $0x38;
	[tilespmem:$0x10700] =	vst v63  }
0x64: {  	s25 =	rddreg [dreg:$0x6];
	s0 =	sadd.s32 $0xF4280, s0  }
0x65: {  	[tilespmem:s25], [sflag:$0x1] =	stream.linear.gather [hbm4b:s0+s29], $0x400, $0x38;
	[tilespmem:$0x10700] =	vst v63  }
0x66: {  	s26 =	spop (v2sf)  }
0x67: {  	(v2sf) =	vpush v25, $0x1;
	s28 =	sshra.s32 s26, $0x1F  }
0x68: {  	s0 =	sshrl.u32 s28, $0x19  }
0x69: {  	s0 =	sadd.s32 s0, s26  }
0x6a: {  	s30 =	sand.u32 $0xFFFFFF80, s0  }
0x6b: {  	p5 =	slt.s32 s26, $0x1;
	p6 =	sne.s32 s26, s30  }
0x6c: {  	p0 =	por !p5, !p6  }
0x6d: {  	s1 =	simm.s32 $0x1;
	p0 =	por !p0, !p0  }
0x6e: {  	s0 =	sshrl.u32 s0, $0x7;
	s1 =	simm.s32 @!p0 $0x0  }
0x6f: {  	s0 =	ssub.s32 s0, s1  }
0x70: {  	s0 =	sshll.u32 s0, $0x7  }
0x71: {  	s0 =	sand.u32 $0x1FFFFF80, s0  }
0x72: {  	[smem:$0x7B0] =	sst s2;
	s0 =	sadd.s32 s31, s0  }
0x73: {  	[tilespmem:s18], [sflag:$0x3] =	stream.linear.gather [hbm4b:s0+s29], $0x400, $0x38;
	[tilespmem:$0x10700] =	vst v63  }
0x74: {  	s2 =	rddreg [dreg:$0x7];
	s0 =	sadd.s32 $0xF4280, s0  }
0x75: {  	[tilespmem:s2], [sflag:$0x3] =	stream.linear.gather [hbm4b:s0+s29], $0x400, $0x38;
	[tilespmem:$0x10700] =	vst v63  }
0x76: {  	s6 =	spop (v2sf)  }
0x77: {  	(v2sf) =	vpush v24, $0x1;
	s7 =	sshra.s32 s6, $0x1F  }
0x78: {  	s0 =	sshrl.u32 s7, $0x19  }
0x79: {  	s0 =	sadd.s32 s0, s6  }
0x7a: {  	s8 =	sand.u32 $0xFFFFFF80, s0  }
0x7b: {  	p1 =	slt.s32 s6, $0x1;
	p2 =	sne.s32 s6, s8  }
0x7c: {  	p0 =	por !p1, !p2  }
0x7d: {  	s1 =	simm.s32 $0x1;
	p0 =	por !p0, !p0  }
0x7e: {  	s0 =	sshrl.u32 s0, $0x7;
	s1 =	simm.s32 @!p0 $0x0  }
0x7f: {  	s0 =	ssub.s32 s0, s1  }
0x80: {  	s0 =	sshll.u32 s0, $0x7  }
0x81: {  	s0 =	sand.u32 $0x1FFFFF80, s0  }
0x82: {  	s9 =	rddreg [dreg:$0x8];
	s0 =	sadd.s32 s3, s0  }
0x83: {  	[tilespmem:s9], [sflag:$0x1] =	stream.linear.gather [hbm4b:s0+s29], $0x400, $0x38;
	[tilespmem:$0x10700] =	vst v63  }
0x84: {  	s11 =	rddreg [dreg:$0x9];
	s0 =	sadd.s32 $0xF4280, s0  }
0x85: {  	[tilespmem:s11], [sflag:$0x1] =	stream.linear.gather [hbm4b:s0+s29], $0x400, $0x38;
	[tilespmem:$0x10700] =	vst v63  }
0x86: {  	s12 =	spop (v2sf)  }
0x87: {  	(v2sf) =	vpush v25, $0x2;
	s13 =	sshra.s32 s12, $0x1F  }
0x88: {  	s0 =	sshrl.u32 s13, $0x19  }
0x89: {  	s0 =	sadd.s32 s0, s12  }
0x8a: {  	s14 =	sand.u32 $0xFFFFFF80, s0  }
0x8b: {  	p3 =	slt.s32 s12, $0x1;
	p4 =	sne.s32 s12, s14  }
0x8c: {  	p0 =	por !p3, !p4  }
0x8d: {  	s1 =	simm.s32 $0x1;
	p0 =	por !p0, !p0  }
0x8e: {  	s0 =	sshrl.u32 s0, $0x7;
	s1 =	simm.s32 @!p0 $0x0  }
0x8f: {  	s0 =	ssub.s32 s0, s1  }
0x90: {  	s0 =	sshll.u32 s0, $0x7  }
0x91: {  	s0 =	sand.u32 $0x1FFFFF80, s0  }
0x92: {  	s15 =	rddreg [dreg:$0xa];
	s0 =	sadd.s32 s31, s0  }
0x93: {  	[tilespmem:s15], [sflag:$0x3] =	stream.linear.gather [hbm4b:s0+s29], $0x400, $0x38;
	[tilespmem:$0x10700] =	vst v63  }
0x94: {  	s17 =	rddreg [dreg:$0xb];
	s0 =	sadd.s32 $0xF4280, s0  }
0x95: {  	[tilespmem:s17], [sflag:$0x3] =	stream.linear.gather [hbm4b:s0+s29], $0x400, $0x38;
	[tilespmem:$0x10700] =	vst v63  }
0x96: {  	s18 =	spop (v2sf)  }
0x97: {  	(v2sf) =	vpush v24, $0x2;
	s19 =	sshra.s32 s18, $0x1F  }
0x98: {  	s0 =	sshrl.u32 s19, $0x19  }
0x99: {  	s0 =	sadd.s32 s0, s18  }
0x9a: {  	s20 =	sand.u32 $0xFFFFFF80, s0  }
0x9b: {  	p5 =	slt.s32 s18, $0x1;
	p6 =	sne.s32 s18, s20  }
0x9c: {  	p0 =	por !p5, !p6  }
0x9d: {  	s1 =	simm.s32 $0x1;
	p0 =	por !p0, !p0  }
0x9e: {  	s0 =	sshrl.u32 s0, $0x7;
	s1 =	simm.s32 @!p0 $0x0  }
0x9f: {  	s0 =	ssub.s32 s0, s1  }
0xa0: {  	s0 =	sshll.u32 s0, $0x7  }
0xa1: {  	s0 =	sand.u32 $0x1FFFFF80, s0  }
0xa2: {  	s21 =	rddreg [dreg:$0xc];
	s0 =	sadd.s32 s3, s0  }
0xa3: {  	[tilespmem:s21], [sflag:$0x1] =	stream.linear.gather [hbm4b:s0+s29], $0x400, $0x38;
	[tilespmem:$0x10700] =	vst v63  }
0xa4: {  	s22 =	rddreg [dreg:$0xd];
	s0 =	sadd.s32 $0xF4280, s0  }
0xa5: {  	[tilespmem:s22], [sflag:$0x1] =	stream.linear.gather [hbm4b:s0+s29], $0x400, $0x38;
	[tilespmem:$0x10700] =	vst v63  }
0xa6: {  	[smem:$0x7D6] =	sst s23;
	s23 =	spop (v2sf)  }
0xa7: {  	(v2sf) =	vpush v25, $0x3;
	s24 =	sshra.s32 s23, $0x1F  }
0xa8: {  	s0 =	sshrl.u32 s24, $0x19  }
0xa9: {  	s0 =	sadd.s32 s0, s23  }
0xaa: {  	s25 =	sand.u32 $0xFFFFFF80, s0  }
0xab: {  	p1 =	slt.s32 s23, $0x1;
	p2 =	sne.s32 s23, s25  }
0xac: {  	p0 =	por !p1, !p2  }
0xad: {  	s1 =	simm.s32 $0x1;
	p0 =	por !p0, !p0  }
0xae: {  	s0 =	sshrl.u32 s0, $0x7;
	s1 =	simm.s32 @!p0 $0x0  }
0xaf: {  	s0 =	ssub.s32 s0, s1  }
0xb0: {  	s0 =	sshll.u32 s0, $0x7  }
0xb1: {  	[smem:$0x7B1] =	sst s26;
	s0 =	sand.u32 $0x1FFFFF80, s0  }
0xb2: {  	s26 =	rddreg [dreg:$0xe];
	s0 =	sadd.s32 s31, s0  }
0xb3: {  	[tilespmem:s26], [sflag:$0x3] =	stream.linear.gather [hbm4b:s0+s29], $0x400, $0x38;
	[tilespmem:$0x10700] =	vst v63  }
0xb4: {  	s28 =	rddreg [dreg:$0xf];
	s0 =	sadd.s32 $0xF4280, s0  }
0xb5: {  	[tilespmem:s28], [sflag:$0x3] =	stream.linear.gather [hbm4b:s0+s29], $0x400, $0x38;
	[tilespmem:$0x10700] =	vst v63  }
0xb6: {  	s30 =	spop (v2sf)  }
0xb7: {  	(v2sf) =	vpush v24, $0x3;
	s2 =	sshra.s32 s30, $0x1F  }
0xb8: {  	s0 =	sshrl.u32 s2, $0x19  }
0xb9: {  	s0 =	sadd.s32 s0, s30  }
0xba: {  	[smem:$0x7B3] =	sst s6;
	s6 =	sand.u32 $0xFFFFFF80, s0  }
0xbb: {  	p3 =	slt.s32 s30, $0x1;
	p4 =	sne.s32 s30, s6  }
0xbc: {  	p0 =	por !p3, !p4  }
0xbd: {  	s1 =	simm.s32 $0x1;
	p0 =	por !p0, !p0  }
0xbe: {  	s0 =	sshrl.u32 s0, $0x7;
	s1 =	simm.s32 @!p0 $0x0  }
0xbf: {  	s0 =	ssub.s32 s0, s1  }
0xc0: {  	s0 =	sshll.u32 s0, $0x7  }
0xc1: {  	s7 =	rddreg [dreg:$0x10];
	s0 =	sand.u32 $0x1FFFFF80, s0  }
0xc2: {  	[smem:$0x7B2] =	sst s8;
	s0 =	sadd.s32 s3, s0  }
0xc3: {  	[tilespmem:s7], [sflag:$0x1] =	stream.linear.gather [hbm4b:s0+s29], $0x400, $0x38;
	[tilespmem:$0x10700] =	vst v63  }
0xc4: {  	s8 =	rddreg [dreg:$0x11];
	s0 =	sadd.s32 $0xF4280, s0  }
0xc5: {  	[tilespmem:s8], [sflag:$0x1] =	stream.linear.gather [hbm4b:s0+s29], $0x400, $0x38;
	[tilespmem:$0x10700] =	vst v63  }
0xc6: {  	s9 =	spop (v2sf)  }
0xc7: {  	(v2sf) =	vpush v25, $0x4;
	s11 =	sshra.s32 s9, $0x1F  }
0xc8: {  	s0 =	sshrl.u32 s11, $0x19  }
0xc9: {  	s0 =	sadd.s32 s0, s9  }
0xca: {  	[smem:$0x7B5] =	sst s12;
	s12 =	sand.u32 $0xFFFFFF80, s0  }
0xcb: {  	p5 =	slt.s32 s9, $0x1;
	p6 =	sne.s32 s9, s12  }
0xcc: {  	p0 =	por !p5, !p6  }
0xcd: {  	s1 =	simm.s32 $0x1;
	p0 =	por !p0, !p0  }
0xce: {  	s0 =	sshrl.u32 s0, $0x7;
	s1 =	simm.s32 @!p0 $0x0  }
0xcf: {  	s0 =	ssub.s32 s0, s1  }
0xd0: {  	s0 =	sshll.u32 s0, $0x7  }
0xd1: {  	s13 =	rddreg [dreg:$0x12];
	s0 =	sand.u32 $0x1FFFFF80, s0  }
0xd2: {  	[smem:$0x7B4] =	sst s14;
	s0 =	sadd.s32 s31, s0  }
0xd3: {  	[tilespmem:s13], [sflag:$0x3] =	stream.linear.gather [hbm4b:s0+s29], $0x400, $0x38;
	[tilespmem:$0x10700] =	vst v63  }
0xd4: {  	s14 =	rddreg [dreg:$0x13];
	s0 =	sadd.s32 $0xF4280, s0  }
0xd5: {  	[tilespmem:s14], [sflag:$0x3] =	stream.linear.gather [hbm4b:s0+s29], $0x400, $0x38;
	[tilespmem:$0x10700] =	vst v63  }
0xd6: {  	s15 =	spop (v2sf)  }
0xd7: {  	(v2sf) =	vpush v24, $0x4;
	s17 =	sshra.s32 s15, $0x1F  }
0xd8: {  	s0 =	sshrl.u32 s17, $0x19  }
0xd9: {  	s0 =	sadd.s32 s0, s15  }
0xda: {  	[smem:$0x7B7] =	sst s18;
	s18 =	sand.u32 $0xFFFFFF80, s0  }
0xdb: {  	p1 =	slt.s32 s15, $0x1;
	p2 =	sne.s32 s15, s18  }
0xdc: {  	p0 =	por !p1, !p2  }
0xdd: {  	s1 =	simm.s32 $0x1;
	p0 =	por !p0, !p0  }
0xde: {  	s0 =	sshrl.u32 s0, $0x7;
	s1 =	simm.s32 @!p0 $0x0  }
0xdf: {  	s0 =	ssub.s32 s0, s1  }
0xe0: {  	s0 =	sshll.u32 s0, $0x7  }
0xe1: {  	s19 =	rddreg [dreg:$0x14];
	s0 =	sand.u32 $0x1FFFFF80, s0  }
0xe2: {  	[smem:$0x7B6] =	sst s20;
	s0 =	sadd.s32 s3, s0  }
0xe3: {  	[tilespmem:s19], [sflag:$0x1] =	stream.linear.gather [hbm4b:s0+s29], $0x400, $0x38;
	[tilespmem:$0x10700] =	vst v63  }
0xe4: {  	s20 =	rddreg [dreg:$0x15];
	s0 =	sadd.s32 $0xF4280, s0  }
0xe5: {  	[tilespmem:s20], [sflag:$0x1] =	stream.linear.gather [hbm4b:s0+s29], $0x400, $0x38;
	[tilespmem:$0x10700] =	vst v63  }
0xe6: {  	s21 =	spop (v2sf)  }
0xe7: {  	(v2sf) =	vpush v25, $0x5;
	s22 =	sshra.s32 s21, $0x1F  }
0xe8: {  	s0 =	sshrl.u32 s22, $0x19  }
0xe9: {  	s0 =	sadd.s32 s0, s21  }
0xea: {  	[smem:$0x7B9] =	sst s23;
	s23 =	sand.u32 $0xFFFFFF80, s0  }
0xeb: {  	p3 =	slt.s32 s21, $0x1;
	p4 =	sne.s32 s21, s23  }
0xec: {  	p0 =	por !p3, !p4  }
0xed: {  	s1 =	simm.s32 $0x1;
	p0 =	por !p0, !p0  }
0xee: {  	s0 =	sshrl.u32 s0, $0x7;
	s1 =	simm.s32 @!p0 $0x0  }
0xef: {  	s0 =	ssub.s32 s0, s1  }
0xf0: {  	s0 =	sshll.u32 s0, $0x7  }
0xf1: {  	s24 =	rddreg [dreg:$0x16];
	s0 =	sand.u32 $0x1FFFFF80, s0  }
0xf2: {  	[smem:$0x7B8] =	sst s25;
	s0 =	sadd.s32 s31, s0  }
0xf3: {  	[tilespmem:s24], [sflag:$0x3] =	stream.linear.gather [hbm4b:s0+s29], $0x400, $0x38;
	[tilespmem:$0x10700] =	vst v63  }
0xf4: {  	s25 =	rddreg [dreg:$0x17];
	s0 =	sadd.s32 $0xF4280, s0  }
0xf5: {  	[tilespmem:s25], [sflag:$0x3] =	stream.linear.gather [hbm4b:s0+s29], $0x400, $0x38;
	[tilespmem:$0x10700] =	vst v63  }
0xf6: {  	s26 =	spop (v2sf)  }
0xf7: {  	(v2sf) =	vpush v24, $0x5;
	s28 =	sshra.s32 s26, $0x1F  }
0xf8: {  	s0 =	sshrl.u32 s28, $0x19  }
0xf9: {  	s0 =	sadd.s32 s0, s26  }
0xfa: {  	[smem:$0x7BB] =	sst s30;
	s30 =	sand.u32 $0xFFFFFF80, s0  }
0xfb: {  	p5 =	slt.s32 s26, $0x1;
	p6 =	sne.s32 s26, s30  }
0xfc: {  	p0 =	por !p5, !p6  }
0xfd: {  	s1 =	simm.s32 $0x1;
	p0 =	por !p0, !p0  }
0xfe: {  	s0 =	sshrl.u32 s0, $0x7;
	s1 =	simm.s32 @!p0 $0x0  }
0xff: {  	s0 =	ssub.s32 s0, s1  }
0x100: {  	s0 =	sshll.u32 s0, $0x7  }
0x101: {  	[smem:$0x7BA] =	sst s6;
	s0 =	sand.u32 $0x1FFFFF80, s0  }
0x102: {  	s6 =	rddreg [dreg:$0x18];
	s0 =	sadd.s32 s3, s0  }
0x103: {  	[tilespmem:s6], [sflag:$0x1] =	stream.linear.gather [hbm4b:s0+s29], $0x400, $0x38;
	[tilespmem:$0x10700] =	vst v63  }
0x104: {  	s7 =	rddreg [dreg:$0x19];
	s0 =	sadd.s32 $0xF4280, s0  }
0x105: {  	[tilespmem:s7], [sflag:$0x1] =	stream.linear.gather [hbm4b:s0+s29], $0x400, $0x38;
	[tilespmem:$0x10700] =	vst v63  }
0x106: {  	[smem:$0x7C3] =	sst s26;
	s26 =	spop (v2sf)  }
0x107: {  	(v2sf) =	vpush v25, $0x6;
	s8 =	sshra.s32 s26, $0x1F  }
0x108: {  	s0 =	sshrl.u32 s8, $0x19  }
0x109: {  	s0 =	sadd.s32 s0, s26  }
0x10a: {  	[smem:$0x7BD] =	sst s9;
	s9 =	sand.u32 $0xFFFFFF80, s0  }
0x10b: {  	p1 =	slt.s32 s26, $0x1;
	p2 =	sne.s32 s26, s9  }
0x10c: {  	p0 =	por !p1, !p2  }
0x10d: {  	s1 =	simm.s32 $0x1;
	p0 =	por !p0, !p0  }
0x10e: {  	s0 =	sshrl.u32 s0, $0x7;
	s1 =	simm.s32 @!p0 $0x0  }
0x10f: {  	s0 =	ssub.s32 s0, s1  }
0x110: {  	s0 =	sshll.u32 s0, $0x7  }
0x111: {  	s11 =	rddreg [dreg:$0x1a];
	s0 =	sand.u32 $0x1FFFFF80, s0  }
0x112: {  	[smem:$0x7BC] =	sst s12;
	s0 =	sadd.s32 s31, s0  }
0x113: {  	[tilespmem:s11], [sflag:$0x3] =	stream.linear.gather [hbm4b:s0+s29], $0x400, $0x38;
	[tilespmem:$0x10700] =	vst v63  }
0x114: {  	s12 =	rddreg [dreg:$0x1b];
	s0 =	sadd.s32 $0xF4280, s0  }
0x115: {  	[tilespmem:s12], [sflag:$0x3] =	stream.linear.gather [hbm4b:s0+s29], $0x400, $0x38;
	[tilespmem:$0x10700] =	vst v63  }
0x116: {  	s25 =	spop (v2sf)  }
0x117: {  	(v2sf) =	vpush v24, $0x6;
	s13 =	sshra.s32 s25, $0x1F  }
0x118: {  	s0 =	sshrl.u32 s13, $0x19  }
0x119: {  	s0 =	sadd.s32 s0, s25  }
0x11a: {  	s14 =	sand.u32 $0xFFFFFF80, s0  }
0x11b: {  	p3 =	slt.s32 s25, $0x1;
	p4 =	sne.s32 s25, s14  }
0x11c: {  	p0 =	por !p3, !p4  }
0x11d: {  	s1 =	simm.s32 $0x1;
	p0 =	por !p0, !p0  }
0x11e: {  	s0 =	sshrl.u32 s0, $0x7;
	s1 =	simm.s32 @!p0 $0x0  }
0x11f: {  	s0 =	ssub.s32 s0, s1  }
0x120: {  	s0 =	sshll.u32 s0, $0x7  }
0x121: {  	[smem:$0x7BF] =	sst s15;
	s0 =	sand.u32 $0x1FFFFF80, s0  }
0x122: {  	s15 =	rddreg [dreg:$0x1c];
	s0 =	sadd.s32 s3, s0  }
0x123: {  	[tilespmem:s15], [sflag:$0x1] =	stream.linear.gather [hbm4b:s0+s29], $0x400, $0x38;
	[tilespmem:$0x10700] =	vst v63  }
0x124: {  	s17 =	rddreg [dreg:$0x1d];
	s0 =	sadd.s32 $0xF4280, s0  }
0x125: {  	[tilespmem:s17], [sflag:$0x1] =	stream.linear.gather [hbm4b:s0+s29], $0x400, $0x38;
	[tilespmem:$0x10700] =	vst v63  }
0x126: {  	[smem:$0x7C0] =	sst s23;
	s23 =	spop (v2sf)  }
0x127: {  	[smem:$0x7BE] =	sst s18;
	(v2sf) =	vpush v25, $0x7;
	s18 =	sshra.s32 s23, $0x1F  }
0x128: {  	s0 =	sshrl.u32 s18, $0x19  }
0x129: {  	s0 =	sadd.s32 s0, s23  }
0x12a: {  	s19 =	sand.u32 $0xFFFFFF80, s0  }
0x12b: {  	p5 =	slt.s32 s23, $0x1;
	p6 =	sne.s32 s23, s19  }
0x12c: {  	p0 =	por !p5, !p6  }
0x12d: {  	s1 =	simm.s32 $0x1;
	p0 =	por !p0, !p0  }
0x12e: {  	s0 =	sshrl.u32 s0, $0x7;
	s1 =	simm.s32 @!p0 $0x0  }
0x12f: {  	s0 =	ssub.s32 s0, s1  }
0x130: {  	s0 =	sshll.u32 s0, $0x7  }
0x131: {  	s20 =	rddreg [dreg:$0x1e];
	s0 =	sand.u32 $0x1FFFFF80, s0  }
0x132: {  	[smem:$0x7C1] =	sst s21;
	s0 =	sadd.s32 s31, s0  }
0x133: {  	[tilespmem:s20], [sflag:$0x3] =	stream.linear.gather [hbm4b:s0+s29], $0x400, $0x38;
	[tilespmem:$0x10700] =	vst v63  }
0x134: {  	s21 =	rddreg [dreg:$0x1f];
	s0 =	sadd.s32 $0xF4280, s0  }
0x135: {  	[tilespmem:s21], [sflag:$0x3] =	stream.linear.gather [hbm4b:s0+s29], $0x400, $0x38;
	[tilespmem:$0x10700] =	vst v63  }
0x136: {  	s18 =	spop (v2sf)  }
0x137: {  	(v2sf) =	vpush v24, $0x7;
	s22 =	sshra.s32 s18, $0x1F  }
0x138: {  	s0 =	sshrl.u32 s22, $0x19  }
0x139: {  	s0 =	sadd.s32 s0, s18  }
0x13a: {  	s24 =	sand.u32 $0xFFFFFF80, s0  }
0x13b: {  	p1 =	slt.s32 s18, $0x1;
	p2 =	sne.s32 s18, s24  }
0x13c: {  	p0 =	por !p1, !p2  }
0x13d: {  	s1 =	simm.s32 $0x1;
	p0 =	por !p0, !p0  }
0x13e: {  	s0 =	sshrl.u32 s0, $0x7;
	s1 =	simm.s32 @!p0 $0x0  }
0x13f: {  	s0 =	ssub.s32 s0, s1  }
0x140: {  	s28 =	sld [smem:$0x7D8];
	s0 =	sshll.u32 s0, $0x7  }
0x141: {  	[smem:$0x7C2] =	sst s30;
	s0 =	sand.u32 $0x1FFFFF80, s0  }
0x142: {  	s30 =	sld [smem:$0x7D9];
	s0 =	sadd.s32 s3, s0  }
0x143: {  	[tilespmem:s28], [sflag:$0x1] =	stream.linear.gather [hbm4b:s0+s29], $0x400, $0x38;
	[tilespmem:$0x10700] =	vst v63  }
0x144: {  	s0 =	sadd.s32 $0xF4280, s0  }
0x145: {  	[tilespmem:s30], [sflag:$0x1] =	stream.linear.gather [hbm4b:s0+s29], $0x400, $0x38;
	[tilespmem:$0x10700] =	vst v63  }
0x146: {  	s17 =	spop (v2sf)  }
0x147: {  	(v2sf) =	vpush v25, $0x8;
	s6 =	sshra.s32 s17, $0x1F  }
0x148: {  	s0 =	sshrl.u32 s6, $0x19  }
0x149: {  	s0 =	sadd.s32 s0, s17  }
0x14a: {  	s7 =	sand.u32 $0xFFFFFF80, s0  }
0x14b: {  	p3 =	slt.s32 s17, $0x1;
	p4 =	sne.s32 s17, s7  }
0x14c: {  	p0 =	por !p3, !p4  }
0x14d: {  	s1 =	simm.s32 $0x1;
	p0 =	por !p0, !p0  }
0x14e: {  	s0 =	sshrl.u32 s0, $0x7;
	s1 =	simm.s32 @!p0 $0x0  }
0x14f: {  	s0 =	ssub.s32 s0, s1  }
0x150: {  	s8 =	sld [smem:$0x7DA];
	s0 =	sshll.u32 s0, $0x7  }
0x151: {  	[smem:$0x7C4] =	sst s9;
	s0 =	sand.u32 $0x1FFFFF80, s0  }
0x152: {  	s9 =	sld [smem:$0x7DB];
	s0 =	sadd.s32 s31, s0  }
0x153: {  	[tilespmem:s8], [sflag:$0x3] =	stream.linear.gather [hbm4b:s0+s29], $0x400, $0x38;
	[tilespmem:$0x10700] =	vst v63  }
0x154: {  	s0 =	sadd.s32 $0xF4280, s0  }
0x155: {  	[tilespmem:s9], [sflag:$0x3] =	stream.linear.gather [hbm4b:s0+s29], $0x400, $0x38;
	[tilespmem:$0x10700] =	vst v63  }
0x156: {  	s21 =	spop (v2sf)  }
0x157: {  	(v2sf) =	vpush v24, $0x8;
	s11 =	sshra.s32 s21, $0x1F  }
0x158: {  	s0 =	sshrl.u32 s11, $0x19  }
0x159: {  	s0 =	sadd.s32 s0, s21  }
0x15a: {  	s12 =	sand.u32 $0xFFFFFF80, s0  }
0x15b: {  	p6 =	slt.s32 s21, $0x1;
	p5 =	sne.s32 s21, s12  }
0x15c: {  	p0 =	por !p6, !p5  }
0x15d: {  	s1 =	simm.s32 $0x1;
	p0 =	por !p0, !p0  }
0x15e: {  	s0 =	sshrl.u32 s0, $0x7;
	s1 =	simm.s32 @!p0 $0x0  }
0x15f: {  	s0 =	ssub.s32 s0, s1  }
0x160: {  	s0 =	sshll.u32 s0, $0x7  }
0x161: {  	s0 =	sand.u32 $0x1FFFFF80, s0  }
0x162: {  	s13 =	sld [smem:$0x7DC];
	s0 =	sadd.s32 s3, s0  }
0x163: {  	[tilespmem:s4], [sflag:$0x2] =	stream.linear.gather [hbm4b:s0+s29], $0x400, $0x38;
	[tilespmem:$0x10700] =	vst v63  }
0x164: {  	s0 =	sadd.s32 $0xF4280, s0  }
0x165: {  	[tilespmem:s13], [sflag:$0x2] =	stream.linear.gather [hbm4b:s0+s29], $0x400, $0x38;
	[tilespmem:$0x10700] =	vst v63  }
0x166: {  	s20 =	spop (v2sf)  }
0x167: {  	[smem:$0x7C5] =	sst s14;
	(v2sf) =	vpush v25, $0x9;
	s14 =	sshra.s32 s20, $0x1F  }
0x168: {  	s0 =	sshrl.u32 s14, $0x19  }
0x169: {  	s0 =	sadd.s32 s0, s20  }
0x16a: {  	s15 =	sand.u32 $0xFFFFFF80, s0  }
0x16b: {  	p2 =	slt.s32 s20, $0x1;
	p1 =	sne.s32 s20, s15  }
0x16c: {  	p0 =	por !p2, !p1  }
0x16d: {  	s1 =	simm.s32 $0x1;
	p0 =	por !p0, !p0  }
0x16e: {  	s0 =	sshrl.u32 s0, $0x7;
	s1 =	simm.s32 @!p0 $0x0  }
0x16f: {  	s0 =	ssub.s32 s0, s1  }
0x170: {  	s0 =	sshll.u32 s0, $0x7  }
0x171: {  	[smem:$0x7C6] =	sst s19;
	s0 =	sand.u32 $0x1FFFFF80, s0  }
0x172: {  	s19 =	sld [smem:$0x7DD];
	s0 =	sadd.s32 s31, s0  }
0x173: {  	[tilespmem:s5], [sflag:$0x4] =	stream.linear.gather [hbm4b:s0+s29], $0x400, $0x38;
	[tilespmem:$0x10700] =	vst v63  }
0x174: {  	s0 =	sadd.s32 $0xF4280, s0  }
0x175: {  	[tilespmem:s19], [sflag:$0x4] =	stream.linear.gather [hbm4b:s0+s29], $0x400, $0x38;
	[tilespmem:$0x10700] =	vst v63  }
0x176: {  	s15 =	spop (v2sf)  }
0x177: {  	(v2sf) =	vpush v24, $0x9;
	s22 =	sshra.s32 s15, $0x1F  }
0x178: {  	s0 =	sshrl.u32 s22, $0x19  }
0x179: {  	s0 =	sadd.s32 s0, s15  }
0x17a: {  	[smem:$0x7C7] =	sst s24;
	s24 =	sand.u32 $0xFFFFFF80, s0  }
0x17b: {  	p3 =	slt.s32 s15, $0x1;
	p4 =	sne.s32 s15, s24  }
0x17c: {  	p0 =	por !p3, !p4  }
0x17d: {  	s1 =	simm.s32 $0x1;
	p0 =	por !p0, !p0  }
0x17e: {  	s0 =	sshrl.u32 s0, $0x7;
	s1 =	simm.s32 @!p0 $0x0  }
0x17f: {  	s0 =	ssub.s32 s0, s1  }
0x180: {  	s28 =	sld [smem:$0x7DE];
	s0 =	sshll.u32 s0, $0x7  }
0x181: {  	s0 =	sand.u32 $0x1FFFFF80, s0  }
0x182: {  	s30 =	sld [smem:$0x7DF];
	s0 =	sadd.s32 s3, s0  }
0x183: {  	[tilespmem:s28], [sflag:$0x2] =	stream.linear.gather [hbm4b:s0+s29], $0x400, $0x38;
	[tilespmem:$0x10700] =	vst v63  }
0x184: {  	s0 =	sadd.s32 $0xF4280, s0  }
0x185: {  	[tilespmem:s30], [sflag:$0x2] =	stream.linear.gather [hbm4b:s0+s29], $0x400, $0x38;
	[tilespmem:$0x10700] =	vst v63  }
0x186: {  	s11 =	spop (v2sf)  }
0x187: {  	(v2sf) =	vpush v25, $0xA;
	s1 =	sshra.s32 s11, $0x1F  }
0x188: {  	s0 =	sshrl.u32 s1, $0x19  }
0x189: {  	s0 =	sadd.s32 s0, s11  }
0x18a: {  	s2 =	sand.u32 $0xFFFFFF80, s0  }
0x18b: {  	p5 =	slt.s32 s11, $0x1;
	p6 =	sne.s32 s11, s2  }
0x18c: {  	p0 =	por !p5, !p6  }
0x18d: {  	s1 =	simm.s32 $0x1;
	p0 =	por !p0, !p0  }
0x18e: {  	s0 =	sshrl.u32 s0, $0x7;
	s1 =	simm.s32 @!p0 $0x0  }
0x18f: {  	s0 =	ssub.s32 s0, s1  }
0x190: {  	s4 =	sld [smem:$0x7E0];
	s0 =	sshll.u32 s0, $0x7  }
0x191: {  	s0 =	sand.u32 $0x1FFFFF80, s0  }
0x192: {  	s5 =	sld [smem:$0x7E1];
	s0 =	sadd.s32 s31, s0  }
0x193: {  	[tilespmem:s4], [sflag:$0x4] =	stream.linear.gather [hbm4b:s0+s29], $0x400, $0x38;
	[tilespmem:$0x10700] =	vst v63  }
0x194: {  	s0 =	sadd.s32 $0xF4280, s0  }
0x195: {  	[tilespmem:s5], [sflag:$0x4] =	stream.linear.gather [hbm4b:s0+s29], $0x400, $0x38;
	[tilespmem:$0x10700] =	vst v63  }
0x196: {  	s12 =	spop (v2sf)  }
0x197: {  	(v2sf) =	vpush v24, $0xA;
	s6 =	sshra.s32 s12, $0x1F  }
0x198: {  	s0 =	sshrl.u32 s6, $0x19  }
0x199: {  	s0 =	sadd.s32 s0, s12  }
0x19a: {  	[smem:$0x7C8] =	sst s7;
	s7 =	sand.u32 $0xFFFFFF80, s0  }
0x19b: {  	p1 =	slt.s32 s12, $0x1;
	p2 =	sne.s32 s12, s7  }
0x19c: {  	p0 =	por !p1, !p2  }
0x19d: {  	s1 =	simm.s32 $0x1;
	p0 =	por !p0, !p0  }
0x19e: {  	s0 =	sshrl.u32 s0, $0x7;
	s1 =	simm.s32 @!p0 $0x0  }
0x19f: {  	s0 =	ssub.s32 s0, s1  }
0x1a0: {  	s8 =	sld [smem:$0x7E2];
	s0 =	sshll.u32 s0, $0x7  }
0x1a1: {  	s0 =	sand.u32 $0x1FFFFF80, s0  }
0x1a2: {  	s9 =	sld [smem:$0x7E3];
	s0 =	sadd.s32 s3, s0  }
0x1a3: {  	[tilespmem:s8], [sflag:$0x2] =	stream.linear.gather [hbm4b:s0+s29], $0x400, $0x38;
	[tilespmem:$0x10700] =	vst v63  }
0x1a4: {  	s0 =	sadd.s32 $0xF4280, s0  }
0x1a5: {  	[tilespmem:s9], [sflag:$0x2] =	stream.linear.gather [hbm4b:s0+s29], $0x400, $0x38;
	[tilespmem:$0x10700] =	vst v63  }
0x1a6: {  	s28 =	spop (v2sf)  }
0x1a7: {  	(v2sf) =	vpush v25, $0xB;
	s13 =	sshra.s32 s28, $0x1F  }
0x1a8: {  	s0 =	sshrl.u32 s13, $0x19  }
0x1a9: {  	s0 =	sadd.s32 s0, s28  }
0x1aa: {  	s14 =	sand.u32 $0xFFFFFF80, s0  }
0x1ab: {  	p3 =	slt.s32 s28, $0x1;
	p4 =	sne.s32 s28, s14  }
0x1ac: {  	p0 =	por !p3, !p4  }
0x1ad: {  	s1 =	simm.s32 $0x1;
	p0 =	por !p0, !p0  }
0x1ae: {  	s0 =	sshrl.u32 s0, $0x7;
	s1 =	simm.s32 @!p0 $0x0  }
0x1af: {  	s0 =	ssub.s32 s0, s1  }
0x1b0: {  	s19 =	sld [smem:$0x7E4];
	s0 =	sshll.u32 s0, $0x7  }
0x1b1: {  	s0 =	sand.u32 $0x1FFFFF80, s0  }
0x1b2: {  	s22 =	sld [smem:$0x7E5];
	s0 =	sadd.s32 s31, s0  }
0x1b3: {  	[tilespmem:s19], [sflag:$0x4] =	stream.linear.gather [hbm4b:s0+s29], $0x400, $0x38;
	[tilespmem:$0x10700] =	vst v63  }
0x1b4: {  	s0 =	sadd.s32 $0xF4280, s0  }
0x1b5: {  	[tilespmem:s22], [sflag:$0x4] =	stream.linear.gather [hbm4b:s0+s29], $0x400, $0x38;
	[tilespmem:$0x10700] =	vst v63  }
0x1b6: {  	s9 =	spop (v2sf)  }
0x1b7: {  	[smem:$0x7C9] =	sst s24;
	(v2sf) =	vpush v24, $0xB;
	s24 =	sshra.s32 s9, $0x1F  }
0x1b8: {  	s0 =	sshrl.u32 s24, $0x19  }
0x1b9: {  	s0 =	sadd.s32 s0, s9  }
0x1ba: {  	s30 =	sand.u32 $0xFFFFFF80, s0  }
0x1bb: {  	p5 =	slt.s32 s9, $0x1;
	p6 =	sne.s32 s9, s30  }
0x1bc: {  	p0 =	por !p5, !p6  }
0x1bd: {  	s1 =	simm.s32 $0x1;
	p0 =	por !p0, !p0  }
0x1be: {  	s0 =	sshrl.u32 s0, $0x7;
	s1 =	simm.s32 @!p0 $0x0  }
0x1bf: {  	[smem:$0x7CA] =	sst s2;
	s0 =	ssub.s32 s0, s1  }
0x1c0: {  	s2 =	sld [smem:$0x7E6];
	s0 =	sshll.u32 s0, $0x7  }
0x1c1: {  	s0 =	sand.u32 $0x1FFFFF80, s0  }
0x1c2: {  	s4 =	sld [smem:$0x7E7];
	s0 =	sadd.s32 s3, s0  }
0x1c3: {  	[tilespmem:s2], [sflag:$0x2] =	stream.linear.gather [hbm4b:s0+s29], $0x400, $0x38;
	[tilespmem:$0x10700] =	vst v63  }
0x1c4: {  	s0 =	sadd.s32 $0xF4280, s0  }
0x1c5: {  	[tilespmem:s4], [sflag:$0x2] =	stream.linear.gather [hbm4b:s0+s29], $0x400, $0x38;
	[tilespmem:$0x10700] =	vst v63  }
0x1c6: {  	s19 =	spop (v2sf)  }
0x1c7: {  	(v2sf) =	vpush v25, $0xC;
	s5 =	sshra.s32 s19, $0x1F  }
0x1c8: {  	s0 =	sshrl.u32 s5, $0x19  }
0x1c9: {  	s0 =	sadd.s32 s0, s19  }
0x1ca: {  	s6 =	sand.u32 $0xFFFFFF80, s0  }
0x1cb: {  	p1 =	slt.s32 s19, $0x1;
	p2 =	sne.s32 s19, s6  }
0x1cc: {  	p0 =	por !p1, !p2  }
0x1cd: {  	s1 =	simm.s32 $0x1;
	p0 =	por !p0, !p0  }
0x1ce: {  	s0 =	sshrl.u32 s0, $0x7;
	s1 =	simm.s32 @!p0 $0x0  }
0x1cf: {  	[smem:$0x7CB] =	sst s7;
	s0 =	ssub.s32 s0, s1  }
0x1d0: {  	s7 =	sld [smem:$0x7E8];
	s0 =	sshll.u32 s0, $0x7  }
0x1d1: {  	s0 =	sand.u32 $0x1FFFFF80, s0  }
0x1d2: {  	s8 =	sld [smem:$0x7E9];
	s0 =	sadd.s32 s31, s0  }
0x1d3: {  	[tilespmem:s7], [sflag:$0x4] =	stream.linear.gather [hbm4b:s0+s29], $0x400, $0x38;
	[tilespmem:$0x10700] =	vst v63  }
0x1d4: {  	s0 =	sadd.s32 $0xF4280, s0  }
0x1d5: {  	[tilespmem:s8], [sflag:$0x4] =	stream.linear.gather [hbm4b:s0+s29], $0x400, $0x38;
	[tilespmem:$0x10700] =	vst v63  }
0x1d6: {  	[smem:$0x7CD] =	sst s30;
	s30 =	spop (v2sf)  }
0x1d7: {  	(v2sf) =	vpush v24, $0xC;
	s13 =	sshra.s32 s30, $0x1F  }
0x1d8: {  	s0 =	sshrl.u32 s13, $0x19  }
0x1d9: {  	s0 =	sadd.s32 s0, s30  }
0x1da: {  	[smem:$0x7CC] =	sst s14;
	s14 =	sand.u32 $0xFFFFFF80, s0  }
0x1db: {  	p3 =	slt.s32 s30, $0x1;
	p4 =	sne.s32 s30, s14  }
0x1dc: {  	p0 =	por !p3, !p4  }
0x1dd: {  	s1 =	simm.s32 $0x1;
	p0 =	por !p0, !p0  }
0x1de: {  	s0 =	sshrl.u32 s0, $0x7;
	s1 =	simm.s32 @!p0 $0x0  }
0x1df: {  	s0 =	ssub.s32 s0, s1  }
0x1e0: {  	s22 =	sld [smem:$0x7EA];
	s0 =	sshll.u32 s0, $0x7  }
0x1e1: {  	s0 =	sand.u32 $0x1FFFFF80, s0  }
0x1e2: {  	s24 =	sld [smem:$0x7EB];
	s0 =	sadd.s32 s3, s0  }
0x1e3: {  	[tilespmem:s22], [sflag:$0x2] =	stream.linear.gather [hbm4b:s0+s29], $0x400, $0x38;
	[tilespmem:$0x10700] =	vst v63  }
0x1e4: {  	s0 =	sadd.s32 $0xF4280, s0  }
0x1e5: {  	[tilespmem:s24], [sflag:$0x2] =	stream.linear.gather [hbm4b:s0+s29], $0x400, $0x38;
	[tilespmem:$0x10700] =	vst v63  }
0x1e6: {  	s13 =	spop (v2sf)  }
0x1e7: {  	(v2sf) =	vpush v25, $0xD;
	s2 =	sshra.s32 s13, $0x1F  }
0x1e8: {  	s0 =	sshrl.u32 s2, $0x19  }
0x1e9: {  	s0 =	sadd.s32 s0, s13  }
0x1ea: {  	s4 =	sand.u32 $0xFFFFFF80, s0  }
0x1eb: {  	p5 =	slt.s32 s13, $0x1;
	p6 =	sne.s32 s13, s4  }
0x1ec: {  	p0 =	por !p5, !p6  }
0x1ed: {  	s1 =	simm.s32 $0x1;
	p0 =	por !p0, !p0  }
0x1ee: {  	s0 =	sshrl.u32 s0, $0x7;
	s1 =	simm.s32 @!p0 $0x0  }
0x1ef: {  	s0 =	ssub.s32 s0, s1  }
0x1f0: {  	s5 =	sld [smem:$0x7EC];
	s0 =	sshll.u32 s0, $0x7  }
0x1f1: {  	[smem:$0x7CE] =	sst s6;
	s0 =	sand.u32 $0x1FFFFF80, s0  }
0x1f2: {  	s6 =	sld [smem:$0x7ED];
	s0 =	sadd.s32 s31, s0  }
0x1f3: {  	[tilespmem:s5], [sflag:$0x4] =	stream.linear.gather [hbm4b:s0+s29], $0x400, $0x38;
	[tilespmem:$0x10700] =	vst v63  }
0x1f4: {  	s0 =	sadd.s32 $0xF4280, s0  }
0x1f5: {  	[tilespmem:s6], [sflag:$0x4] =	stream.linear.gather [hbm4b:s0+s29], $0x400, $0x38;
	[tilespmem:$0x10700] =	vst v63  }
0x1f6: {  	s22 =	spop (v2sf)  }
0x1f7: {  	(v2sf) =	vpush v24, $0xD;
	s7 =	sshra.s32 s22, $0x1F  }
0x1f8: {  	s0 =	sshrl.u32 s7, $0x19  }
0x1f9: {  	s0 =	sadd.s32 s0, s22  }
0x1fa: {  	s8 =	sand.u32 $0xFFFFFF80, s0  }
0x1fb: {  	p1 =	slt.s32 s22, $0x1;
	p2 =	sne.s32 s22, s8  }
0x1fc: {  	p0 =	por !p1, !p2  }
0x1fd: {  	s1 =	simm.s32 $0x1;
	p0 =	por !p0, !p0  }
0x1fe: {  	s0 =	sshrl.u32 s0, $0x7;
	s1 =	simm.s32 @!p0 $0x0  }
0x1ff: {  	[smem:$0x7CF] =	sst s14;
	s0 =	ssub.s32 s0, s1  }
0x200: {  	s14 =	sld [smem:$0x7EE];
	s0 =	sshll.u32 s0, $0x7  }
0x201: {  	s0 =	sand.u32 $0x1FFFFF80, s0  }
0x202: {  	s24 =	sld [smem:$0x7EF];
	s0 =	sadd.s32 s3, s0  }
0x203: {  	[tilespmem:s14], [sflag:$0x2] =	stream.linear.gather [hbm4b:s0+s29], $0x400, $0x38;
	[tilespmem:$0x10700] =	vst v63  }
0x204: {  	s0 =	sadd.s32 $0xF4280, s0  }
0x205: {  	[tilespmem:s24], [sflag:$0x2] =	stream.linear.gather [hbm4b:s0+s29], $0x400, $0x38;
	[tilespmem:$0x10700] =	vst v63  }
0x206: {  	[smem:$0x7D1] =	sst s8;
	s8 =	spop (v2sf)  }
0x207: {  	[smem:$0x7D0] =	sst s4;
	(v2sf) =	vpush v25, $0xE;
	s4 =	sshra.s32 s8, $0x1F  }
0x208: {  	s0 =	sshrl.u32 s4, $0x19  }
0x209: {  	s0 =	sadd.s32 s0, s8  }
0x20a: {  	s5 =	sand.u32 $0xFFFFFF80, s0  }
0x20b: {  	p3 =	slt.s32 s8, $0x1;
	p4 =	sne.s32 s8, s5  }
0x20c: {  	p0 =	por !p3, !p4  }
0x20d: {  	s1 =	simm.s32 $0x1;
	p0 =	por !p0, !p0  }
0x20e: {  	s0 =	sshrl.u32 s0, $0x7;
	s1 =	simm.s32 @!p0 $0x0  }
0x20f: {  	s0 =	ssub.s32 s0, s1  }
0x210: {  	s6 =	sld [smem:$0x7F1];
	s0 =	sshll.u32 s0, $0x7  }
0x211: {  	s0 =	sand.u32 $0x1FFFFF80, s0  }
0x212: {  	s7 =	sld [smem:$0x7F3];
	s0 =	sadd.s32 s31, s0  }
0x213: {  	[tilespmem:s6], [sflag:$0x4] =	stream.linear.gather [hbm4b:s0+s29], $0x400, $0x38;
	[tilespmem:$0x10700] =	vst v63  }
0x214: {  	s0 =	sadd.s32 $0xF4280, s0  }
0x215: {  	[tilespmem:s7], [sflag:$0x4] =	stream.linear.gather [hbm4b:s0+s29], $0x400, $0x38;
	[tilespmem:$0x10700] =	vst v63  }
0x216: {  	s7 =	spop (v2sf)  }
0x217: {  	(v2sf) =	vpush v24, $0xE;
	s14 =	sshra.s32 s7, $0x1F  }
0x218: {  	s0 =	sshrl.u32 s14, $0x19  }
0x219: {  	s0 =	sadd.s32 s0, s7  }
0x21a: {  	s24 =	sand.u32 $0xFFFFFF80, s0  }
0x21b: {  	p5 =	slt.s32 s7, $0x1;
	p6 =	sne.s32 s7, s24  }
0x21c: {  	p0 =	por !p5, !p6  }
0x21d: {  	s1 =	simm.s32 $0x1;
	p0 =	por !p0, !p0  }
0x21e: {  	s0 =	sshrl.u32 s0, $0x7;
	s1 =	simm.s32 @!p0 $0x0  }
0x21f: {  	s0 =	ssub.s32 s0, s1  }
0x220: {  	s2 =	sld [smem:$0x7F5];
	s0 =	sshll.u32 s0, $0x7  }
0x221: {  	s0 =	sand.u32 $0x1FFFFF80, s0  }
0x222: {  	s4 =	sld [smem:$0x7F7];
	s0 =	sadd.s32 s3, s0  }
0x223: {  	[tilespmem:s2], [sflag:$0x2] =	stream.linear.gather [hbm4b:s0+s29], $0x400, $0x38;
	[tilespmem:$0x10700] =	vst v63  }
0x224: {  	s0 =	sadd.s32 $0xF4280, s0  }
0x225: {  	[tilespmem:s4], [sflag:$0x2] =	stream.linear.gather [hbm4b:s0+s29], $0x400, $0x38;
	[tilespmem:$0x10700] =	vst v63  }
0x226: {  	s6 =	spop (v2sf)  }
0x227: {  	[smem:$0x7D2] =	sst s5;
	(v2sf) =	vpush v25, $0xF;
	s5 =	sshra.s32 s6, $0x1F  }
0x228: {  	s0 =	sshrl.u32 s5, $0x19  }
0x229: {  	s0 =	sadd.s32 s0, s6  }
0x22a: {  	s14 =	sand.u32 $0xFFFFFF80, s0  }
0x22b: {  	p1 =	slt.s32 s6, $0x1;
	p2 =	sne.s32 s6, s14  }
0x22c: {  	p0 =	por !p1, !p2  }
0x22d: {  	s1 =	simm.s32 $0x1;
	p0 =	por !p0, !p0  }
0x22e: {  	s0 =	sshrl.u32 s0, $0x7;
	s1 =	simm.s32 @!p0 $0x0  }
0x22f: {  	[smem:$0x7D3] =	sst s24;
	s0 =	ssub.s32 s0, s1  }
0x230: {  	s24 =	sld [smem:$0x7F8];
	s0 =	sshll.u32 s0, $0x7  }
0x231: {  	[smem:$0x7D4] =	sst s14;
	s0 =	sand.u32 $0x1FFFFF80, s0  }
0x232: {  	s14 =	sld [smem:$0x7F9];
	s0 =	sadd.s32 s31, s0  }
0x233: {  	[tilespmem:s24], [sflag:$0x4] =	stream.linear.gather [hbm4b:s0+s29], $0x400, $0x38;
	[tilespmem:$0x10700] =	vst v63  }
0x234: {  	s0 =	sadd.s32 $0xF4280, s0  }
0x235: {  	[tilespmem:s14], [sflag:$0x4] =	stream.linear.gather [hbm4b:s0+s29], $0x400, $0x38;
	[tilespmem:$0x10700] =	vst v63  }
0x236: {  	s5 =	spop (v2sf)  }
0x237: {  	(v2sf) =	vpush v24, $0xF;
	s1 =	sshra.s32 s5, $0x1F  }
0x238: {  	s0 =	sshrl.u32 s1, $0x19  }
0x239: {  	s0 =	sadd.s32 s0, s5  }
0x23a: {  	s24 =	sand.u32 $0xFFFFFF80, s0  }
0x23b: {  	p3 =	slt.s32 s5, $0x1;
	p4 =	sne.s32 s5, s24  }
0x23c: {  	p0 =	por !p3, !p4  }
0x23d: {  	s14 =	simm.s32 $0x1;
	p0 =	por !p0, !p0  }
0x23e: {  	s0 =	sshrl.u32 s0, $0x7;
	s14 =	simm.s32 @!p0 $0x0  }
0x23f: {  	s0 =	ssub.s32 s0, s14  }
0x240: {  	s2 =	sld [smem:$0x7FA];
	s0 =	sshll.u32 s0, $0x7  }
0x241: {  	s0 =	sand.u32 $0x1FFFFF80, s0  }
0x242: {  	s4 =	sld [smem:$0x7FB];
	s0 =	sadd.s32 s3, s0  }
0x243: {  	[tilespmem:s2], [sflag:$0x2] =	stream.linear.gather [hbm4b:s0+s29], $0x400, $0x38;
	[tilespmem:$0x10700] =	vst v63  }
0x244: {  	s0 =	sadd.s32 $0xF4280, s0  }
0x245: {  	[tilespmem:s4], [sflag:$0x2] =	stream.linear.gather [hbm4b:s0+s29], $0x400, $0x38;
	[tilespmem:$0x10700] =	vst v63  }
0x246: {  	s4 =	spop (v2sf)  }
0x247: {  	s0 =	sshra.s32 s4, $0x1F  }
0x248: {  	s1 =	sshrl.u32 s0, $0x19  }
0x249: {  	s1 =	sadd.s32 s1, s4  }
0x24a: {  	s14 =	sand.u32 $0xFFFFFF80, s1  }
0x24b: {  	p5 =	slt.s32 s4, $0x1;
	p6 =	sne.s32 s4, s14  }
0x24c: {  	p0 =	por !p5, !p6  }
0x24d: {  	s0 =	simm.s32 $0x1;
	p0 =	por !p0, !p0  }
0x24e: {  	s1 =	sshrl.u32 s1, $0x7;
	s0 =	simm.s32 @!p0 $0x0  }
0x24f: {  	s0 =	ssub.s32 s1, s0  }
0x250: {  	s1 =	sld [smem:$0x7FC];
	s0 =	sshll.u32 s0, $0x7  }
0x251: {  	s2 =	smov.u32 s31;
	s0 =	sand.u32 $0x1FFFFF80, s0  }
0x252: {  	s0 =	sadd.s32 s31, s0;
	s31 =	smov.u32 s3;
	s3 =	sld [smem:$0x7FD]  }
0x253: {  	[tilespmem:s1], [sflag:$0x4] =	stream.linear.gather [hbm4b:s0+s29], $0x400, $0x38;
	[tilespmem:$0x10700] =	vst v63  }
0x254: {  	s0 =	sadd.s32 $0xF4280, s0;
	s1 =	simm.s32 $0x1  }
0x255: {  	[tilespmem:s3], [sflag:$0x4] =	stream.linear.gather [hbm4b:s0+s29], $0x400, $0x38;
	[tilespmem:$0x10700] =	vst v63  }
0x256: {  	_ =	swait.ge [sflag:s1], $0x4000  }
0x257: {  	s3 =	smov.u32 s31;
	s31 =	smov.u32 s2;
	s2 =	sld [smem:$0x7B0]  }
0x258: {  	_ =	sdelay $0x1  }
0x259: {  	[sflag:s1] =	ssyncset.done $0x0;
	s0 =	sand.u32 $0x7F, s2;
	s2 =	sld [smem:$0x7B1]  }
0x25a: {  	[sflag:s1] =	ssyncadd.s32 $0xFFFFC000;
	s1 =	simm.s32 $0x3  }
0x25b: {  	_ =	swait.ge [sflag:s1], $0x4000  }
0x25c: {  	v49 =	vor.u32 s0, v0;
	s0 =	sand.u32 $0x7F, s2;
	s2 =	sld [smem:$0x7B3]  }
0x25d: {  	v50 =	vor.u32 s0, v0;
	s0 =	sld [smem:$0x7B2]  }
0x25e: {  	[sflag:s1] =	ssyncset.done $0x0  }
0x25f: {  	[sflag:s1] =	ssyncadd.s32 $0xFFFFC000;
	s1 =	sld [smem:$0x7B4]  }
0x260: {  	s0 =	ssub.s32 s2, s0;
	s2 =	sld [smem:$0x7B5];
	_ =	sdelay $0x2  }
0x261: {  	s1 =	ssub.s32 s2, s1;
	s2 =	simm.s32 $0x400  }
0x262: {  	v26 =	vmov s0;
	v24 =	vld.idx.msk [tilespmem:v49+s2+$0x0], $0xffff;
	v27 =	vmov s1;
	s2 =	simm.s32 $0x8400;
	s1 =	sld [smem:$0x7B6]  }
0x263: {  	v26 =	vand.u32 $0x7F, v26;
	v25 =	vld.idx.msk [tilespmem:v50+s2+$0x0], $0xffff;
	s2 =	sld [smem:$0x7B7]  }
0x264: {  	v26 =	vbroadcast v26, $0x0;
	v27 =	vand.u32 $0x7F, v27  }
0x265: {  	v27 =	vbroadcast v27, $0x0  }
0x266: {  	v26 =	vor.u32 v1, v26;
	s0 =	ssub.s32 s2, s1;
	s1 =	sld [smem:$0x7B8]  }
0x267: {  	v27 =	vor.u32 v1, v27;
	s2 =	sld [smem:$0x7B9]  }
0x268: {  	v24 =	vmul.f32 v25, v24;
	_ =	sdelay $0x1  }
0x269: {  	s1 =	ssub.s32 s2, s1;
	s2 =	simm.s32 $0x400;
	[tilespmem:$0x10400] =	vst v24  }
0x26a: {  	v51 =	vmov s0;
	v53 =	vmov s1;
	s1 =	sld [smem:$0x7BA];
	v52 =	vld.idx.msk [tilespmem:v26+s2+$0x0], $0xffff;
	s2 =	simm.s32 $0x8400  }
0x26b: {  	v24 =	vand.u32 $0x7F, v51;
	v27 =	vld.idx.msk [tilespmem:v27+s2+$0x0], $0xffff;
	s2 =	sld [smem:$0x7BB]  }
0x26c: {  	v24 =	vbroadcast v24, $0x0;
	v26 =	vand.u32 $0x7F, v53  }
0x26d: {  	v26 =	vbroadcast v26, $0x0  }
0x26e: {  	v24 =	vor.u32 v2, v24;
	s0 =	ssub.s32 s2, s1;
	s1 =	sld [smem:$0x7BC]  }
0x26f: {  	v26 =	vor.u32 v2, v26;
	s2 =	sld [smem:$0x7BD]  }
0x270: {  	v25 =	vmul.f32 v27, v52;
	_ =	sdelay $0x1  }
0x271: {  	s1 =	ssub.s32 s2, s1;
	s2 =	simm.s32 $0x400;
	[tilespmem:$0x10410] =	vst v25  }
0x272: {  	v54 =	vmov s0;
	v55 =	vmov s1;
	s1 =	sld [smem:$0x7BE];
	v24 =	vld.idx.msk [tilespmem:v24+s2+$0x0], $0xffff;
	s2 =	simm.s32 $0x8400  }
0x273: {  	v25 =	vand.u32 $0x7F, v54;
	v26 =	vld.idx.msk [tilespmem:v26+s2+$0x0], $0xffff;
	s2 =	sld [smem:$0x7BF]  }
0x274: {  	v25 =	vbroadcast v25, $0x0;
	v27 =	vand.u32 $0x7F, v55  }
0x275: {  	v27 =	vbroadcast v27, $0x0  }
0x276: {  	v25 =	vor.u32 v3, v25;
	s0 =	ssub.s32 s2, s1;
	s1 =	sld [smem:$0x7C0]  }
0x277: {  	v27 =	vor.u32 v3, v27;
	s2 =	sld [smem:$0x7C1]  }
0x278: {  	v24 =	vmul.f32 v26, v24;
	_ =	sdelay $0x1  }
0x279: {  	s1 =	ssub.s32 s2, s1;
	s2 =	simm.s32 $0x400;
	[tilespmem:$0x10420] =	vst v24  }
0x27a: {  	v56 =	vmov s0;
	v25 =	vld.idx.msk [tilespmem:v25+s2+$0x0], $0xffff;
	s2 =	simm.s32 $0x8400  }
0x27b: {  	v57 =	vmov s1;
	v24 =	vand.u32 $0x7F, v56;
	s1 =	sld [smem:$0x7C2];
	v27 =	vld.idx.msk [tilespmem:v27+s2+$0x0], $0xffff  }
0x27c: {  	v24 =	vbroadcast v24, $0x0;
	v26 =	vand.u32 $0x7F, v57;
	s2 =	sld [smem:$0x7C3]  }
0x27d: {  	v26 =	vbroadcast v26, $0x0  }
0x27e: {  	v24 =	vor.u32 v4, v24  }
0x27f: {  	v26 =	vor.u32 v4, v26;
	s0 =	ssub.s32 s2, s1;
	s2 =	sld [smem:$0x7C4]  }
0x280: {  	v25 =	vmul.f32 v27, v25;
	_ =	sdelay $0x1  }
0x281: {  	s1 =	ssub.s32 s26, s2;
	s26 =	simm.s32 $0x400;
	[tilespmem:$0x10430] =	vst v25  }
0x282: {  	v58 =	vmov s0;
	v59 =	vmov s1;
	s1 =	simm.s32 $0x8400;
	v24 =	vld.idx.msk [tilespmem:v24+s26+$0x0], $0xffff  }
0x283: {  	v25 =	vand.u32 $0x7F, v58;
	v26 =	vld.idx.msk [tilespmem:v26+s1+$0x0], $0xffff  }
0x284: {  	s2 =	sld [smem:$0x7C5];
	v25 =	vbroadcast v25, $0x0;
	v27 =	vand.u32 $0x7F, v59  }
0x285: {  	v27 =	vbroadcast v27, $0x0  }
0x286: {  	v25 =	vor.u32 v6, v25  }
0x287: {  	s0 =	ssub.s32 s25, s2;
	s25 =	sld [smem:$0x7C6];
	v27 =	vor.u32 v6, v27  }
0x288: {  	v24 =	vmul.f32 v26, v24;
	_ =	sdelay $0x1  }
0x289: {  	s26 =	simm.s32 $0x400;
	s1 =	ssub.s32 s23, s25;
	[tilespmem:$0x10440] =	vst v24  }
0x28a: {  	v60 =	vmov s0;
	v61 =	vmov s1;
	s1 =	simm.s32 $0x8400;
	v25 =	vld.idx.msk [tilespmem:v25+s26+$0x0], $0xffff  }
0x28b: {  	v24 =	vand.u32 $0x7F, v60;
	v27 =	vld.idx.msk [tilespmem:v27+s1+$0x0], $0xffff  }
0x28c: {  	v26 =	vand.u32 $0x7F, v61;
	v24 =	vbroadcast v24, $0x0  }
0x28d: {  	v26 =	vbroadcast v26, $0x0  }
0x28e: {  	s23 =	sld [smem:$0x7C7];
	v24 =	vor.u32 v7, v24  }
0x28f: {  	s25 =	sld [smem:$0x7C8];
	v26 =	vor.u32 v7, v26  }
0x290: {  	v25 =	vmul.f32 v27, v25;
	_ =	sdelay $0x1  }
0x291: {  	s0 =	ssub.s32 s18, s23;
	s1 =	ssub.s32 s17, s25;
	s17 =	simm.s32 $0x400;
	[tilespmem:$0x10450] =	vst v25  }
0x292: {  	s18 =	simm.s32 $0x8400;
	v62 =	vmov s0;
	v24 =	vld.idx.msk [tilespmem:v24+s17+$0x0], $0xffff  }
0x293: {  	v63 =	vmov s1;
	v25 =	vand.u32 $0x7F, v62;
	v26 =	vld.idx.msk [tilespmem:v26+s18+$0x0], $0xffff  }
0x294: {  	v27 =	vand.u32 $0x7F, v63;
	v25 =	vbroadcast v25, $0x0  }
0x295: {  	v27 =	vbroadcast v27, $0x0  }
0x296: {  	v25 =	vor.u32 v8, v25  }
0x297: {  	v27 =	vor.u32 v8, v27  }
0x298: {  	v24 =	vmul.f32 v26, v24;
	_ =	sdelay $0x1  }
0x299: {  	[tilespmem:$0x10460] =	vst v24  }
0x29a: {  	v24 =	vld.idx.msk [tilespmem:v25+s17+$0x0], $0xffff  }
0x29b: {  	v30 =	vld.idx.msk [tilespmem:v27+s18+$0x0], $0xffff;
	_ =	sdelay $0x4  }
0x29c: {  	v24 =	vmul.f32 v30, v24;
	_ =	sdelay $0x1  }
0x29d: {  	s2 =	simm.s32 $0x2;
	[tilespmem:$0x10470] =	vst v24  }
0x29e: {  	_ =	swait.ge [sflag:s2], $0x4000  }
0x29f: {  	s26 =	sand.u32 $0x7F, s21;
	[sflag:s2] =	ssyncset.done $0x0  }
0x2a0: {  	s1 =	sand.u32 $0x7F, s20;
	s20 =	simm.s32 $0x4;
	[sflag:s2] =	ssyncadd.s32 $0xFFFFC000  }
0x2a1: {  	v31 =	vor.u32 s26, v0;
	_ =	swait.ge [sflag:s20], $0x4000  }
0x2a2: {  	v32 =	vor.u32 s1, v0;
	s21 =	sld [smem:$0x7C9]  }
0x2a3: {  	s23 =	sld [smem:$0x7CA]  }
0x2a4: {  	[sflag:s20] =	ssyncset.done $0x0  }
0x2a5: {  	[sflag:s20] =	ssyncadd.s32 $0xFFFFC000;
	s0 =	ssub.s32 s15, s21  }
0x2a6: {  	v24 =	vld.idx.msk [tilespmem:v31+s10+$0x0], $0xffff;
	s1 =	ssub.s32 s11, s23;
	v33 =	vmov s0  }
0x2a7: {  	v25 =	vld.idx.msk [tilespmem:v32+s16+$0x0], $0xffff;
	v34 =	vmov s1;
	v26 =	vand.u32 $0x7F, v33  }
0x2a8: {  	v27 =	vand.u32 $0x7F, v34;
	v26 =	vbroadcast v26, $0x0  }
0x2a9: {  	v27 =	vbroadcast v27, $0x0  }
0x2aa: {  	v26 =	vor.u32 v1, v26  }
0x2ab: {  	s25 =	sld [smem:$0x7CB];
	v27 =	vor.u32 v1, v27  }
0x2ac: {  	s26 =	sld [smem:$0x7CC];
	v24 =	vmul.f32 v25, v24;
	_ =	sdelay $0x1  }
0x2ad: {  	s0 =	ssub.s32 s12, s25;
	[tilespmem:$0x10480] =	vst v24  }
0x2ae: {  	s1 =	ssub.s32 s28, s26;
	v35 =	vmov s0;
	v36 =	vld.idx.msk [tilespmem:v26+s10+$0x0], $0xffff  }
0x2af: {  	v37 =	vmov s1;
	v24 =	vand.u32 $0x7F, v35;
	v27 =	vld.idx.msk [tilespmem:v27+s16+$0x0], $0xffff  }
0x2b0: {  	v24 =	vbroadcast v24, $0x0;
	v26 =	vand.u32 $0x7F, v37  }
0x2b1: {  	v26 =	vbroadcast v26, $0x0  }
0x2b2: {  	v24 =	vor.u32 v2, v24  }
0x2b3: {  	s2 =	sld [smem:$0x7CD];
	v26 =	vor.u32 v2, v26  }
0x2b4: {  	s11 =	sld [smem:$0x7CE];
	v25 =	vmul.f32 v27, v36;
	_ =	sdelay $0x1  }
0x2b5: {  	s0 =	ssub.s32 s9, s2;
	[tilespmem:$0x10490] =	vst v25  }
0x2b6: {  	s1 =	ssub.s32 s19, s11;
	v38 =	vmov s0;
	v24 =	vld.idx.msk [tilespmem:v24+s10+$0x0], $0xffff  }
0x2b7: {  	v39 =	vmov s1;
	v25 =	vand.u32 $0x7F, v38;
	v26 =	vld.idx.msk [tilespmem:v26+s16+$0x0], $0xffff  }
0x2b8: {  	v27 =	vand.u32 $0x7F, v39;
	v25 =	vbroadcast v25, $0x0  }
0x2b9: {  	v27 =	vbroadcast v27, $0x0  }
0x2ba: {  	v25 =	vor.u32 v3, v25  }
0x2bb: {  	s12 =	sld [smem:$0x7CF];
	v27 =	vor.u32 v3, v27  }
0x2bc: {  	s15 =	sld [smem:$0x7D0];
	v24 =	vmul.f32 v26, v24;
	_ =	sdelay $0x1  }
0x2bd: {  	s0 =	ssub.s32 s30, s12;
	[tilespmem:$0x104A0] =	vst v24  }
0x2be: {  	s1 =	ssub.s32 s13, s15;
	v40 =	vmov s0;
	v25 =	vld.idx.msk [tilespmem:v25+s10+$0x0], $0xffff  }
0x2bf: {  	v41 =	vmov s1;
	v24 =	vand.u32 $0x7F, v40;
	v27 =	vld.idx.msk [tilespmem:v27+s16+$0x0], $0xffff  }
0x2c0: {  	v26 =	vand.u32 $0x7F, v41;
	v24 =	vbroadcast v24, $0x0  }
0x2c1: {  	v26 =	vbroadcast v26, $0x0  }
0x2c2: {  	v24 =	vor.u32 v4, v24  }
0x2c3: {  	s19 =	sld [smem:$0x7D1];
	v26 =	vor.u32 v4, v26  }
0x2c4: {  	s20 =	sld [smem:$0x7D2];
	v25 =	vmul.f32 v27, v25;
	_ =	sdelay $0x1  }
0x2c5: {  	s0 =	ssub.s32 s22, s19;
	[tilespmem:$0x104B0] =	vst v25  }
0x2c6: {  	s1 =	ssub.s32 s8, s20;
	v42 =	vmov s0;
	v24 =	vld.idx.msk [tilespmem:v24+s10+$0x0], $0xffff  }
0x2c7: {  	v43 =	vmov s1;
	v25 =	vand.u32 $0x7F, v42;
	v26 =	vld.idx.msk [tilespmem:v26+s16+$0x0], $0xffff  }
0x2c8: {  	v27 =	vand.u32 $0x7F, v43;
	v25 =	vbroadcast v25, $0x0  }
0x2c9: {  	v27 =	vbroadcast v27, $0x0  }
0x2ca: {  	v25 =	vor.u32 v6, v25  }
0x2cb: {  	s21 =	sld [smem:$0x7D3];
	v27 =	vor.u32 v6, v27  }
0x2cc: {  	s22 =	sld [smem:$0x7D4];
	v24 =	vmul.f32 v26, v24;
	_ =	sdelay $0x1  }
0x2cd: {  	s0 =	ssub.s32 s7, s21;
	[tilespmem:$0x104C0] =	vst v24  }
0x2ce: {  	v44 =	vmov s0;
	s1 =	ssub.s32 s6, s22;
	v25 =	vld.idx.msk [tilespmem:v25+s10+$0x0], $0xffff  }
0x2cf: {  	v45 =	vmov s1;
	v24 =	vand.u32 $0x7F, v44;
	v27 =	vld.idx.msk [tilespmem:v27+s16+$0x0], $0xffff  }
0x2d0: {  	v26 =	vand.u32 $0x7F, v45;
	v24 =	vbroadcast v24, $0x0  }
0x2d1: {  	v26 =	vbroadcast v26, $0x0  }
0x2d2: {  	v24 =	vor.u32 v7, v24  }
0x2d3: {  	v26 =	vor.u32 v7, v26  }
0x2d4: {  	v25 =	vmul.f32 v27, v25;
	_ =	sdelay $0x1  }
0x2d5: {  	s25 =	ssub.s32 s5, s24;
	s26 =	ssub.s32 s4, s14;
	s4 =	simm.s32 $0x4400;
	[tilespmem:$0x104D0] =	vst v25  }
0x2d6: {  	s5 =	simm.s32 $0xC400;
	v46 =	vmov s25;
	v24 =	vld.idx.msk [tilespmem:v24+s4+$0x0], $0xffff  }
0x2d7: {  	v47 =	vmov s26;
	v25 =	vand.u32 $0x7F, v46;
	v26 =	vld.idx.msk [tilespmem:v26+s5+$0x0], $0xffff  }
0x2d8: {  	v27 =	vand.u32 $0x7F, v47;
	v25 =	vbroadcast v25, $0x0  }
0x2d9: {  	v27 =	vbroadcast v27, $0x0  }
0x2da: {  	v25 =	vor.u32 v8, v25  }
0x2db: {  	v27 =	vor.u32 v8, v27  }
0x2dc: {  	v24 =	vmul.f32 v26, v24;
	_ =	sdelay $0x1  }
0x2dd: {  	[tilespmem:$0x104E0] =	vst v24  }
0x2de: {  	v24 =	vld.idx.msk [tilespmem:v25+s4+$0x0], $0xffff  }
0x2df: {  	v48 =	vld.idx.msk [tilespmem:v27+s5+$0x0], $0xffff;
	_ =	sdelay $0x4  }
0x2e0: {  	v24 =	vmul.f32 v48, v24;
	_ =	sdelay $0x1  }
0x2e1: {  	s23 =	simm.s32 $0x10400;
	[tilespmem:$0x104F0] =	vst v24  }
0x2e2: {  	v24 =	vld.idx.msk [tilespmem:v5+s23+$0x0], $0xffff  }
0x2e3: {  	v49 =	vld.idx.msk [tilespmem:v9+s23+$0x0], $0xffff;
	_ =	sdelay $0x1  }
0x2e4: {  	v50 =	vld.idx.msk [tilespmem:v10+s23+$0x0], $0xffff;
	_ =	sdelay $0x1  }
0x2e5: {  	v51 =	vld.idx.msk [tilespmem:v11+s23+$0x0], $0xffff  }
0x2e6: {  	v24 =	vadd.f32 v49, v24  }
0x2e7: {  	v52 =	vld.idx.msk [tilespmem:v12+s23+$0x0], $0xffff  }
0x2e8: {  	v24 =	vadd.f32 v50, v24  }
0x2e9: {  	v53 =	vld.idx.msk [tilespmem:v13+s23+$0x0], $0xffff  }
0x2ea: {  	v24 =	vadd.f32 v51, v24  }
0x2eb: {  	v54 =	vld.idx.msk [tilespmem:v14+s23+$0x0], $0xffff  }
0x2ec: {  	v24 =	vadd.f32 v52, v24  }
0x2ed: {  	v55 =	vld.idx.msk [tilespmem:v15+s23+$0x0], $0xffff  }
0x2ee: {  	v24 =	vadd.f32 v53, v24  }
0x2ef: {  	v56 =	vld.idx.msk [tilespmem:v16+s23+$0x0], $0xffff  }
0x2f0: {  	v24 =	vadd.f32 v54, v24  }
0x2f1: {  	v57 =	vld.idx.msk [tilespmem:v17+s23+$0x0], $0xffff  }
0x2f2: {  	v24 =	vadd.f32 v55, v24  }
0x2f3: {  	v58 =	vld.idx.msk [tilespmem:v18+s23+$0x0], $0xffff  }
0x2f4: {  	v24 =	vadd.f32 v56, v24  }
0x2f5: {  	v59 =	vld.idx.msk [tilespmem:v19+s23+$0x0], $0xffff  }
0x2f6: {  	v24 =	vadd.f32 v57, v24  }
0x2f7: {  	v60 =	vld.idx.msk [tilespmem:v20+s23+$0x0], $0xffff  }
0x2f8: {  	v24 =	vadd.f32 v58, v24  }
0x2f9: {  	v61 =	vld.idx.msk [tilespmem:v21+s23+$0x0], $0xffff  }
0x2fa: {  	v24 =	vadd.f32 v59, v24  }
0x2fb: {  	v62 =	vld.idx.msk [tilespmem:v22+s23+$0x0], $0xffff  }
0x2fc: {  	s28 =	sld [smem:$0x7D5];
	v24 =	vadd.f32 v60, v24  }
0x2fd: {  	v63 =	vld.idx.msk [tilespmem:v23+s23+$0x0], $0xffff  }
0x2fe: {  	v24 =	vadd.f32 v61, v24  }
0x2ff: {  	p0 =	sne.s32 s28, $0x7C0  }
.Ltmp0:
0x300: {  	v24 =	vadd.f32 v62, v24;
	(pc) =	sbr.rel @p0 .LBB2_2-.Ltmp0, $3  }
0x301: {  	s30 =	sld [smem:$0x7D6]  }
0x302: {  	v24 =	vadd.f32 v63, v24;
	_ =	sdelay $0x1  }
0x303: {  	s0 =	sadd.s32 $0x40, s28;
	[tilespmem:s30+$0x10500] =	vst v24  }
0x304: {  	s0 =	sld [smem:$0x7F4];
	_ =	sdelay $0x1  }
0x305: {  	s1 =	simm.s32 $0x10500  }
0x306: {  	[hbm4b:s0+s29] =	stream.linear.scatter [tilespmem:s1], [sflag:$0x5], $0x200, $0x38;
	[tilespmem:$0x10700] =	vst v63  }
0x307: {  	s1 =	simm.s32 $0x5  }
0x308: {  	_ =	swait.ge [sflag:s1], $0x200  }
0x309: {  	s2 =	sld [smem:$0x7D7]  }
0x30a: {  	s30 =	sld [smem:$0x7F6];
	_ =	sdelay $0x1  }
0x30b: {  	s2 =	sadd.s32 $0x1, s2  }
0x30c: {  	p0 =	sne.s32 s2, s30  }
.Ltmp1:
0x30d: {  	_ = 	snop;
	(pc) =	sbr.rel @p0 .LBB2_1-.Ltmp1, $3  }
0x30e: {  	_ =	sdelay $0x1  }
0x30f: {  	[sflag:s1] =	ssyncset.done $0x0  }
0x310: {  	[sflag:s1] =	ssyncadd.s32 $0xFFFFFE00  }
0x311: {  	_ =	sfence.sel $0x180000  }
0x312: {  	[bflag:$0x0] =	sbarrier.arrive $0xFFFF  }
0x313: {  	_ =	strace $0x90000047  }
0x314: {  	s0 =	stileid.u32;
	[bflag:$0x2] =	sbarrier.arrive $0xFFFF  }
0x315: {  	p0 =	sne.s32 s0, $0x0;
	s0 =	rddreg [dreg:$0x5]  }
0x316: {  	s0 =	sadd.s32 @!p0 $0x100000, s0  }
0x317: {  	[sflag:s0] =	ssyncadd.tile.s32 @!p0 $0x1;
	_ =	shalt  }
.Lfunc_end2:
_tile_overlayer_lowered:
.L_overlay_start_2:
0x318: {  	(tag) =	ssettag $0x2  }
0x319: {  	s0 =	rddreg [dreg:$0x0];
	s2 =	stileid.u32  }
0x31a: {  	s1 =	rddreg [dreg:$0x1];
	p0 =	sne.s32 s2, $0x0  }
0x31b: {  	s3 =	rddreg [dreg:$0x2];
	[bflag:$0x3] =	sbarrier.arrive $0xFFFF;
	s2 =	simm.s32 @!p0 $0x1C05  }
0x31c: {  	[timem:s3], [sflag:s2] =	dma.local @!p0 [hbm:s0], s1  }
0x31d: {  	s0 =	simm.s32 @!p0 $0x5  }
0x31e: {  	_ =	swait.ge @!p0 [sflag:s0], s1  }
0x31f: {  	s1 =	ssub.s32 @!p0 $0x0, s1;
	[sflag:s0] =	ssyncset.done @!p0 $0x0  }
0x320: {  	[sflag:s0] =	ssyncadd.s32 @!p0 s1  }
0x321: {  	[bflag:$0x3] =	sbarrier.arrive $0xFFFF  }
0x322: {  	_ =	shalt  }

</sc_bundles>
